<compile_context>
chip_gen: v7x
topology: tpu7x:2x2x1
jax: 0.10.2.dev20260603
libtpu: 0.0.44.dev20260713+nightly
codegen_flags: <defaults>
</compile_context>

<pallas_src>
import jax
import jax.numpy as jnp
from jax import lax
from jax.experimental import pallas as pl
from jax.experimental.pallas import tpu as pltpu
from jax.experimental.pallas import tpu_sc as plsc

_FIELDS = [f"f{i}" for i in range(26)]
_VOCAB = 100000
_DIM = 32
_BATCH = 16384
_NF = len(_FIELDS)

_NC = 2
_NS = 16
_NW = _NC * _NS
_BPW = _BATCH // _NW

_NBUF = 6
_LOOKAHEAD = 3


def _body(idx_hbm, *refs):
    tables = refs[:_NF]
    outs = refs[_NF:2 * _NF]
    scratch = refs[2 * _NF:]
    idx_v, rows = scratch[0], scratch[1]
    gsem = scratch[2:2 + _NBUF]
    ssem = scratch[2 + _NBUF:2 + 2 * _NBUF]

    wid = lax.axis_index("s") * _NC + lax.axis_index("c")
    base = wid * _BPW

    pltpu.sync_copy(idx_hbm.at[wid], idx_v)

    def start_gather(f):
        b = f % _NBUF
        return pltpu.async_copy(tables[f].at[idx_v.at[f]], rows.at[b], gsem[b])

    def start_store(f):
        b = f % _NBUF
        return pltpu.async_copy(rows.at[b], outs[f].at[pl.ds(base, _BPW)],
                                ssem[b])

    gh = [None] * _NF
    sh = [None] * _NF
    for f in range(_LOOKAHEAD):
        gh[f] = start_gather(f)
    for f in range(_NF):
        gh[f].wait()
        sh[f] = start_store(f)
        g = f + _LOOKAHEAD
        if g < _NF:
            s = g - _NBUF
            if s >= 0:
                sh[s].wait()
            gh[g] = start_gather(g)
    for f in range(max(0, _NF - _NBUF), _NF):
        sh[f].wait()


@jax.jit
def _lookup(tables_tuple, idx_all):
    mesh = plsc.VectorSubcoreMesh(core_axis_name="c", subcore_axis_name="s")
    fn = pl.kernel(
        _body,
        out_type=[jax.ShapeDtypeStruct((_BATCH, _DIM), jnp.float32)] * _NF,
        mesh=mesh,
        scratch_types=[
            pltpu.VMEM((_NF, _BPW), jnp.int32),
            pltpu.VMEM((_NBUF, _BPW, _DIM), jnp.float32),
        ] + [pltpu.SemaphoreType.DMA] * (2 * _NBUF),
        compiler_params=pltpu.CompilerParams(use_tc_tiling_on_sc=False),
    )
    return fn(idx_all, *tables_tuple)


def kernel(tables, indices):
    idx_all = jnp.stack([indices[name] for name in _FIELDS])
    idx_all = idx_all.reshape(_NF, _NW, _BPW).transpose(1, 0, 2)
    outs = _lookup(tuple(tables[name] for name in _FIELDS), idx_all)
    return tuple(outs)

# --- scband reference (transcript-rebuilt; emitter-appended) ---
"""Pipeline reference for scband-tfembedding-76828374991716 (READ-ONLY COPY).

The authoritative reference and input builder live on the scoring server;
editing this copy changes nothing except your own understanding.
"""

import jax, jax.numpy as jnp
import numpy as np

FIELDS = [f"f{i}" for i in range(26)]
VOCAB = 100000
DIM = 32
BATCH = 16384


def setup_inputs(seed: int = 0) -> dict:
    key = jax.random.key(seed)
    tables = {}
    indices = {}
    for i, name in enumerate(FIELDS):
        k_t = jax.random.fold_in(key, i)
        k_i = jax.random.fold_in(key, 1000 + i)
        tables[name] = jax.random.normal(k_t, (VOCAB, DIM), dtype=jnp.float32) * 0.05
        indices[name] = jax.random.randint(k_i, (BATCH,), 0, VOCAB, dtype=jnp.int32)
    return {"tables": tables, "indices": indices}


def reference(tables, indices):
    # Faithful to TFEmbedding.call: per-field modulo by vocab size, then embedding lookup.
    outputs = []
    for name in FIELDS:
        idx = indices[name] % VOCAB
        outputs.append(jnp.take(tables[name], idx, axis=0))
    return tuple(outputs)

if __name__ == "__main__":
    import jax
    _d = setup_inputs()
    print(jax.jit(kernel)(*tuple(_d.values())))

</pallas_src>

<mosaic_0001>
#map = affine_map<(d0, d1) -> (0, 0, 0)>
#map1 = affine_map<(d0, d1) -> (0, 0)>
module attributes {stable_mosaic.version = 14 : i64} {
  func.func @_body(%arg0: i32, %arg1: i32, %arg2: memref<32x26x512xi32, #tpu.memory_space<hbm>>, %arg3: memref<100000x32xf32, #tpu.memory_space<hbm>>, %arg4: memref<100000x32xf32, #tpu.memory_space<hbm>>, %arg5: memref<100000x32xf32, #tpu.memory_space<hbm>>, %arg6: memref<100000x32xf32, #tpu.memory_space<hbm>>, %arg7: memref<100000x32xf32, #tpu.memory_space<hbm>>, %arg8: memref<100000x32xf32, #tpu.memory_space<hbm>>, %arg9: memref<100000x32xf32, #tpu.memory_space<hbm>>, %arg10: memref<100000x32xf32, #tpu.memory_space<hbm>>, %arg11: memref<100000x32xf32, #tpu.memory_space<hbm>>, %arg12: memref<100000x32xf32, #tpu.memory_space<hbm>>, %arg13: memref<100000x32xf32, #tpu.memory_space<hbm>>, %arg14: memref<100000x32xf32, #tpu.memory_space<hbm>>, %arg15: memref<100000x32xf32, #tpu.memory_space<hbm>>, %arg16: memref<100000x32xf32, #tpu.memory_space<hbm>>, %arg17: memref<100000x32xf32, #tpu.memory_space<hbm>>, %arg18: memref<100000x32xf32, #tpu.memory_space<hbm>>, %arg19: memref<100000x32xf32, #tpu.memory_space<hbm>>, %arg20: memref<100000x32xf32, #tpu.memory_space<hbm>>, %arg21: memref<100000x32xf32, #tpu.memory_space<hbm>>, %arg22: memref<100000x32xf32, #tpu.memory_space<hbm>>, %arg23: memref<100000x32xf32, #tpu.memory_space<hbm>>, %arg24: memref<100000x32xf32, #tpu.memory_space<hbm>>, %arg25: memref<100000x32xf32, #tpu.memory_space<hbm>>, %arg26: memref<100000x32xf32, #tpu.memory_space<hbm>>, %arg27: memref<100000x32xf32, #tpu.memory_space<hbm>>, %arg28: memref<100000x32xf32, #tpu.memory_space<hbm>>, %arg29: memref<16384x32xf32, #tpu.memory_space<hbm>>, %arg30: memref<16384x32xf32, #tpu.memory_space<hbm>>, %arg31: memref<16384x32xf32, #tpu.memory_space<hbm>>, %arg32: memref<16384x32xf32, #tpu.memory_space<hbm>>, %arg33: memref<16384x32xf32, #tpu.memory_space<hbm>>, %arg34: memref<16384x32xf32, #tpu.memory_space<hbm>>, %arg35: memref<16384x32xf32, #tpu.memory_space<hbm>>, %arg36: memref<16384x32xf32, #tpu.memory_space<hbm>>, %arg37: memref<16384x32xf32, #tpu.memory_space<hbm>>, %arg38: memref<16384x32xf32, #tpu.memory_space<hbm>>, %arg39: memref<16384x32xf32, #tpu.memory_space<hbm>>, %arg40: memref<16384x32xf32, #tpu.memory_space<hbm>>, %arg41: memref<16384x32xf32, #tpu.memory_space<hbm>>, %arg42: memref<16384x32xf32, #tpu.memory_space<hbm>>, %arg43: memref<16384x32xf32, #tpu.memory_space<hbm>>, %arg44: memref<16384x32xf32, #tpu.memory_space<hbm>>, %arg45: memref<16384x32xf32, #tpu.memory_space<hbm>>, %arg46: memref<16384x32xf32, #tpu.memory_space<hbm>>, %arg47: memref<16384x32xf32, #tpu.memory_space<hbm>>, %arg48: memref<16384x32xf32, #tpu.memory_space<hbm>>, %arg49: memref<16384x32xf32, #tpu.memory_space<hbm>>, %arg50: memref<16384x32xf32, #tpu.memory_space<hbm>>, %arg51: memref<16384x32xf32, #tpu.memory_space<hbm>>, %arg52: memref<16384x32xf32, #tpu.memory_space<hbm>>, %arg53: memref<16384x32xf32, #tpu.memory_space<hbm>>, %arg54: memref<16384x32xf32, #tpu.memory_space<hbm>>, %arg55: memref<26x512xi32, #tpu.memory_space<vmem>>, %arg56: memref<6x512x32xf32, #tpu.memory_space<vmem>>, %arg57: memref<!tpu.dma_semaphore, #tpu.memory_space<semaphore_mem>>, %arg58: memref<!tpu.dma_semaphore, #tpu.memory_space<semaphore_mem>>, %arg59: memref<!tpu.dma_semaphore, #tpu.memory_space<semaphore_mem>>, %arg60: memref<!tpu.dma_semaphore, #tpu.memory_space<semaphore_mem>>, %arg61: memref<!tpu.dma_semaphore, #tpu.memory_space<semaphore_mem>>, %arg62: memref<!tpu.dma_semaphore, #tpu.memory_space<semaphore_mem>>, %arg63: memref<!tpu.dma_semaphore, #tpu.memory_space<semaphore_mem>>, %arg64: memref<!tpu.dma_semaphore, #tpu.memory_space<semaphore_mem>>, %arg65: memref<!tpu.dma_semaphore, #tpu.memory_space<semaphore_mem>>, %arg66: memref<!tpu.dma_semaphore, #tpu.memory_space<semaphore_mem>>, %arg67: memref<!tpu.dma_semaphore, #tpu.memory_space<semaphore_mem>>, %arg68: memref<!tpu.dma_semaphore, #tpu.memory_space<semaphore_mem>>) attributes {dimension_semantics = [#tpu.dimension_semantics<core_parallel>, #tpu.dimension_semantics<subcore_parallel>], iteration_bounds = array<i64: 2, 16>, scalar_prefetch = 0 : i64, scratch_operands = 14 : i64, tpu.core_type = #tpu.core_type<sc_vector_subcore>, window_params = [{transform_indices = #map}, {transform_indices = #map1}, {transform_indices = #map1}, {transform_indices = #map1}, {transform_indices = #map1}, {transform_indices = #map1}, {transform_indices = #map1}, {transform_indices = #map1}, {transform_indices = #map1}, {transform_indices = #map1}, {transform_indices = #map1}, {transform_indices = #map1}, {transform_indices = #map1}, {transform_indices = #map1}, {transform_indices = #map1}, {transform_indices = #map1}, {transform_indices = #map1}, {transform_indices = #map1}, {transform_indices = #map1}, {transform_indices = #map1}, {transform_indices = #map1}, {transform_indices = #map1}, {transform_indices = #map1}, {transform_indices = #map1}, {transform_indices = #map1}, {transform_indices = #map1}, {transform_indices = #map1}, {transform_indices = #map1}, {transform_indices = #map1}, {transform_indices = #map1}, {transform_indices = #map1}, {transform_indices = #map1}, {transform_indices = #map1}, {transform_indices = #map1}, {transform_indices = #map1}, {transform_indices = #map1}, {transform_indices = #map1}, {transform_indices = #map1}, {transform_indices = #map1}, {transform_indices = #map1}, {transform_indices = #map1}, {transform_indices = #map1}, {transform_indices = #map1}, {transform_indices = #map1}, {transform_indices = #map1}, {transform_indices = #map1}, {transform_indices = #map1}, {transform_indices = #map1}, {transform_indices = #map1}, {transform_indices = #map1}, {transform_indices = #map1}, {transform_indices = #map1}, {transform_indices = #map1}]} {
    %mul3A = arith.constant 2 : i32
    %mul3A_0 = arith.muli %arg1, %mul3A : i32
    %add3A = arith.addi %mul3A_0, %arg0 : i32
    %mul3A_1 = arith.constant 512 : i32
    %mul3A_2 = arith.muli %add3A, %mul3A_1 : i32
    "tpu.region"() ({
      %run_scoped3A = tpu.sem_alloc : memref<!tpu.dma_semaphore, #tpu.memory_space<semaphore_mem>>
      %dma_start3A_1301 = arith.constant 0 : i32
      %dma_start3A_1302 = arith.constant 0 : i32
      %dma_start3A_1303 = tpu.memref_slice %arg2[%add3A, %dma_start3A_1301, %dma_start3A_1302] : memref<32x26x512xi32, #tpu.memory_space<hbm>> -> memref<1x26x512xi32, #tpu.memory_space<hbm>>
      %dma_start3A_1304 = tpu.memref_squeeze %dma_start3A_1303 : memref<1x26x512xi32, #tpu.memory_space<hbm>> -> memref<26x512xi32, #tpu.memory_space<hbm>>
      %dma_start3A_1305 = arith.constant 0 : i32
      %dma_start3A_1306 = arith.constant 0 : i32
      %dma_start3A_1307 = tpu.memref_slice %arg2[%add3A, %dma_start3A_1305, %dma_start3A_1306] : memref<32x26x512xi32, #tpu.memory_space<hbm>> -> memref<1x26x512xi32, #tpu.memory_space<hbm>>
      %dma_start3A_1308 = tpu.memref_squeeze %dma_start3A_1307 : memref<1x26x512xi32, #tpu.memory_space<hbm>> -> memref<26x512xi32, #tpu.memory_space<hbm>>
      tpu.enqueue_dma source(%dma_start3A_1308 : memref<26x512xi32, #tpu.memory_space<hbm>>) target(%arg55 : memref<26x512xi32, #tpu.memory_space<vmem>>) target_semaphore(%run_scoped3A : memref<!tpu.dma_semaphore, #tpu.memory_space<semaphore_mem>>)
      %dma_wait3A_1309 = arith.constant 0 : i32
      %dma_wait3A_1310 = arith.constant 0 : i32
      %dma_wait3A_1311 = tpu.memref_slice %arg2[%add3A, %dma_wait3A_1309, %dma_wait3A_1310] : memref<32x26x512xi32, #tpu.memory_space<hbm>> -> memref<1x26x512xi32, #tpu.memory_space<hbm>>
      %dma_wait3A_1312 = tpu.memref_squeeze %dma_wait3A_1311 : memref<1x26x512xi32, #tpu.memory_space<hbm>> -> memref<26x512xi32, #tpu.memory_space<hbm>>
      %dma_wait3A_1313 = arith.constant 0 : i32
      %dma_wait3A_1314 = arith.constant 0 : i32
      %dma_wait3A_1315 = tpu.memref_slice %arg2[%add3A, %dma_wait3A_1313, %dma_wait3A_1314] : memref<32x26x512xi32, #tpu.memory_space<hbm>> -> memref<1x26x512xi32, #tpu.memory_space<hbm>>
      %dma_wait3A_1316 = tpu.memref_squeeze %dma_wait3A_1315 : memref<1x26x512xi32, #tpu.memory_space<hbm>> -> memref<26x512xi32, #tpu.memory_space<hbm>>
      tpu.wait_dma2 semaphore(%run_scoped3A : memref<!tpu.dma_semaphore, #tpu.memory_space<semaphore_mem>>) src(%dma_wait3A_1316 : memref<26x512xi32, #tpu.memory_space<hbm>>) dst(%arg55 : memref<26x512xi32, #tpu.memory_space<vmem>>)
      tpu.yield
    }) : () -> ()
    %dma_start3A = arith.constant 0 : i32
    %dma_start3A_3 = arith.constant 0 : i32
    %dma_start3A_4 = arith.constant 0 : i32
    %dma_start3A_5 = arith.constant 0 : i32
    %dma_start3A_6 = tpu.memref_slice %arg56[%dma_start3A_3, %dma_start3A_4, %dma_start3A_5] : memref<6x512x32xf32, #tpu.memory_space<vmem>> -> memref<1x512x32xf32, #tpu.memory_space<vmem>>
    %dma_start3A_7 = tpu.memref_squeeze %dma_start3A_6 : memref<1x512x32xf32, #tpu.memory_space<vmem>> -> memref<512x32xf32, #tpu.memory_space<vmem>>
    %dma_start3A_8 = arith.constant 0 : i32
    %dma_start3A_9 = tpu.memref_slice %arg55[%dma_start3A, %dma_start3A_8] : memref<26x512xi32, #tpu.memory_space<vmem>> -> memref<1x512xi32, #tpu.memory_space<vmem>>
    %dma_start3A_10 = tpu.memref_squeeze %dma_start3A_9 : memref<1x512xi32, #tpu.memory_space<vmem>> -> memref<512xi32, #tpu.memory_space<vmem>>
    %dma_start3A_11 = arith.constant 0 : i32
    %dma_start3A_12 = arith.constant 0 : i32
    %dma_start3A_13 = tpu.memref_slice %arg3[%dma_start3A_11, %dma_start3A_12] : memref<100000x32xf32, #tpu.memory_space<hbm>> -> memref<100000x32xf32, #tpu.memory_space<hbm>>
    tpu.enqueue_indirect_dma source(%dma_start3A_13 : memref<100000x32xf32, #tpu.memory_space<hbm>>) target(%dma_start3A_7 : memref<512x32xf32, #tpu.memory_space<vmem>>) offsets(%dma_start3A_10 : memref<512xi32, #tpu.memory_space<vmem>>) semaphore(%arg57 : memref<!tpu.dma_semaphore, #tpu.memory_space<semaphore_mem>>)
    %dma_start3A_14 = arith.constant 1 : i32
    %dma_start3A_15 = arith.constant 1 : i32
    %dma_start3A_16 = arith.constant 0 : i32
    %dma_start3A_17 = arith.constant 0 : i32
    %dma_start3A_18 = tpu.memref_slice %arg56[%dma_start3A_15, %dma_start3A_16, %dma_start3A_17] : memref<6x512x32xf32, #tpu.memory_space<vmem>> -> memref<1x512x32xf32, #tpu.memory_space<vmem>>
    %dma_start3A_19 = tpu.memref_squeeze %dma_start3A_18 : memref<1x512x32xf32, #tpu.memory_space<vmem>> -> memref<512x32xf32, #tpu.memory_space<vmem>>
    %dma_start3A_20 = arith.constant 0 : i32
    %dma_start3A_21 = tpu.memref_slice %arg55[%dma_start3A_14, %dma_start3A_20] : memref<26x512xi32, #tpu.memory_space<vmem>> -> memref<1x512xi32, #tpu.memory_space<vmem>>
    %dma_start3A_22 = tpu.memref_squeeze %dma_start3A_21 : memref<1x512xi32, #tpu.memory_space<vmem>> -> memref<512xi32, #tpu.memory_space<vmem>>
    %dma_start3A_23 = arith.constant 0 : i32
    %dma_start3A_24 = arith.constant 0 : i32
    %dma_start3A_25 = tpu.memref_slice %arg4[%dma_start3A_23, %dma_start3A_24] : memref<100000x32xf32, #tpu.memory_space<hbm>> -> memref<100000x32xf32, #tpu.memory_space<hbm>>
    tpu.enqueue_indirect_dma source(%dma_start3A_25 : memref<100000x32xf32, #tpu.memory_space<hbm>>) target(%dma_start3A_19 : memref<512x32xf32, #tpu.memory_space<vmem>>) offsets(%dma_start3A_22 : memref<512xi32, #tpu.memory_space<vmem>>) semaphore(%arg58 : memref<!tpu.dma_semaphore, #tpu.memory_space<semaphore_mem>>)
    %dma_start3A_26 = arith.constant 2 : i32
    %dma_start3A_27 = arith.constant 2 : i32
    %dma_start3A_28 = arith.constant 0 : i32
    %dma_start3A_29 = arith.constant 0 : i32
    %dma_start3A_30 = tpu.memref_slice %arg56[%dma_start3A_27, %dma_start3A_28, %dma_start3A_29] : memref<6x512x32xf32, #tpu.memory_space<vmem>> -> memref<1x512x32xf32, #tpu.memory_space<vmem>>
    %dma_start3A_31 = tpu.memref_squeeze %dma_start3A_30 : memref<1x512x32xf32, #tpu.memory_space<vmem>> -> memref<512x32xf32, #tpu.memory_space<vmem>>
    %dma_start3A_32 = arith.constant 0 : i32
    %dma_start3A_33 = tpu.memref_slice %arg55[%dma_start3A_26, %dma_start3A_32] : memref<26x512xi32, #tpu.memory_space<vmem>> -> memref<1x512xi32, #tpu.memory_space<vmem>>
    %dma_start3A_34 = tpu.memref_squeeze %dma_start3A_33 : memref<1x512xi32, #tpu.memory_space<vmem>> -> memref<512xi32, #tpu.memory_space<vmem>>
    %dma_start3A_35 = arith.constant 0 : i32
    %dma_start3A_36 = arith.constant 0 : i32
    %dma_start3A_37 = tpu.memref_slice %arg5[%dma_start3A_35, %dma_start3A_36] : memref<100000x32xf32, #tpu.memory_space<hbm>> -> memref<100000x32xf32, #tpu.memory_space<hbm>>
    tpu.enqueue_indirect_dma source(%dma_start3A_37 : memref<100000x32xf32, #tpu.memory_space<hbm>>) target(%dma_start3A_31 : memref<512x32xf32, #tpu.memory_space<vmem>>) offsets(%dma_start3A_34 : memref<512xi32, #tpu.memory_space<vmem>>) semaphore(%arg59 : memref<!tpu.dma_semaphore, #tpu.memory_space<semaphore_mem>>)
    %dma_wait3A = arith.constant 0 : i32
    %dma_wait3A_38 = arith.constant 0 : i32
    %dma_wait3A_39 = arith.constant 0 : i32
    %dma_wait3A_40 = arith.constant 0 : i32
    %dma_wait3A_41 = tpu.memref_slice %arg56[%dma_wait3A_38, %dma_wait3A_39, %dma_wait3A_40] : memref<6x512x32xf32, #tpu.memory_space<vmem>> -> memref<1x512x32xf32, #tpu.memory_space<vmem>>
    %dma_wait3A_42 = tpu.memref_squeeze %dma_wait3A_41 : memref<1x512x32xf32, #tpu.memory_space<vmem>> -> memref<512x32xf32, #tpu.memory_space<vmem>>
    %dma_wait3A_43 = arith.constant 0 : i32
    %dma_wait3A_44 = tpu.memref_slice %arg55[%dma_wait3A, %dma_wait3A_43] : memref<26x512xi32, #tpu.memory_space<vmem>> -> memref<1x512xi32, #tpu.memory_space<vmem>>
    %dma_wait3A_45 = tpu.memref_squeeze %dma_wait3A_44 : memref<1x512xi32, #tpu.memory_space<vmem>> -> memref<512xi32, #tpu.memory_space<vmem>>
    %dma_wait3A_46 = arith.constant 0 : i32
    %dma_wait3A_47 = arith.constant 0 : i32
    %dma_wait3A_48 = tpu.memref_slice %arg3[%dma_wait3A_46, %dma_wait3A_47] : memref<100000x32xf32, #tpu.memory_space<hbm>> -> memref<100000x32xf32, #tpu.memory_space<hbm>>
    tpu.wait_indirect_dma semaphore(%arg57 : memref<!tpu.dma_semaphore, #tpu.memory_space<semaphore_mem>>) src(%dma_wait3A_48 : memref<100000x32xf32, #tpu.memory_space<hbm>>) dst(%dma_wait3A_42 : memref<512x32xf32, #tpu.memory_space<vmem>>)
    %dma_start3A_49 = arith.constant 0 : i32
    %dma_start3A_50 = arith.constant 0 : i32
    %dma_start3A_51 = arith.constant 0 : i32
    %dma_start3A_52 = tpu.memref_slice %arg56[%dma_start3A_49, %dma_start3A_50, %dma_start3A_51] : memref<6x512x32xf32, #tpu.memory_space<vmem>> -> memref<1x512x32xf32, #tpu.memory_space<vmem>>
    %dma_start3A_53 = tpu.memref_squeeze %dma_start3A_52 : memref<1x512x32xf32, #tpu.memory_space<vmem>> -> memref<512x32xf32, #tpu.memory_space<vmem>>
    %dma_start3A_54 = arith.constant 0 : i32
    %dma_start3A_55 = tpu.memref_slice %arg29[%mul3A_2, %dma_start3A_54] : memref<16384x32xf32, #tpu.memory_space<hbm>> -> memref<512x32xf32, #tpu.memory_space<hbm>>
    %dma_start3A_56 = arith.constant 0 : i32
    %dma_start3A_57 = tpu.memref_slice %arg29[%mul3A_2, %dma_start3A_56] : memref<16384x32xf32, #tpu.memory_space<hbm>> -> memref<512x32xf32, #tpu.memory_space<hbm>>
    %dma_start3A_58 = arith.constant 0 : i32
    %dma_start3A_59 = arith.constant 0 : i32
    %dma_start3A_60 = tpu.memref_slice %arg56[%dma_start3A_49, %dma_start3A_58, %dma_start3A_59] : memref<6x512x32xf32, #tpu.memory_space<vmem>> -> memref<1x512x32xf32, #tpu.memory_space<vmem>>
    %dma_start3A_61 = tpu.memref_squeeze %dma_start3A_60 : memref<1x512x32xf32, #tpu.memory_space<vmem>> -> memref<512x32xf32, #tpu.memory_space<vmem>>
    tpu.enqueue_dma source(%dma_start3A_61 : memref<512x32xf32, #tpu.memory_space<vmem>>) target(%dma_start3A_57 : memref<512x32xf32, #tpu.memory_space<hbm>>) target_semaphore(%arg63 : memref<!tpu.dma_semaphore, #tpu.memory_space<semaphore_mem>>)
    %dma_start3A_62 = arith.constant 3 : i32
    %dma_start3A_63 = arith.constant 3 : i32
    %dma_start3A_64 = arith.constant 0 : i32
    %dma_start3A_65 = arith.constant 0 : i32
    %dma_start3A_66 = tpu.memref_slice %arg56[%dma_start3A_63, %dma_start3A_64, %dma_start3A_65] : memref<6x512x32xf32, #tpu.memory_space<vmem>> -> memref<1x512x32xf32, #tpu.memory_space<vmem>>
    %dma_start3A_67 = tpu.memref_squeeze %dma_start3A_66 : memref<1x512x32xf32, #tpu.memory_space<vmem>> -> memref<512x32xf32, #tpu.memory_space<vmem>>
    %dma_start3A_68 = arith.constant 0 : i32
    %dma_start3A_69 = tpu.memref_slice %arg55[%dma_start3A_62, %dma_start3A_68] : memref<26x512xi32, #tpu.memory_space<vmem>> -> memref<1x512xi32, #tpu.memory_space<vmem>>
    %dma_start3A_70 = tpu.memref_squeeze %dma_start3A_69 : memref<1x512xi32, #tpu.memory_space<vmem>> -> memref<512xi32, #tpu.memory_space<vmem>>
    %dma_start3A_71 = arith.constant 0 : i32
    %dma_start3A_72 = arith.constant 0 : i32
    %dma_start3A_73 = tpu.memref_slice %arg6[%dma_start3A_71, %dma_start3A_72] : memref<100000x32xf32, #tpu.memory_space<hbm>> -> memref<100000x32xf32, #tpu.memory_space<hbm>>
    tpu.enqueue_indirect_dma source(%dma_start3A_73 : memref<100000x32xf32, #tpu.memory_space<hbm>>) target(%dma_start3A_67 : memref<512x32xf32, #tpu.memory_space<vmem>>) offsets(%dma_start3A_70 : memref<512xi32, #tpu.memory_space<vmem>>) semaphore(%arg60 : memref<!tpu.dma_semaphore, #tpu.memory_space<semaphore_mem>>)
    %dma_wait3A_74 = arith.constant 1 : i32
    %dma_wait3A_75 = arith.constant 1 : i32
    %dma_wait3A_76 = arith.constant 0 : i32
    %dma_wait3A_77 = arith.constant 0 : i32
    %dma_wait3A_78 = tpu.memref_slice %arg56[%dma_wait3A_75, %dma_wait3A_76, %dma_wait3A_77] : memref<6x512x32xf32, #tpu.memory_space<vmem>> -> memref<1x512x32xf32, #tpu.memory_space<vmem>>
    %dma_wait3A_79 = tpu.memref_squeeze %dma_wait3A_78 : memref<1x512x32xf32, #tpu.memory_space<vmem>> -> memref<512x32xf32, #tpu.memory_space<vmem>>
    %dma_wait3A_80 = arith.constant 0 : i32
    %dma_wait3A_81 = tpu.memref_slice %arg55[%dma_wait3A_74, %dma_wait3A_80] : memref<26x512xi32, #tpu.memory_space<vmem>> -> memref<1x512xi32, #tpu.memory_space<vmem>>
    %dma_wait3A_82 = tpu.memref_squeeze %dma_wait3A_81 : memref<1x512xi32, #tpu.memory_space<vmem>> -> memref<512xi32, #tpu.memory_space<vmem>>
    %dma_wait3A_83 = arith.constant 0 : i32
    %dma_wait3A_84 = arith.constant 0 : i32
    %dma_wait3A_85 = tpu.memref_slice %arg4[%dma_wait3A_83, %dma_wait3A_84] : memref<100000x32xf32, #tpu.memory_space<hbm>> -> memref<100000x32xf32, #tpu.memory_space<hbm>>
    tpu.wait_indirect_dma semaphore(%arg58 : memref<!tpu.dma_semaphore, #tpu.memory_space<semaphore_mem>>) src(%dma_wait3A_85 : memref<100000x32xf32, #tpu.memory_space<hbm>>) dst(%dma_wait3A_79 : memref<512x32xf32, #tpu.memory_space<vmem>>)
    %dma_start3A_86 = arith.constant 1 : i32
    %dma_start3A_87 = arith.constant 0 : i32
    %dma_start3A_88 = arith.constant 0 : i32
    %dma_start3A_89 = tpu.memref_slice %arg56[%dma_start3A_86, %dma_start3A_87, %dma_start3A_88] : memref<6x512x32xf32, #tpu.memory_space<vmem>> -> memref<1x512x32xf32, #tpu.memory_space<vmem>>
    %dma_start3A_90 = tpu.memref_squeeze %dma_start3A_89 : memref<1x512x32xf32, #tpu.memory_space<vmem>> -> memref<512x32xf32, #tpu.memory_space<vmem>>
    %dma_start3A_91 = arith.constant 0 : i32
    %dma_start3A_92 = tpu.memref_slice %arg30[%mul3A_2, %dma_start3A_91] : memref<16384x32xf32, #tpu.memory_space<hbm>> -> memref<512x32xf32, #tpu.memory_space<hbm>>
    %dma_start3A_93 = arith.constant 0 : i32
    %dma_start3A_94 = tpu.memref_slice %arg30[%mul3A_2, %dma_start3A_93] : memref<16384x32xf32, #tpu.memory_space<hbm>> -> memref<512x32xf32, #tpu.memory_space<hbm>>
    %dma_start3A_95 = arith.constant 0 : i32
    %dma_start3A_96 = arith.constant 0 : i32
    %dma_start3A_97 = tpu.memref_slice %arg56[%dma_start3A_86, %dma_start3A_95, %dma_start3A_96] : memref<6x512x32xf32, #tpu.memory_space<vmem>> -> memref<1x512x32xf32, #tpu.memory_space<vmem>>
    %dma_start3A_98 = tpu.memref_squeeze %dma_start3A_97 : memref<1x512x32xf32, #tpu.memory_space<vmem>> -> memref<512x32xf32, #tpu.memory_space<vmem>>
    tpu.enqueue_dma source(%dma_start3A_98 : memref<512x32xf32, #tpu.memory_space<vmem>>) target(%dma_start3A_94 : memref<512x32xf32, #tpu.memory_space<hbm>>) target_semaphore(%arg64 : memref<!tpu.dma_semaphore, #tpu.memory_space<semaphore_mem>>)
    %dma_start3A_99 = arith.constant 4 : i32
    %dma_start3A_100 = arith.constant 4 : i32
    %dma_start3A_101 = arith.constant 0 : i32
    %dma_start3A_102 = arith.constant 0 : i32
    %dma_start3A_103 = tpu.memref_slice %arg56[%dma_start3A_100, %dma_start3A_101, %dma_start3A_102] : memref<6x512x32xf32, #tpu.memory_space<vmem>> -> memref<1x512x32xf32, #tpu.memory_space<vmem>>
    %dma_start3A_104 = tpu.memref_squeeze %dma_start3A_103 : memref<1x512x32xf32, #tpu.memory_space<vmem>> -> memref<512x32xf32, #tpu.memory_space<vmem>>
    %dma_start3A_105 = arith.constant 0 : i32
    %dma_start3A_106 = tpu.memref_slice %arg55[%dma_start3A_99, %dma_start3A_105] : memref<26x512xi32, #tpu.memory_space<vmem>> -> memref<1x512xi32, #tpu.memory_space<vmem>>
    %dma_start3A_107 = tpu.memref_squeeze %dma_start3A_106 : memref<1x512xi32, #tpu.memory_space<vmem>> -> memref<512xi32, #tpu.memory_space<vmem>>
    %dma_start3A_108 = arith.constant 0 : i32
    %dma_start3A_109 = arith.constant 0 : i32
    %dma_start3A_110 = tpu.memref_slice %arg7[%dma_start3A_108, %dma_start3A_109] : memref<100000x32xf32, #tpu.memory_space<hbm>> -> memref<100000x32xf32, #tpu.memory_space<hbm>>
    tpu.enqueue_indirect_dma source(%dma_start3A_110 : memref<100000x32xf32, #tpu.memory_space<hbm>>) target(%dma_start3A_104 : memref<512x32xf32, #tpu.memory_space<vmem>>) offsets(%dma_start3A_107 : memref<512xi32, #tpu.memory_space<vmem>>) semaphore(%arg61 : memref<!tpu.dma_semaphore, #tpu.memory_space<semaphore_mem>>)
    %dma_wait3A_111 = arith.constant 2 : i32
    %dma_wait3A_112 = arith.constant 2 : i32
    %dma_wait3A_113 = arith.constant 0 : i32
    %dma_wait3A_114 = arith.constant 0 : i32
    %dma_wait3A_115 = tpu.memref_slice %arg56[%dma_wait3A_112, %dma_wait3A_113, %dma_wait3A_114] : memref<6x512x32xf32, #tpu.memory_space<vmem>> -> memref<1x512x32xf32, #tpu.memory_space<vmem>>
    %dma_wait3A_116 = tpu.memref_squeeze %dma_wait3A_115 : memref<1x512x32xf32, #tpu.memory_space<vmem>> -> memref<512x32xf32, #tpu.memory_space<vmem>>
    %dma_wait3A_117 = arith.constant 0 : i32
    %dma_wait3A_118 = tpu.memref_slice %arg55[%dma_wait3A_111, %dma_wait3A_117] : memref<26x512xi32, #tpu.memory_space<vmem>> -> memref<1x512xi32, #tpu.memory_space<vmem>>
    %dma_wait3A_119 = tpu.memref_squeeze %dma_wait3A_118 : memref<1x512xi32, #tpu.memory_space<vmem>> -> memref<512xi32, #tpu.memory_space<vmem>>
    %dma_wait3A_120 = arith.constant 0 : i32
    %dma_wait3A_121 = arith.constant 0 : i32
    %dma_wait3A_122 = tpu.memref_slice %arg5[%dma_wait3A_120, %dma_wait3A_121] : memref<100000x32xf32, #tpu.memory_space<hbm>> -> memref<100000x32xf32, #tpu.memory_space<hbm>>
    tpu.wait_indirect_dma semaphore(%arg59 : memref<!tpu.dma_semaphore, #tpu.memory_space<semaphore_mem>>) src(%dma_wait3A_122 : memref<100000x32xf32, #tpu.memory_space<hbm>>) dst(%dma_wait3A_116 : memref<512x32xf32, #tpu.memory_space<vmem>>)
    %dma_start3A_123 = arith.constant 2 : i32
    %dma_start3A_124 = arith.constant 0 : i32
    %dma_start3A_125 = arith.constant 0 : i32
    %dma_start3A_126 = tpu.memref_slice %arg56[%dma_start3A_123, %dma_start3A_124, %dma_start3A_125] : memref<6x512x32xf32, #tpu.memory_space<vmem>> -> memref<1x512x32xf32, #tpu.memory_space<vmem>>
    %dma_start3A_127 = tpu.memref_squeeze %dma_start3A_126 : memref<1x512x32xf32, #tpu.memory_space<vmem>> -> memref<512x32xf32, #tpu.memory_space<vmem>>
    %dma_start3A_128 = arith.constant 0 : i32
    %dma_start3A_129 = tpu.memref_slice %arg31[%mul3A_2, %dma_start3A_128] : memref<16384x32xf32, #tpu.memory_space<hbm>> -> memref<512x32xf32, #tpu.memory_space<hbm>>
    %dma_start3A_130 = arith.constant 0 : i32
    %dma_start3A_131 = tpu.memref_slice %arg31[%mul3A_2, %dma_start3A_130] : memref<16384x32xf32, #tpu.memory_space<hbm>> -> memref<512x32xf32, #tpu.memory_space<hbm>>
    %dma_start3A_132 = arith.constant 0 : i32
    %dma_start3A_133 = arith.constant 0 : i32
    %dma_start3A_134 = tpu.memref_slice %arg56[%dma_start3A_123, %dma_start3A_132, %dma_start3A_133] : memref<6x512x32xf32, #tpu.memory_space<vmem>> -> memref<1x512x32xf32, #tpu.memory_space<vmem>>
    %dma_start3A_135 = tpu.memref_squeeze %dma_start3A_134 : memref<1x512x32xf32, #tpu.memory_space<vmem>> -> memref<512x32xf32, #tpu.memory_space<vmem>>
    tpu.enqueue_dma source(%dma_start3A_135 : memref<512x32xf32, #tpu.memory_space<vmem>>) target(%dma_start3A_131 : memref<512x32xf32, #tpu.memory_space<hbm>>) target_semaphore(%arg65 : memref<!tpu.dma_semaphore, #tpu.memory_space<semaphore_mem>>)
    %dma_start3A_136 = arith.constant 5 : i32
    %dma_start3A_137 = arith.constant 5 : i32
    %dma_start3A_138 = arith.constant 0 : i32
    %dma_start3A_139 = arith.constant 0 : i32
    %dma_start3A_140 = tpu.memref_slice %arg56[%dma_start3A_137, %dma_start3A_138, %dma_start3A_139] : memref<6x512x32xf32, #tpu.memory_space<vmem>> -> memref<1x512x32xf32, #tpu.memory_space<vmem>>
    %dma_start3A_141 = tpu.memref_squeeze %dma_start3A_140 : memref<1x512x32xf32, #tpu.memory_space<vmem>> -> memref<512x32xf32, #tpu.memory_space<vmem>>
    %dma_start3A_142 = arith.constant 0 : i32
    %dma_start3A_143 = tpu.memref_slice %arg55[%dma_start3A_136, %dma_start3A_142] : memref<26x512xi32, #tpu.memory_space<vmem>> -> memref<1x512xi32, #tpu.memory_space<vmem>>
    %dma_start3A_144 = tpu.memref_squeeze %dma_start3A_143 : memref<1x512xi32, #tpu.memory_space<vmem>> -> memref<512xi32, #tpu.memory_space<vmem>>
    %dma_start3A_145 = arith.constant 0 : i32
    %dma_start3A_146 = arith.constant 0 : i32
    %dma_start3A_147 = tpu.memref_slice %arg8[%dma_start3A_145, %dma_start3A_146] : memref<100000x32xf32, #tpu.memory_space<hbm>> -> memref<100000x32xf32, #tpu.memory_space<hbm>>
    tpu.enqueue_indirect_dma source(%dma_start3A_147 : memref<100000x32xf32, #tpu.memory_space<hbm>>) target(%dma_start3A_141 : memref<512x32xf32, #tpu.memory_space<vmem>>) offsets(%dma_start3A_144 : memref<512xi32, #tpu.memory_space<vmem>>) semaphore(%arg62 : memref<!tpu.dma_semaphore, #tpu.memory_space<semaphore_mem>>)
    %dma_wait3A_148 = arith.constant 3 : i32
    %dma_wait3A_149 = arith.constant 3 : i32
    %dma_wait3A_150 = arith.constant 0 : i32
    %dma_wait3A_151 = arith.constant 0 : i32
    %dma_wait3A_152 = tpu.memref_slice %arg56[%dma_wait3A_149, %dma_wait3A_150, %dma_wait3A_151] : memref<6x512x32xf32, #tpu.memory_space<vmem>> -> memref<1x512x32xf32, #tpu.memory_space<vmem>>
    %dma_wait3A_153 = tpu.memref_squeeze %dma_wait3A_152 : memref<1x512x32xf32, #tpu.memory_space<vmem>> -> memref<512x32xf32, #tpu.memory_space<vmem>>
    %dma_wait3A_154 = arith.constant 0 : i32
    %dma_wait3A_155 = tpu.memref_slice %arg55[%dma_wait3A_148, %dma_wait3A_154] : memref<26x512xi32, #tpu.memory_space<vmem>> -> memref<1x512xi32, #tpu.memory_space<vmem>>
    %dma_wait3A_156 = tpu.memref_squeeze %dma_wait3A_155 : memref<1x512xi32, #tpu.memory_space<vmem>> -> memref<512xi32, #tpu.memory_space<vmem>>
    %dma_wait3A_157 = arith.constant 0 : i32
    %dma_wait3A_158 = arith.constant 0 : i32
    %dma_wait3A_159 = tpu.memref_slice %arg6[%dma_wait3A_157, %dma_wait3A_158] : memref<100000x32xf32, #tpu.memory_space<hbm>> -> memref<100000x32xf32, #tpu.memory_space<hbm>>
    tpu.wait_indirect_dma semaphore(%arg60 : memref<!tpu.dma_semaphore, #tpu.memory_space<semaphore_mem>>) src(%dma_wait3A_159 : memref<100000x32xf32, #tpu.memory_space<hbm>>) dst(%dma_wait3A_153 : memref<512x32xf32, #tpu.memory_space<vmem>>)
    %dma_start3A_160 = arith.constant 3 : i32
    %dma_start3A_161 = arith.constant 0 : i32
    %dma_start3A_162 = arith.constant 0 : i32
    %dma_start3A_163 = tpu.memref_slice %arg56[%dma_start3A_160, %dma_start3A_161, %dma_start3A_162] : memref<6x512x32xf32, #tpu.memory_space<vmem>> -> memref<1x512x32xf32, #tpu.memory_space<vmem>>
    %dma_start3A_164 = tpu.memref_squeeze %dma_start3A_163 : memref<1x512x32xf32, #tpu.memory_space<vmem>> -> memref<512x32xf32, #tpu.memory_space<vmem>>
    %dma_start3A_165 = arith.constant 0 : i32
    %dma_start3A_166 = tpu.memref_slice %arg32[%mul3A_2, %dma_start3A_165] : memref<16384x32xf32, #tpu.memory_space<hbm>> -> memref<512x32xf32, #tpu.memory_space<hbm>>
    %dma_start3A_167 = arith.constant 0 : i32
    %dma_start3A_168 = tpu.memref_slice %arg32[%mul3A_2, %dma_start3A_167] : memref<16384x32xf32, #tpu.memory_space<hbm>> -> memref<512x32xf32, #tpu.memory_space<hbm>>
    %dma_start3A_169 = arith.constant 0 : i32
    %dma_start3A_170 = arith.constant 0 : i32
    %dma_start3A_171 = tpu.memref_slice %arg56[%dma_start3A_160, %dma_start3A_169, %dma_start3A_170] : memref<6x512x32xf32, #tpu.memory_space<vmem>> -> memref<1x512x32xf32, #tpu.memory_space<vmem>>
    %dma_start3A_172 = tpu.memref_squeeze %dma_start3A_171 : memref<1x512x32xf32, #tpu.memory_space<vmem>> -> memref<512x32xf32, #tpu.memory_space<vmem>>
    tpu.enqueue_dma source(%dma_start3A_172 : memref<512x32xf32, #tpu.memory_space<vmem>>) target(%dma_start3A_168 : memref<512x32xf32, #tpu.memory_space<hbm>>) target_semaphore(%arg66 : memref<!tpu.dma_semaphore, #tpu.memory_space<semaphore_mem>>)
    %dma_wait3A_173 = arith.constant 0 : i32
    %dma_wait3A_174 = arith.constant 0 : i32
    %dma_wait3A_175 = arith.constant 0 : i32
    %dma_wait3A_176 = tpu.memref_slice %arg56[%dma_wait3A_173, %dma_wait3A_174, %dma_wait3A_175] : memref<6x512x32xf32, #tpu.memory_space<vmem>> -> memref<1x512x32xf32, #tpu.memory_space<vmem>>
    %dma_wait3A_177 = tpu.memref_squeeze %dma_wait3A_176 : memref<1x512x32xf32, #tpu.memory_space<vmem>> -> memref<512x32xf32, #tpu.memory_space<vmem>>
    %dma_wait3A_178 = arith.constant 0 : i32
    %dma_wait3A_179 = tpu.memref_slice %arg29[%mul3A_2, %dma_wait3A_178] : memref<16384x32xf32, #tpu.memory_space<hbm>> -> memref<512x32xf32, #tpu.memory_space<hbm>>
    %dma_wait3A_180 = arith.constant 0 : i32
    %dma_wait3A_181 = tpu.memref_slice %arg29[%mul3A_2, %dma_wait3A_180] : memref<16384x32xf32, #tpu.memory_space<hbm>> -> memref<512x32xf32, #tpu.memory_space<hbm>>
    %dma_wait3A_182 = arith.constant 0 : i32
    %dma_wait3A_183 = arith.constant 0 : i32
    %dma_wait3A_184 = tpu.memref_slice %arg56[%dma_wait3A_173, %dma_wait3A_182, %dma_wait3A_183] : memref<6x512x32xf32, #tpu.memory_space<vmem>> -> memref<1x512x32xf32, #tpu.memory_space<vmem>>
    %dma_wait3A_185 = tpu.memref_squeeze %dma_wait3A_184 : memref<1x512x32xf32, #tpu.memory_space<vmem>> -> memref<512x32xf32, #tpu.memory_space<vmem>>
    tpu.wait_dma2 semaphore(%arg63 : memref<!tpu.dma_semaphore, #tpu.memory_space<semaphore_mem>>) src(%dma_wait3A_185 : memref<512x32xf32, #tpu.memory_space<vmem>>) dst(%dma_wait3A_181 : memref<512x32xf32, #tpu.memory_space<hbm>>)
    %dma_start3A_186 = arith.constant 6 : i32
    %dma_start3A_187 = arith.constant 0 : i32
    %dma_start3A_188 = arith.constant 0 : i32
    %dma_start3A_189 = arith.constant 0 : i32
    %dma_start3A_190 = tpu.memref_slice %arg56[%dma_start3A_187, %dma_start3A_188, %dma_start3A_189] : memref<6x512x32xf32, #tpu.memory_space<vmem>> -> memref<1x512x32xf32, #tpu.memory_space<vmem>>
    %dma_start3A_191 = tpu.memref_squeeze %dma_start3A_190 : memref<1x512x32xf32, #tpu.memory_space<vmem>> -> memref<512x32xf32, #tpu.memory_space<vmem>>
    %dma_start3A_192 = arith.constant 0 : i32
    %dma_start3A_193 = tpu.memref_slice %arg55[%dma_start3A_186, %dma_start3A_192] : memref<26x512xi32, #tpu.memory_space<vmem>> -> memref<1x512xi32, #tpu.memory_space<vmem>>
    %dma_start3A_194 = tpu.memref_squeeze %dma_start3A_193 : memref<1x512xi32, #tpu.memory_space<vmem>> -> memref<512xi32, #tpu.memory_space<vmem>>
    %dma_start3A_195 = arith.constant 0 : i32
    %dma_start3A_196 = arith.constant 0 : i32
    %dma_start3A_197 = tpu.memref_slice %arg9[%dma_start3A_195, %dma_start3A_196] : memref<100000x32xf32, #tpu.memory_space<hbm>> -> memref<100000x32xf32, #tpu.memory_space<hbm>>
    tpu.enqueue_indirect_dma source(%dma_start3A_197 : memref<100000x32xf32, #tpu.memory_space<hbm>>) target(%dma_start3A_191 : memref<512x32xf32, #tpu.memory_space<vmem>>) offsets(%dma_start3A_194 : memref<512xi32, #tpu.memory_space<vmem>>) semaphore(%arg57 : memref<!tpu.dma_semaphore, #tpu.memory_space<semaphore_mem>>)
    %dma_wait3A_198 = arith.constant 4 : i32
    %dma_wait3A_199 = arith.constant 4 : i32
    %dma_wait3A_200 = arith.constant 0 : i32
    %dma_wait3A_201 = arith.constant 0 : i32
    %dma_wait3A_202 = tpu.memref_slice %arg56[%dma_wait3A_199, %dma_wait3A_200, %dma_wait3A_201] : memref<6x512x32xf32, #tpu.memory_space<vmem>> -> memref<1x512x32xf32, #tpu.memory_space<vmem>>
    %dma_wait3A_203 = tpu.memref_squeeze %dma_wait3A_202 : memref<1x512x32xf32, #tpu.memory_space<vmem>> -> memref<512x32xf32, #tpu.memory_space<vmem>>
    %dma_wait3A_204 = arith.constant 0 : i32
    %dma_wait3A_205 = tpu.memref_slice %arg55[%dma_wait3A_198, %dma_wait3A_204] : memref<26x512xi32, #tpu.memory_space<vmem>> -> memref<1x512xi32, #tpu.memory_space<vmem>>
    %dma_wait3A_206 = tpu.memref_squeeze %dma_wait3A_205 : memref<1x512xi32, #tpu.memory_space<vmem>> -> memref<512xi32, #tpu.memory_space<vmem>>
    %dma_wait3A_207 = arith.constant 0 : i32
    %dma_wait3A_208 = arith.constant 0 : i32
    %dma_wait3A_209 = tpu.memref_slice %arg7[%dma_wait3A_207, %dma_wait3A_208] : memref<100000x32xf32, #tpu.memory_space<hbm>> -> memref<100000x32xf32, #tpu.memory_space<hbm>>
    tpu.wait_indirect_dma semaphore(%arg61 : memref<!tpu.dma_semaphore, #tpu.memory_space<semaphore_mem>>) src(%dma_wait3A_209 : memref<100000x32xf32, #tpu.memory_space<hbm>>) dst(%dma_wait3A_203 : memref<512x32xf32, #tpu.memory_space<vmem>>)
    %dma_start3A_210 = arith.constant 4 : i32
    %dma_start3A_211 = arith.constant 0 : i32
    %dma_start3A_212 = arith.constant 0 : i32
    %dma_start3A_213 = tpu.memref_slice %arg56[%dma_start3A_210, %dma_start3A_211, %dma_start3A_212] : memref<6x512x32xf32, #tpu.memory_space<vmem>> -> memref<1x512x32xf32, #tpu.memory_space<vmem>>
    %dma_start3A_214 = tpu.memref_squeeze %dma_start3A_213 : memref<1x512x32xf32, #tpu.memory_space<vmem>> -> memref<512x32xf32, #tpu.memory_space<vmem>>
    %dma_start3A_215 = arith.constant 0 : i32
    %dma_start3A_216 = tpu.memref_slice %arg33[%mul3A_2, %dma_start3A_215] : memref<16384x32xf32, #tpu.memory_space<hbm>> -> memref<512x32xf32, #tpu.memory_space<hbm>>
    %dma_start3A_217 = arith.constant 0 : i32
    %dma_start3A_218 = tpu.memref_slice %arg33[%mul3A_2, %dma_start3A_217] : memref<16384x32xf32, #tpu.memory_space<hbm>> -> memref<512x32xf32, #tpu.memory_space<hbm>>
    %dma_start3A_219 = arith.constant 0 : i32
    %dma_start3A_220 = arith.constant 0 : i32
    %dma_start3A_221 = tpu.memref_slice %arg56[%dma_start3A_210, %dma_start3A_219, %dma_start3A_220] : memref<6x512x32xf32, #tpu.memory_space<vmem>> -> memref<1x512x32xf32, #tpu.memory_space<vmem>>
    %dma_start3A_222 = tpu.memref_squeeze %dma_start3A_221 : memref<1x512x32xf32, #tpu.memory_space<vmem>> -> memref<512x32xf32, #tpu.memory_space<vmem>>
    tpu.enqueue_dma source(%dma_start3A_222 : memref<512x32xf32, #tpu.memory_space<vmem>>) target(%dma_start3A_218 : memref<512x32xf32, #tpu.memory_space<hbm>>) target_semaphore(%arg67 : memref<!tpu.dma_semaphore, #tpu.memory_space<semaphore_mem>>)
    %dma_wait3A_223 = arith.constant 1 : i32
    %dma_wait3A_224 = arith.constant 0 : i32
    %dma_wait3A_225 = arith.constant 0 : i32
    %dma_wait3A_226 = tpu.memref_slice %arg56[%dma_wait3A_223, %dma_wait3A_224, %dma_wait3A_225] : memref<6x512x32xf32, #tpu.memory_space<vmem>> -> memref<1x512x32xf32, #tpu.memory_space<vmem>>
    %dma_wait3A_227 = tpu.memref_squeeze %dma_wait3A_226 : memref<1x512x32xf32, #tpu.memory_space<vmem>> -> memref<512x32xf32, #tpu.memory_space<vmem>>
    %dma_wait3A_228 = arith.constant 0 : i32
    %dma_wait3A_229 = tpu.memref_slice %arg30[%mul3A_2, %dma_wait3A_228] : memref<16384x32xf32, #tpu.memory_space<hbm>> -> memref<512x32xf32, #tpu.memory_space<hbm>>
    %dma_wait3A_230 = arith.constant 0 : i32
    %dma_wait3A_231 = tpu.memref_slice %arg30[%mul3A_2, %dma_wait3A_230] : memref<16384x32xf32, #tpu.memory_space<hbm>> -> memref<512x32xf32, #tpu.memory_space<hbm>>
    %dma_wait3A_232 = arith.constant 0 : i32
    %dma_wait3A_233 = arith.constant 0 : i32
    %dma_wait3A_234 = tpu.memref_slice %arg56[%dma_wait3A_223, %dma_wait3A_232, %dma_wait3A_233] : memref<6x512x32xf32, #tpu.memory_space<vmem>> -> memref<1x512x32xf32, #tpu.memory_space<vmem>>
    %dma_wait3A_235 = tpu.memref_squeeze %dma_wait3A_234 : memref<1x512x32xf32, #tpu.memory_space<vmem>> -> memref<512x32xf32, #tpu.memory_space<vmem>>
    tpu.wait_dma2 semaphore(%arg64 : memref<!tpu.dma_semaphore, #tpu.memory_space<semaphore_mem>>) src(%dma_wait3A_235 : memref<512x32xf32, #tpu.memory_space<vmem>>) dst(%dma_wait3A_231 : memref<512x32xf32, #tpu.memory_space<hbm>>)
    %dma_start3A_236 = arith.constant 7 : i32
    %dma_start3A_237 = arith.constant 1 : i32
    %dma_start3A_238 = arith.constant 0 : i32
    %dma_start3A_239 = arith.constant 0 : i32
    %dma_start3A_240 = tpu.memref_slice %arg56[%dma_start3A_237, %dma_start3A_238, %dma_start3A_239] : memref<6x512x32xf32, #tpu.memory_space<vmem>> -> memref<1x512x32xf32, #tpu.memory_space<vmem>>
    %dma_start3A_241 = tpu.memref_squeeze %dma_start3A_240 : memref<1x512x32xf32, #tpu.memory_space<vmem>> -> memref<512x32xf32, #tpu.memory_space<vmem>>
    %dma_start3A_242 = arith.constant 0 : i32
    %dma_start3A_243 = tpu.memref_slice %arg55[%dma_start3A_236, %dma_start3A_242] : memref<26x512xi32, #tpu.memory_space<vmem>> -> memref<1x512xi32, #tpu.memory_space<vmem>>
    %dma_start3A_244 = tpu.memref_squeeze %dma_start3A_243 : memref<1x512xi32, #tpu.memory_space<vmem>> -> memref<512xi32, #tpu.memory_space<vmem>>
    %dma_start3A_245 = arith.constant 0 : i32
    %dma_start3A_246 = arith.constant 0 : i32
    %dma_start3A_247 = tpu.memref_slice %arg10[%dma_start3A_245, %dma_start3A_246] : memref<100000x32xf32, #tpu.memory_space<hbm>> -> memref<100000x32xf32, #tpu.memory_space<hbm>>
    tpu.enqueue_indirect_dma source(%dma_start3A_247 : memref<100000x32xf32, #tpu.memory_space<hbm>>) target(%dma_start3A_241 : memref<512x32xf32, #tpu.memory_space<vmem>>) offsets(%dma_start3A_244 : memref<512xi32, #tpu.memory_space<vmem>>) semaphore(%arg58 : memref<!tpu.dma_semaphore, #tpu.memory_space<semaphore_mem>>)
    %dma_wait3A_248 = arith.constant 5 : i32
    %dma_wait3A_249 = arith.constant 5 : i32
    %dma_wait3A_250 = arith.constant 0 : i32
    %dma_wait3A_251 = arith.constant 0 : i32
    %dma_wait3A_252 = tpu.memref_slice %arg56[%dma_wait3A_249, %dma_wait3A_250, %dma_wait3A_251] : memref<6x512x32xf32, #tpu.memory_space<vmem>> -> memref<1x512x32xf32, #tpu.memory_space<vmem>>
    %dma_wait3A_253 = tpu.memref_squeeze %dma_wait3A_252 : memref<1x512x32xf32, #tpu.memory_space<vmem>> -> memref<512x32xf32, #tpu.memory_space<vmem>>
    %dma_wait3A_254 = arith.constant 0 : i32
    %dma_wait3A_255 = tpu.memref_slice %arg55[%dma_wait3A_248, %dma_wait3A_254] : memref<26x512xi32, #tpu.memory_space<vmem>> -> memref<1x512xi32, #tpu.memory_space<vmem>>
    %dma_wait3A_256 = tpu.memref_squeeze %dma_wait3A_255 : memref<1x512xi32, #tpu.memory_space<vmem>> -> memref<512xi32, #tpu.memory_space<vmem>>
    %dma_wait3A_257 = arith.constant 0 : i32
    %dma_wait3A_258 = arith.constant 0 : i32
    %dma_wait3A_259 = tpu.memref_slice %arg8[%dma_wait3A_257, %dma_wait3A_258] : memref<100000x32xf32, #tpu.memory_space<hbm>> -> memref<100000x32xf32, #tpu.memory_space<hbm>>
    tpu.wait_indirect_dma semaphore(%arg62 : memref<!tpu.dma_semaphore, #tpu.memory_space<semaphore_mem>>) src(%dma_wait3A_259 : memref<100000x32xf32, #tpu.memory_space<hbm>>) dst(%dma_wait3A_253 : memref<512x32xf32, #tpu.memory_space<vmem>>)
    %dma_start3A_260 = arith.constant 5 : i32
    %dma_start3A_261 = arith.constant 0 : i32
    %dma_start3A_262 = arith.constant 0 : i32
    %dma_start3A_263 = tpu.memref_slice %arg56[%dma_start3A_260, %dma_start3A_261, %dma_start3A_262] : memref<6x512x32xf32, #tpu.memory_space<vmem>> -> memref<1x512x32xf32, #tpu.memory_space<vmem>>
    %dma_start3A_264 = tpu.memref_squeeze %dma_start3A_263 : memref<1x512x32xf32, #tpu.memory_space<vmem>> -> memref<512x32xf32, #tpu.memory_space<vmem>>
    %dma_start3A_265 = arith.constant 0 : i32
    %dma_start3A_266 = tpu.memref_slice %arg34[%mul3A_2, %dma_start3A_265] : memref<16384x32xf32, #tpu.memory_space<hbm>> -> memref<512x32xf32, #tpu.memory_space<hbm>>
    %dma_start3A_267 = arith.constant 0 : i32
    %dma_start3A_268 = tpu.memref_slice %arg34[%mul3A_2, %dma_start3A_267] : memref<16384x32xf32, #tpu.memory_space<hbm>> -> memref<512x32xf32, #tpu.memory_space<hbm>>
    %dma_start3A_269 = arith.constant 0 : i32
    %dma_start3A_270 = arith.constant 0 : i32
    %dma_start3A_271 = tpu.memref_slice %arg56[%dma_start3A_260, %dma_start3A_269, %dma_start3A_270] : memref<6x512x32xf32, #tpu.memory_space<vmem>> -> memref<1x512x32xf32, #tpu.memory_space<vmem>>
    %dma_start3A_272 = tpu.memref_squeeze %dma_start3A_271 : memref<1x512x32xf32, #tpu.memory_space<vmem>> -> memref<512x32xf32, #tpu.memory_space<vmem>>
    tpu.enqueue_dma source(%dma_start3A_272 : memref<512x32xf32, #tpu.memory_space<vmem>>) target(%dma_start3A_268 : memref<512x32xf32, #tpu.memory_space<hbm>>) target_semaphore(%arg68 : memref<!tpu.dma_semaphore, #tpu.memory_space<semaphore_mem>>)
    %dma_wait3A_273 = arith.constant 2 : i32
    %dma_wait3A_274 = arith.constant 0 : i32
    %dma_wait3A_275 = arith.constant 0 : i32
    %dma_wait3A_276 = tpu.memref_slice %arg56[%dma_wait3A_273, %dma_wait3A_274, %dma_wait3A_275] : memref<6x512x32xf32, #tpu.memory_space<vmem>> -> memref<1x512x32xf32, #tpu.memory_space<vmem>>
    %dma_wait3A_277 = tpu.memref_squeeze %dma_wait3A_276 : memref<1x512x32xf32, #tpu.memory_space<vmem>> -> memref<512x32xf32, #tpu.memory_space<vmem>>
    %dma_wait3A_278 = arith.constant 0 : i32
    %dma_wait3A_279 = tpu.memref_slice %arg31[%mul3A_2, %dma_wait3A_278] : memref<16384x32xf32, #tpu.memory_space<hbm>> -> memref<512x32xf32, #tpu.memory_space<hbm>>
    %dma_wait3A_280 = arith.constant 0 : i32
    %dma_wait3A_281 = tpu.memref_slice %arg31[%mul3A_2, %dma_wait3A_280] : memref<16384x32xf32, #tpu.memory_space<hbm>> -> memref<512x32xf32, #tpu.memory_space<hbm>>
    %dma_wait3A_282 = arith.constant 0 : i32
    %dma_wait3A_283 = arith.constant 0 : i32
    %dma_wait3A_284 = tpu.memref_slice %arg56[%dma_wait3A_273, %dma_wait3A_282, %dma_wait3A_283] : memref<6x512x32xf32, #tpu.memory_space<vmem>> -> memref<1x512x32xf32, #tpu.memory_space<vmem>>
    %dma_wait3A_285 = tpu.memref_squeeze %dma_wait3A_284 : memref<1x512x32xf32, #tpu.memory_space<vmem>> -> memref<512x32xf32, #tpu.memory_space<vmem>>
    tpu.wait_dma2 semaphore(%arg65 : memref<!tpu.dma_semaphore, #tpu.memory_space<semaphore_mem>>) src(%dma_wait3A_285 : memref<512x32xf32, #tpu.memory_space<vmem>>) dst(%dma_wait3A_281 : memref<512x32xf32, #tpu.memory_space<hbm>>)
    %dma_start3A_286 = arith.constant 8 : i32
    %dma_start3A_287 = arith.constant 2 : i32
    %dma_start3A_288 = arith.constant 0 : i32
    %dma_start3A_289 = arith.constant 0 : i32
    %dma_start3A_290 = tpu.memref_slice %arg56[%dma_start3A_287, %dma_start3A_288, %dma_start3A_289] : memref<6x512x32xf32, #tpu.memory_space<vmem>> -> memref<1x512x32xf32, #tpu.memory_space<vmem>>
    %dma_start3A_291 = tpu.memref_squeeze %dma_start3A_290 : memref<1x512x32xf32, #tpu.memory_space<vmem>> -> memref<512x32xf32, #tpu.memory_space<vmem>>
    %dma_start3A_292 = arith.constant 0 : i32
    %dma_start3A_293 = tpu.memref_slice %arg55[%dma_start3A_286, %dma_start3A_292] : memref<26x512xi32, #tpu.memory_space<vmem>> -> memref<1x512xi32, #tpu.memory_space<vmem>>
    %dma_start3A_294 = tpu.memref_squeeze %dma_start3A_293 : memref<1x512xi32, #tpu.memory_space<vmem>> -> memref<512xi32, #tpu.memory_space<vmem>>
    %dma_start3A_295 = arith.constant 0 : i32
    %dma_start3A_296 = arith.constant 0 : i32
    %dma_start3A_297 = tpu.memref_slice %arg11[%dma_start3A_295, %dma_start3A_296] : memref<100000x32xf32, #tpu.memory_space<hbm>> -> memref<100000x32xf32, #tpu.memory_space<hbm>>
    tpu.enqueue_indirect_dma source(%dma_start3A_297 : memref<100000x32xf32, #tpu.memory_space<hbm>>) target(%dma_start3A_291 : memref<512x32xf32, #tpu.memory_space<vmem>>) offsets(%dma_start3A_294 : memref<512xi32, #tpu.memory_space<vmem>>) semaphore(%arg59 : memref<!tpu.dma_semaphore, #tpu.memory_space<semaphore_mem>>)
    %dma_wait3A_298 = arith.constant 6 : i32
    %dma_wait3A_299 = arith.constant 0 : i32
    %dma_wait3A_300 = arith.constant 0 : i32
    %dma_wait3A_301 = arith.constant 0 : i32
    %dma_wait3A_302 = tpu.memref_slice %arg56[%dma_wait3A_299, %dma_wait3A_300, %dma_wait3A_301] : memref<6x512x32xf32, #tpu.memory_space<vmem>> -> memref<1x512x32xf32, #tpu.memory_space<vmem>>
    %dma_wait3A_303 = tpu.memref_squeeze %dma_wait3A_302 : memref<1x512x32xf32, #tpu.memory_space<vmem>> -> memref<512x32xf32, #tpu.memory_space<vmem>>
    %dma_wait3A_304 = arith.constant 0 : i32
    %dma_wait3A_305 = tpu.memref_slice %arg55[%dma_wait3A_298, %dma_wait3A_304] : memref<26x512xi32, #tpu.memory_space<vmem>> -> memref<1x512xi32, #tpu.memory_space<vmem>>
    %dma_wait3A_306 = tpu.memref_squeeze %dma_wait3A_305 : memref<1x512xi32, #tpu.memory_space<vmem>> -> memref<512xi32, #tpu.memory_space<vmem>>
    %dma_wait3A_307 = arith.constant 0 : i32
    %dma_wait3A_308 = arith.constant 0 : i32
    %dma_wait3A_309 = tpu.memref_slice %arg9[%dma_wait3A_307, %dma_wait3A_308] : memref<100000x32xf32, #tpu.memory_space<hbm>> -> memref<100000x32xf32, #tpu.memory_space<hbm>>
    tpu.wait_indirect_dma semaphore(%arg57 : memref<!tpu.dma_semaphore, #tpu.memory_space<semaphore_mem>>) src(%dma_wait3A_309 : memref<100000x32xf32, #tpu.memory_space<hbm>>) dst(%dma_wait3A_303 : memref<512x32xf32, #tpu.memory_space<vmem>>)
    %dma_start3A_310 = arith.constant 0 : i32
    %dma_start3A_311 = arith.constant 0 : i32
    %dma_start3A_312 = arith.constant 0 : i32
    %dma_start3A_313 = tpu.memref_slice %arg56[%dma_start3A_310, %dma_start3A_311, %dma_start3A_312] : memref<6x512x32xf32, #tpu.memory_space<vmem>> -> memref<1x512x32xf32, #tpu.memory_space<vmem>>
    %dma_start3A_314 = tpu.memref_squeeze %dma_start3A_313 : memref<1x512x32xf32, #tpu.memory_space<vmem>> -> memref<512x32xf32, #tpu.memory_space<vmem>>
    %dma_start3A_315 = arith.constant 0 : i32
    %dma_start3A_316 = tpu.memref_slice %arg35[%mul3A_2, %dma_start3A_315] : memref<16384x32xf32, #tpu.memory_space<hbm>> -> memref<512x32xf32, #tpu.memory_space<hbm>>
    %dma_start3A_317 = arith.constant 0 : i32
    %dma_start3A_318 = tpu.memref_slice %arg35[%mul3A_2, %dma_start3A_317] : memref<16384x32xf32, #tpu.memory_space<hbm>> -> memref<512x32xf32, #tpu.memory_space<hbm>>
    %dma_start3A_319 = arith.constant 0 : i32
    %dma_start3A_320 = arith.constant 0 : i32
    %dma_start3A_321 = tpu.memref_slice %arg56[%dma_start3A_310, %dma_start3A_319, %dma_start3A_320] : memref<6x512x32xf32, #tpu.memory_space<vmem>> -> memref<1x512x32xf32, #tpu.memory_space<vmem>>
    %dma_start3A_322 = tpu.memref_squeeze %dma_start3A_321 : memref<1x512x32xf32, #tpu.memory_space<vmem>> -> memref<512x32xf32, #tpu.memory_space<vmem>>
    tpu.enqueue_dma source(%dma_start3A_322 : memref<512x32xf32, #tpu.memory_space<vmem>>) target(%dma_start3A_318 : memref<512x32xf32, #tpu.memory_space<hbm>>) target_semaphore(%arg63 : memref<!tpu.dma_semaphore, #tpu.memory_space<semaphore_mem>>)
    %dma_wait3A_323 = arith.constant 3 : i32
    %dma_wait3A_324 = arith.constant 0 : i32
    %dma_wait3A_325 = arith.constant 0 : i32
    %dma_wait3A_326 = tpu.memref_slice %arg56[%dma_wait3A_323, %dma_wait3A_324, %dma_wait3A_325] : memref<6x512x32xf32, #tpu.memory_space<vmem>> -> memref<1x512x32xf32, #tpu.memory_space<vmem>>
    %dma_wait3A_327 = tpu.memref_squeeze %dma_wait3A_326 : memref<1x512x32xf32, #tpu.memory_space<vmem>> -> memref<512x32xf32, #tpu.memory_space<vmem>>
    %dma_wait3A_328 = arith.constant 0 : i32
    %dma_wait3A_329 = tpu.memref_slice %arg32[%mul3A_2, %dma_wait3A_328] : memref<16384x32xf32, #tpu.memory_space<hbm>> -> memref<512x32xf32, #tpu.memory_space<hbm>>
    %dma_wait3A_330 = arith.constant 0 : i32
    %dma_wait3A_331 = tpu.memref_slice %arg32[%mul3A_2, %dma_wait3A_330] : memref<16384x32xf32, #tpu.memory_space<hbm>> -> memref<512x32xf32, #tpu.memory_space<hbm>>
    %dma_wait3A_332 = arith.constant 0 : i32
    %dma_wait3A_333 = arith.constant 0 : i32
    %dma_wait3A_334 = tpu.memref_slice %arg56[%dma_wait3A_323, %dma_wait3A_332, %dma_wait3A_333] : memref<6x512x32xf32, #tpu.memory_space<vmem>> -> memref<1x512x32xf32, #tpu.memory_space<vmem>>
    %dma_wait3A_335 = tpu.memref_squeeze %dma_wait3A_334 : memref<1x512x32xf32, #tpu.memory_space<vmem>> -> memref<512x32xf32, #tpu.memory_space<vmem>>
    tpu.wait_dma2 semaphore(%arg66 : memref<!tpu.dma_semaphore, #tpu.memory_space<semaphore_mem>>) src(%dma_wait3A_335 : memref<512x32xf32, #tpu.memory_space<vmem>>) dst(%dma_wait3A_331 : memref<512x32xf32, #tpu.memory_space<hbm>>)
    %dma_start3A_336 = arith.constant 9 : i32
    %dma_start3A_337 = arith.constant 3 : i32
    %dma_start3A_338 = arith.constant 0 : i32
    %dma_start3A_339 = arith.constant 0 : i32
    %dma_start3A_340 = tpu.memref_slice %arg56[%dma_start3A_337, %dma_start3A_338, %dma_start3A_339] : memref<6x512x32xf32, #tpu.memory_space<vmem>> -> memref<1x512x32xf32, #tpu.memory_space<vmem>>
    %dma_start3A_341 = tpu.memref_squeeze %dma_start3A_340 : memref<1x512x32xf32, #tpu.memory_space<vmem>> -> memref<512x32xf32, #tpu.memory_space<vmem>>
    %dma_start3A_342 = arith.constant 0 : i32
    %dma_start3A_343 = tpu.memref_slice %arg55[%dma_start3A_336, %dma_start3A_342] : memref<26x512xi32, #tpu.memory_space<vmem>> -> memref<1x512xi32, #tpu.memory_space<vmem>>
    %dma_start3A_344 = tpu.memref_squeeze %dma_start3A_343 : memref<1x512xi32, #tpu.memory_space<vmem>> -> memref<512xi32, #tpu.memory_space<vmem>>
    %dma_start3A_345 = arith.constant 0 : i32
    %dma_start3A_346 = arith.constant 0 : i32
    %dma_start3A_347 = tpu.memref_slice %arg12[%dma_start3A_345, %dma_start3A_346] : memref<100000x32xf32, #tpu.memory_space<hbm>> -> memref<100000x32xf32, #tpu.memory_space<hbm>>
    tpu.enqueue_indirect_dma source(%dma_start3A_347 : memref<100000x32xf32, #tpu.memory_space<hbm>>) target(%dma_start3A_341 : memref<512x32xf32, #tpu.memory_space<vmem>>) offsets(%dma_start3A_344 : memref<512xi32, #tpu.memory_space<vmem>>) semaphore(%arg60 : memref<!tpu.dma_semaphore, #tpu.memory_space<semaphore_mem>>)
    %dma_wait3A_348 = arith.constant 7 : i32
    %dma_wait3A_349 = arith.constant 1 : i32
    %dma_wait3A_350 = arith.constant 0 : i32
    %dma_wait3A_351 = arith.constant 0 : i32
    %dma_wait3A_352 = tpu.memref_slice %arg56[%dma_wait3A_349, %dma_wait3A_350, %dma_wait3A_351] : memref<6x512x32xf32, #tpu.memory_space<vmem>> -> memref<1x512x32xf32, #tpu.memory_space<vmem>>
    %dma_wait3A_353 = tpu.memref_squeeze %dma_wait3A_352 : memref<1x512x32xf32, #tpu.memory_space<vmem>> -> memref<512x32xf32, #tpu.memory_space<vmem>>
    %dma_wait3A_354 = arith.constant 0 : i32
    %dma_wait3A_355 = tpu.memref_slice %arg55[%dma_wait3A_348, %dma_wait3A_354] : memref<26x512xi32, #tpu.memory_space<vmem>> -> memref<1x512xi32, #tpu.memory_space<vmem>>
    %dma_wait3A_356 = tpu.memref_squeeze %dma_wait3A_355 : memref<1x512xi32, #tpu.memory_space<vmem>> -> memref<512xi32, #tpu.memory_space<vmem>>
    %dma_wait3A_357 = arith.constant 0 : i32
    %dma_wait3A_358 = arith.constant 0 : i32
    %dma_wait3A_359 = tpu.memref_slice %arg10[%dma_wait3A_357, %dma_wait3A_358] : memref<100000x32xf32, #tpu.memory_space<hbm>> -> memref<100000x32xf32, #tpu.memory_space<hbm>>
    tpu.wait_indirect_dma semaphore(%arg58 : memref<!tpu.dma_semaphore, #tpu.memory_space<semaphore_mem>>) src(%dma_wait3A_359 : memref<100000x32xf32, #tpu.memory_space<hbm>>) dst(%dma_wait3A_353 : memref<512x32xf32, #tpu.memory_space<vmem>>)
    %dma_start3A_360 = arith.constant 1 : i32
    %dma_start3A_361 = arith.constant 0 : i32
    %dma_start3A_362 = arith.constant 0 : i32
    %dma_start3A_363 = tpu.memref_slice %arg56[%dma_start3A_360, %dma_start3A_361, %dma_start3A_362] : memref<6x512x32xf32, #tpu.memory_space<vmem>> -> memref<1x512x32xf32, #tpu.memory_space<vmem>>
    %dma_start3A_364 = tpu.memref_squeeze %dma_start3A_363 : memref<1x512x32xf32, #tpu.memory_space<vmem>> -> memref<512x32xf32, #tpu.memory_space<vmem>>
    %dma_start3A_365 = arith.constant 0 : i32
    %dma_start3A_366 = tpu.memref_slice %arg36[%mul3A_2, %dma_start3A_365] : memref<16384x32xf32, #tpu.memory_space<hbm>> -> memref<512x32xf32, #tpu.memory_space<hbm>>
    %dma_start3A_367 = arith.constant 0 : i32
    %dma_start3A_368 = tpu.memref_slice %arg36[%mul3A_2, %dma_start3A_367] : memref<16384x32xf32, #tpu.memory_space<hbm>> -> memref<512x32xf32, #tpu.memory_space<hbm>>
    %dma_start3A_369 = arith.constant 0 : i32
    %dma_start3A_370 = arith.constant 0 : i32
    %dma_start3A_371 = tpu.memref_slice %arg56[%dma_start3A_360, %dma_start3A_369, %dma_start3A_370] : memref<6x512x32xf32, #tpu.memory_space<vmem>> -> memref<1x512x32xf32, #tpu.memory_space<vmem>>
    %dma_start3A_372 = tpu.memref_squeeze %dma_start3A_371 : memref<1x512x32xf32, #tpu.memory_space<vmem>> -> memref<512x32xf32, #tpu.memory_space<vmem>>
    tpu.enqueue_dma source(%dma_start3A_372 : memref<512x32xf32, #tpu.memory_space<vmem>>) target(%dma_start3A_368 : memref<512x32xf32, #tpu.memory_space<hbm>>) target_semaphore(%arg64 : memref<!tpu.dma_semaphore, #tpu.memory_space<semaphore_mem>>)
    %dma_wait3A_373 = arith.constant 4 : i32
    %dma_wait3A_374 = arith.constant 0 : i32
    %dma_wait3A_375 = arith.constant 0 : i32
    %dma_wait3A_376 = tpu.memref_slice %arg56[%dma_wait3A_373, %dma_wait3A_374, %dma_wait3A_375] : memref<6x512x32xf32, #tpu.memory_space<vmem>> -> memref<1x512x32xf32, #tpu.memory_space<vmem>>
    %dma_wait3A_377 = tpu.memref_squeeze %dma_wait3A_376 : memref<1x512x32xf32, #tpu.memory_space<vmem>> -> memref<512x32xf32, #tpu.memory_space<vmem>>
    %dma_wait3A_378 = arith.constant 0 : i32
    %dma_wait3A_379 = tpu.memref_slice %arg33[%mul3A_2, %dma_wait3A_378] : memref<16384x32xf32, #tpu.memory_space<hbm>> -> memref<512x32xf32, #tpu.memory_space<hbm>>
    %dma_wait3A_380 = arith.constant 0 : i32
    %dma_wait3A_381 = tpu.memref_slice %arg33[%mul3A_2, %dma_wait3A_380] : memref<16384x32xf32, #tpu.memory_space<hbm>> -> memref<512x32xf32, #tpu.memory_space<hbm>>
    %dma_wait3A_382 = arith.constant 0 : i32
    %dma_wait3A_383 = arith.constant 0 : i32
    %dma_wait3A_384 = tpu.memref_slice %arg56[%dma_wait3A_373, %dma_wait3A_382, %dma_wait3A_383] : memref<6x512x32xf32, #tpu.memory_space<vmem>> -> memref<1x512x32xf32, #tpu.memory_space<vmem>>
    %dma_wait3A_385 = tpu.memref_squeeze %dma_wait3A_384 : memref<1x512x32xf32, #tpu.memory_space<vmem>> -> memref<512x32xf32, #tpu.memory_space<vmem>>
    tpu.wait_dma2 semaphore(%arg67 : memref<!tpu.dma_semaphore, #tpu.memory_space<semaphore_mem>>) src(%dma_wait3A_385 : memref<512x32xf32, #tpu.memory_space<vmem>>) dst(%dma_wait3A_381 : memref<512x32xf32, #tpu.memory_space<hbm>>)
    %dma_start3A_386 = arith.constant 10 : i32
    %dma_start3A_387 = arith.constant 4 : i32
    %dma_start3A_388 = arith.constant 0 : i32
    %dma_start3A_389 = arith.constant 0 : i32
    %dma_start3A_390 = tpu.memref_slice %arg56[%dma_start3A_387, %dma_start3A_388, %dma_start3A_389] : memref<6x512x32xf32, #tpu.memory_space<vmem>> -> memref<1x512x32xf32, #tpu.memory_space<vmem>>
    %dma_start3A_391 = tpu.memref_squeeze %dma_start3A_390 : memref<1x512x32xf32, #tpu.memory_space<vmem>> -> memref<512x32xf32, #tpu.memory_space<vmem>>
    %dma_start3A_392 = arith.constant 0 : i32
    %dma_start3A_393 = tpu.memref_slice %arg55[%dma_start3A_386, %dma_start3A_392] : memref<26x512xi32, #tpu.memory_space<vmem>> -> memref<1x512xi32, #tpu.memory_space<vmem>>
    %dma_start3A_394 = tpu.memref_squeeze %dma_start3A_393 : memref<1x512xi32, #tpu.memory_space<vmem>> -> memref<512xi32, #tpu.memory_space<vmem>>
    %dma_start3A_395 = arith.constant 0 : i32
    %dma_start3A_396 = arith.constant 0 : i32
    %dma_start3A_397 = tpu.memref_slice %arg13[%dma_start3A_395, %dma_start3A_396] : memref<100000x32xf32, #tpu.memory_space<hbm>> -> memref<100000x32xf32, #tpu.memory_space<hbm>>
    tpu.enqueue_indirect_dma source(%dma_start3A_397 : memref<100000x32xf32, #tpu.memory_space<hbm>>) target(%dma_start3A_391 : memref<512x32xf32, #tpu.memory_space<vmem>>) offsets(%dma_start3A_394 : memref<512xi32, #tpu.memory_space<vmem>>) semaphore(%arg61 : memref<!tpu.dma_semaphore, #tpu.memory_space<semaphore_mem>>)
    %dma_wait3A_398 = arith.constant 8 : i32
    %dma_wait3A_399 = arith.constant 2 : i32
    %dma_wait3A_400 = arith.constant 0 : i32
    %dma_wait3A_401 = arith.constant 0 : i32
    %dma_wait3A_402 = tpu.memref_slice %arg56[%dma_wait3A_399, %dma_wait3A_400, %dma_wait3A_401] : memref<6x512x32xf32, #tpu.memory_space<vmem>> -> memref<1x512x32xf32, #tpu.memory_space<vmem>>
    %dma_wait3A_403 = tpu.memref_squeeze %dma_wait3A_402 : memref<1x512x32xf32, #tpu.memory_space<vmem>> -> memref<512x32xf32, #tpu.memory_space<vmem>>
    %dma_wait3A_404 = arith.constant 0 : i32
    %dma_wait3A_405 = tpu.memref_slice %arg55[%dma_wait3A_398, %dma_wait3A_404] : memref<26x512xi32, #tpu.memory_space<vmem>> -> memref<1x512xi32, #tpu.memory_space<vmem>>
    %dma_wait3A_406 = tpu.memref_squeeze %dma_wait3A_405 : memref<1x512xi32, #tpu.memory_space<vmem>> -> memref<512xi32, #tpu.memory_space<vmem>>
    %dma_wait3A_407 = arith.constant 0 : i32
    %dma_wait3A_408 = arith.constant 0 : i32
    %dma_wait3A_409 = tpu.memref_slice %arg11[%dma_wait3A_407, %dma_wait3A_408] : memref<100000x32xf32, #tpu.memory_space<hbm>> -> memref<100000x32xf32, #tpu.memory_space<hbm>>
    tpu.wait_indirect_dma semaphore(%arg59 : memref<!tpu.dma_semaphore, #tpu.memory_space<semaphore_mem>>) src(%dma_wait3A_409 : memref<100000x32xf32, #tpu.memory_space<hbm>>) dst(%dma_wait3A_403 : memref<512x32xf32, #tpu.memory_space<vmem>>)
    %dma_start3A_410 = arith.constant 2 : i32
    %dma_start3A_411 = arith.constant 0 : i32
    %dma_start3A_412 = arith.constant 0 : i32
    %dma_start3A_413 = tpu.memref_slice %arg56[%dma_start3A_410, %dma_start3A_411, %dma_start3A_412] : memref<6x512x32xf32, #tpu.memory_space<vmem>> -> memref<1x512x32xf32, #tpu.memory_space<vmem>>
    %dma_start3A_414 = tpu.memref_squeeze %dma_start3A_413 : memref<1x512x32xf32, #tpu.memory_space<vmem>> -> memref<512x32xf32, #tpu.memory_space<vmem>>
    %dma_start3A_415 = arith.constant 0 : i32
    %dma_start3A_416 = tpu.memref_slice %arg37[%mul3A_2, %dma_start3A_415] : memref<16384x32xf32, #tpu.memory_space<hbm>> -> memref<512x32xf32, #tpu.memory_space<hbm>>
    %dma_start3A_417 = arith.constant 0 : i32
    %dma_start3A_418 = tpu.memref_slice %arg37[%mul3A_2, %dma_start3A_417] : memref<16384x32xf32, #tpu.memory_space<hbm>> -> memref<512x32xf32, #tpu.memory_space<hbm>>
    %dma_start3A_419 = arith.constant 0 : i32
    %dma_start3A_420 = arith.constant 0 : i32
    %dma_start3A_421 = tpu.memref_slice %arg56[%dma_start3A_410, %dma_start3A_419, %dma_start3A_420] : memref<6x512x32xf32, #tpu.memory_space<vmem>> -> memref<1x512x32xf32, #tpu.memory_space<vmem>>
    %dma_start3A_422 = tpu.memref_squeeze %dma_start3A_421 : memref<1x512x32xf32, #tpu.memory_space<vmem>> -> memref<512x32xf32, #tpu.memory_space<vmem>>
    tpu.enqueue_dma source(%dma_start3A_422 : memref<512x32xf32, #tpu.memory_space<vmem>>) target(%dma_start3A_418 : memref<512x32xf32, #tpu.memory_space<hbm>>) target_semaphore(%arg65 : memref<!tpu.dma_semaphore, #tpu.memory_space<semaphore_mem>>)
    %dma_wait3A_423 = arith.constant 5 : i32
    %dma_wait3A_424 = arith.constant 0 : i32
    %dma_wait3A_425 = arith.constant 0 : i32
    %dma_wait3A_426 = tpu.memref_slice %arg56[%dma_wait3A_423, %dma_wait3A_424, %dma_wait3A_425] : memref<6x512x32xf32, #tpu.memory_space<vmem>> -> memref<1x512x32xf32, #tpu.memory_space<vmem>>
    %dma_wait3A_427 = tpu.memref_squeeze %dma_wait3A_426 : memref<1x512x32xf32, #tpu.memory_space<vmem>> -> memref<512x32xf32, #tpu.memory_space<vmem>>
    %dma_wait3A_428 = arith.constant 0 : i32
    %dma_wait3A_429 = tpu.memref_slice %arg34[%mul3A_2, %dma_wait3A_428] : memref<16384x32xf32, #tpu.memory_space<hbm>> -> memref<512x32xf32, #tpu.memory_space<hbm>>
    %dma_wait3A_430 = arith.constant 0 : i32
    %dma_wait3A_431 = tpu.memref_slice %arg34[%mul3A_2, %dma_wait3A_430] : memref<16384x32xf32, #tpu.memory_space<hbm>> -> memref<512x32xf32, #tpu.memory_space<hbm>>
    %dma_wait3A_432 = arith.constant 0 : i32
    %dma_wait3A_433 = arith.constant 0 : i32
    %dma_wait3A_434 = tpu.memref_slice %arg56[%dma_wait3A_423, %dma_wait3A_432, %dma_wait3A_433] : memref<6x512x32xf32, #tpu.memory_space<vmem>> -> memref<1x512x32xf32, #tpu.memory_space<vmem>>
    %dma_wait3A_435 = tpu.memref_squeeze %dma_wait3A_434 : memref<1x512x32xf32, #tpu.memory_space<vmem>> -> memref<512x32xf32, #tpu.memory_space<vmem>>
    tpu.wait_dma2 semaphore(%arg68 : memref<!tpu.dma_semaphore, #tpu.memory_space<semaphore_mem>>) src(%dma_wait3A_435 : memref<512x32xf32, #tpu.memory_space<vmem>>) dst(%dma_wait3A_431 : memref<512x32xf32, #tpu.memory_space<hbm>>)
    %dma_start3A_436 = arith.constant 11 : i32
    %dma_start3A_437 = arith.constant 5 : i32
    %dma_start3A_438 = arith.constant 0 : i32
    %dma_start3A_439 = arith.constant 0 : i32
    %dma_start3A_440 = tpu.memref_slice %arg56[%dma_start3A_437, %dma_start3A_438, %dma_start3A_439] : memref<6x512x32xf32, #tpu.memory_space<vmem>> -> memref<1x512x32xf32, #tpu.memory_space<vmem>>
    %dma_start3A_441 = tpu.memref_squeeze %dma_start3A_440 : memref<1x512x32xf32, #tpu.memory_space<vmem>> -> memref<512x32xf32, #tpu.memory_space<vmem>>
    %dma_start3A_442 = arith.constant 0 : i32
    %dma_start3A_443 = tpu.memref_slice %arg55[%dma_start3A_436, %dma_start3A_442] : memref<26x512xi32, #tpu.memory_space<vmem>> -> memref<1x512xi32, #tpu.memory_space<vmem>>
    %dma_start3A_444 = tpu.memref_squeeze %dma_start3A_443 : memref<1x512xi32, #tpu.memory_space<vmem>> -> memref<512xi32, #tpu.memory_space<vmem>>
    %dma_start3A_445 = arith.constant 0 : i32
    %dma_start3A_446 = arith.constant 0 : i32
    %dma_start3A_447 = tpu.memref_slice %arg14[%dma_start3A_445, %dma_start3A_446] : memref<100000x32xf32, #tpu.memory_space<hbm>> -> memref<100000x32xf32, #tpu.memory_space<hbm>>
    tpu.enqueue_indirect_dma source(%dma_start3A_447 : memref<100000x32xf32, #tpu.memory_space<hbm>>) target(%dma_start3A_441 : memref<512x32xf32, #tpu.memory_space<vmem>>) offsets(%dma_start3A_444 : memref<512xi32, #tpu.memory_space<vmem>>) semaphore(%arg62 : memref<!tpu.dma_semaphore, #tpu.memory_space<semaphore_mem>>)
    %dma_wait3A_448 = arith.constant 9 : i32
    %dma_wait3A_449 = arith.constant 3 : i32
    %dma_wait3A_450 = arith.constant 0 : i32
    %dma_wait3A_451 = arith.constant 0 : i32
    %dma_wait3A_452 = tpu.memref_slice %arg56[%dma_wait3A_449, %dma_wait3A_450, %dma_wait3A_451] : memref<6x512x32xf32, #tpu.memory_space<vmem>> -> memref<1x512x32xf32, #tpu.memory_space<vmem>>
    %dma_wait3A_453 = tpu.memref_squeeze %dma_wait3A_452 : memref<1x512x32xf32, #tpu.memory_space<vmem>> -> memref<512x32xf32, #tpu.memory_space<vmem>>
    %dma_wait3A_454 = arith.constant 0 : i32
    %dma_wait3A_455 = tpu.memref_slice %arg55[%dma_wait3A_448, %dma_wait3A_454] : memref<26x512xi32, #tpu.memory_space<vmem>> -> memref<1x512xi32, #tpu.memory_space<vmem>>
    %dma_wait3A_456 = tpu.memref_squeeze %dma_wait3A_455 : memref<1x512xi32, #tpu.memory_space<vmem>> -> memref<512xi32, #tpu.memory_space<vmem>>
    %dma_wait3A_457 = arith.constant 0 : i32
    %dma_wait3A_458 = arith.constant 0 : i32
    %dma_wait3A_459 = tpu.memref_slice %arg12[%dma_wait3A_457, %dma_wait3A_458] : memref<100000x32xf32, #tpu.memory_space<hbm>> -> memref<100000x32xf32, #tpu.memory_space<hbm>>
    tpu.wait_indirect_dma semaphore(%arg60 : memref<!tpu.dma_semaphore, #tpu.memory_space<semaphore_mem>>) src(%dma_wait3A_459 : memref<100000x32xf32, #tpu.memory_space<hbm>>) dst(%dma_wait3A_453 : memref<512x32xf32, #tpu.memory_space<vmem>>)
    %dma_start3A_460 = arith.constant 3 : i32
    %dma_start3A_461 = arith.constant 0 : i32
    %dma_start3A_462 = arith.constant 0 : i32
    %dma_start3A_463 = tpu.memref_slice %arg56[%dma_start3A_460, %dma_start3A_461, %dma_start3A_462] : memref<6x512x32xf32, #tpu.memory_space<vmem>> -> memref<1x512x32xf32, #tpu.memory_space<vmem>>
    %dma_start3A_464 = tpu.memref_squeeze %dma_start3A_463 : memref<1x512x32xf32, #tpu.memory_space<vmem>> -> memref<512x32xf32, #tpu.memory_space<vmem>>
    %dma_start3A_465 = arith.constant 0 : i32
    %dma_start3A_466 = tpu.memref_slice %arg38[%mul3A_2, %dma_start3A_465] : memref<16384x32xf32, #tpu.memory_space<hbm>> -> memref<512x32xf32, #tpu.memory_space<hbm>>
    %dma_start3A_467 = arith.constant 0 : i32
    %dma_start3A_468 = tpu.memref_slice %arg38[%mul3A_2, %dma_start3A_467] : memref<16384x32xf32, #tpu.memory_space<hbm>> -> memref<512x32xf32, #tpu.memory_space<hbm>>
    %dma_start3A_469 = arith.constant 0 : i32
    %dma_start3A_470 = arith.constant 0 : i32
    %dma_start3A_471 = tpu.memref_slice %arg56[%dma_start3A_460, %dma_start3A_469, %dma_start3A_470] : memref<6x512x32xf32, #tpu.memory_space<vmem>> -> memref<1x512x32xf32, #tpu.memory_space<vmem>>
    %dma_start3A_472 = tpu.memref_squeeze %dma_start3A_471 : memref<1x512x32xf32, #tpu.memory_space<vmem>> -> memref<512x32xf32, #tpu.memory_space<vmem>>
    tpu.enqueue_dma source(%dma_start3A_472 : memref<512x32xf32, #tpu.memory_space<vmem>>) target(%dma_start3A_468 : memref<512x32xf32, #tpu.memory_space<hbm>>) target_semaphore(%arg66 : memref<!tpu.dma_semaphore, #tpu.memory_space<semaphore_mem>>)
    %dma_wait3A_473 = arith.constant 0 : i32
    %dma_wait3A_474 = arith.constant 0 : i32
    %dma_wait3A_475 = arith.constant 0 : i32
    %dma_wait3A_476 = tpu.memref_slice %arg56[%dma_wait3A_473, %dma_wait3A_474, %dma_wait3A_475] : memref<6x512x32xf32, #tpu.memory_space<vmem>> -> memref<1x512x32xf32, #tpu.memory_space<vmem>>
    %dma_wait3A_477 = tpu.memref_squeeze %dma_wait3A_476 : memref<1x512x32xf32, #tpu.memory_space<vmem>> -> memref<512x32xf32, #tpu.memory_space<vmem>>
    %dma_wait3A_478 = arith.constant 0 : i32
    %dma_wait3A_479 = tpu.memref_slice %arg35[%mul3A_2, %dma_wait3A_478] : memref<16384x32xf32, #tpu.memory_space<hbm>> -> memref<512x32xf32, #tpu.memory_space<hbm>>
    %dma_wait3A_480 = arith.constant 0 : i32
    %dma_wait3A_481 = tpu.memref_slice %arg35[%mul3A_2, %dma_wait3A_480] : memref<16384x32xf32, #tpu.memory_space<hbm>> -> memref<512x32xf32, #tpu.memory_space<hbm>>
    %dma_wait3A_482 = arith.constant 0 : i32
    %dma_wait3A_483 = arith.constant 0 : i32
    %dma_wait3A_484 = tpu.memref_slice %arg56[%dma_wait3A_473, %dma_wait3A_482, %dma_wait3A_483] : memref<6x512x32xf32, #tpu.memory_space<vmem>> -> memref<1x512x32xf32, #tpu.memory_space<vmem>>
    %dma_wait3A_485 = tpu.memref_squeeze %dma_wait3A_484 : memref<1x512x32xf32, #tpu.memory_space<vmem>> -> memref<512x32xf32, #tpu.memory_space<vmem>>
    tpu.wait_dma2 semaphore(%arg63 : memref<!tpu.dma_semaphore, #tpu.memory_space<semaphore_mem>>) src(%dma_wait3A_485 : memref<512x32xf32, #tpu.memory_space<vmem>>) dst(%dma_wait3A_481 : memref<512x32xf32, #tpu.memory_space<hbm>>)
    %dma_start3A_486 = arith.constant 12 : i32
    %dma_start3A_487 = arith.constant 0 : i32
    %dma_start3A_488 = arith.constant 0 : i32
    %dma_start3A_489 = arith.constant 0 : i32
    %dma_start3A_490 = tpu.memref_slice %arg56[%dma_start3A_487, %dma_start3A_488, %dma_start3A_489] : memref<6x512x32xf32, #tpu.memory_space<vmem>> -> memref<1x512x32xf32, #tpu.memory_space<vmem>>
    %dma_start3A_491 = tpu.memref_squeeze %dma_start3A_490 : memref<1x512x32xf32, #tpu.memory_space<vmem>> -> memref<512x32xf32, #tpu.memory_space<vmem>>
    %dma_start3A_492 = arith.constant 0 : i32
    %dma_start3A_493 = tpu.memref_slice %arg55[%dma_start3A_486, %dma_start3A_492] : memref<26x512xi32, #tpu.memory_space<vmem>> -> memref<1x512xi32, #tpu.memory_space<vmem>>
    %dma_start3A_494 = tpu.memref_squeeze %dma_start3A_493 : memref<1x512xi32, #tpu.memory_space<vmem>> -> memref<512xi32, #tpu.memory_space<vmem>>
    %dma_start3A_495 = arith.constant 0 : i32
    %dma_start3A_496 = arith.constant 0 : i32
    %dma_start3A_497 = tpu.memref_slice %arg15[%dma_start3A_495, %dma_start3A_496] : memref<100000x32xf32, #tpu.memory_space<hbm>> -> memref<100000x32xf32, #tpu.memory_space<hbm>>
    tpu.enqueue_indirect_dma source(%dma_start3A_497 : memref<100000x32xf32, #tpu.memory_space<hbm>>) target(%dma_start3A_491 : memref<512x32xf32, #tpu.memory_space<vmem>>) offsets(%dma_start3A_494 : memref<512xi32, #tpu.memory_space<vmem>>) semaphore(%arg57 : memref<!tpu.dma_semaphore, #tpu.memory_space<semaphore_mem>>)
    %dma_wait3A_498 = arith.constant 10 : i32
    %dma_wait3A_499 = arith.constant 4 : i32
    %dma_wait3A_500 = arith.constant 0 : i32
    %dma_wait3A_501 = arith.constant 0 : i32
    %dma_wait3A_502 = tpu.memref_slice %arg56[%dma_wait3A_499, %dma_wait3A_500, %dma_wait3A_501] : memref<6x512x32xf32, #tpu.memory_space<vmem>> -> memref<1x512x32xf32, #tpu.memory_space<vmem>>
    %dma_wait3A_503 = tpu.memref_squeeze %dma_wait3A_502 : memref<1x512x32xf32, #tpu.memory_space<vmem>> -> memref<512x32xf32, #tpu.memory_space<vmem>>
    %dma_wait3A_504 = arith.constant 0 : i32
    %dma_wait3A_505 = tpu.memref_slice %arg55[%dma_wait3A_498, %dma_wait3A_504] : memref<26x512xi32, #tpu.memory_space<vmem>> -> memref<1x512xi32, #tpu.memory_space<vmem>>
    %dma_wait3A_506 = tpu.memref_squeeze %dma_wait3A_505 : memref<1x512xi32, #tpu.memory_space<vmem>> -> memref<512xi32, #tpu.memory_space<vmem>>
    %dma_wait3A_507 = arith.constant 0 : i32
    %dma_wait3A_508 = arith.constant 0 : i32
    %dma_wait3A_509 = tpu.memref_slice %arg13[%dma_wait3A_507, %dma_wait3A_508] : memref<100000x32xf32, #tpu.memory_space<hbm>> -> memref<100000x32xf32, #tpu.memory_space<hbm>>
    tpu.wait_indirect_dma semaphore(%arg61 : memref<!tpu.dma_semaphore, #tpu.memory_space<semaphore_mem>>) src(%dma_wait3A_509 : memref<100000x32xf32, #tpu.memory_space<hbm>>) dst(%dma_wait3A_503 : memref<512x32xf32, #tpu.memory_space<vmem>>)
    %dma_start3A_510 = arith.constant 4 : i32
    %dma_start3A_511 = arith.constant 0 : i32
    %dma_start3A_512 = arith.constant 0 : i32
    %dma_start3A_513 = tpu.memref_slice %arg56[%dma_start3A_510, %dma_start3A_511, %dma_start3A_512] : memref<6x512x32xf32, #tpu.memory_space<vmem>> -> memref<1x512x32xf32, #tpu.memory_space<vmem>>
    %dma_start3A_514 = tpu.memref_squeeze %dma_start3A_513 : memref<1x512x32xf32, #tpu.memory_space<vmem>> -> memref<512x32xf32, #tpu.memory_space<vmem>>
    %dma_start3A_515 = arith.constant 0 : i32
    %dma_start3A_516 = tpu.memref_slice %arg39[%mul3A_2, %dma_start3A_515] : memref<16384x32xf32, #tpu.memory_space<hbm>> -> memref<512x32xf32, #tpu.memory_space<hbm>>
    %dma_start3A_517 = arith.constant 0 : i32
    %dma_start3A_518 = tpu.memref_slice %arg39[%mul3A_2, %dma_start3A_517] : memref<16384x32xf32, #tpu.memory_space<hbm>> -> memref<512x32xf32, #tpu.memory_space<hbm>>
    %dma_start3A_519 = arith.constant 0 : i32
    %dma_start3A_520 = arith.constant 0 : i32
    %dma_start3A_521 = tpu.memref_slice %arg56[%dma_start3A_510, %dma_start3A_519, %dma_start3A_520] : memref<6x512x32xf32, #tpu.memory_space<vmem>> -> memref<1x512x32xf32, #tpu.memory_space<vmem>>
    %dma_start3A_522 = tpu.memref_squeeze %dma_start3A_521 : memref<1x512x32xf32, #tpu.memory_space<vmem>> -> memref<512x32xf32, #tpu.memory_space<vmem>>
    tpu.enqueue_dma source(%dma_start3A_522 : memref<512x32xf32, #tpu.memory_space<vmem>>) target(%dma_start3A_518 : memref<512x32xf32, #tpu.memory_space<hbm>>) target_semaphore(%arg67 : memref<!tpu.dma_semaphore, #tpu.memory_space<semaphore_mem>>)
    %dma_wait3A_523 = arith.constant 1 : i32
    %dma_wait3A_524 = arith.constant 0 : i32
    %dma_wait3A_525 = arith.constant 0 : i32
    %dma_wait3A_526 = tpu.memref_slice %arg56[%dma_wait3A_523, %dma_wait3A_524, %dma_wait3A_525] : memref<6x512x32xf32, #tpu.memory_space<vmem>> -> memref<1x512x32xf32, #tpu.memory_space<vmem>>
    %dma_wait3A_527 = tpu.memref_squeeze %dma_wait3A_526 : memref<1x512x32xf32, #tpu.memory_space<vmem>> -> memref<512x32xf32, #tpu.memory_space<vmem>>
    %dma_wait3A_528 = arith.constant 0 : i32
    %dma_wait3A_529 = tpu.memref_slice %arg36[%mul3A_2, %dma_wait3A_528] : memref<16384x32xf32, #tpu.memory_space<hbm>> -> memref<512x32xf32, #tpu.memory_space<hbm>>
    %dma_wait3A_530 = arith.constant 0 : i32
    %dma_wait3A_531 = tpu.memref_slice %arg36[%mul3A_2, %dma_wait3A_530] : memref<16384x32xf32, #tpu.memory_space<hbm>> -> memref<512x32xf32, #tpu.memory_space<hbm>>
    %dma_wait3A_532 = arith.constant 0 : i32
    %dma_wait3A_533 = arith.constant 0 : i32
    %dma_wait3A_534 = tpu.memref_slice %arg56[%dma_wait3A_523, %dma_wait3A_532, %dma_wait3A_533] : memref<6x512x32xf32, #tpu.memory_space<vmem>> -> memref<1x512x32xf32, #tpu.memory_space<vmem>>
    %dma_wait3A_535 = tpu.memref_squeeze %dma_wait3A_534 : memref<1x512x32xf32, #tpu.memory_space<vmem>> -> memref<512x32xf32, #tpu.memory_space<vmem>>
    tpu.wait_dma2 semaphore(%arg64 : memref<!tpu.dma_semaphore, #tpu.memory_space<semaphore_mem>>) src(%dma_wait3A_535 : memref<512x32xf32, #tpu.memory_space<vmem>>) dst(%dma_wait3A_531 : memref<512x32xf32, #tpu.memory_space<hbm>>)
    %dma_start3A_536 = arith.constant 13 : i32
    %dma_start3A_537 = arith.constant 1 : i32
    %dma_start3A_538 = arith.constant 0 : i32
    %dma_start3A_539 = arith.constant 0 : i32
    %dma_start3A_540 = tpu.memref_slice %arg56[%dma_start3A_537, %dma_start3A_538, %dma_start3A_539] : memref<6x512x32xf32, #tpu.memory_space<vmem>> -> memref<1x512x32xf32, #tpu.memory_space<vmem>>
    %dma_start3A_541 = tpu.memref_squeeze %dma_start3A_540 : memref<1x512x32xf32, #tpu.memory_space<vmem>> -> memref<512x32xf32, #tpu.memory_space<vmem>>
    %dma_start3A_542 = arith.constant 0 : i32
    %dma_start3A_543 = tpu.memref_slice %arg55[%dma_start3A_536, %dma_start3A_542] : memref<26x512xi32, #tpu.memory_space<vmem>> -> memref<1x512xi32, #tpu.memory_space<vmem>>
    %dma_start3A_544 = tpu.memref_squeeze %dma_start3A_543 : memref<1x512xi32, #tpu.memory_space<vmem>> -> memref<512xi32, #tpu.memory_space<vmem>>
    %dma_start3A_545 = arith.constant 0 : i32
    %dma_start3A_546 = arith.constant 0 : i32
    %dma_start3A_547 = tpu.memref_slice %arg16[%dma_start3A_545, %dma_start3A_546] : memref<100000x32xf32, #tpu.memory_space<hbm>> -> memref<100000x32xf32, #tpu.memory_space<hbm>>
    tpu.enqueue_indirect_dma source(%dma_start3A_547 : memref<100000x32xf32, #tpu.memory_space<hbm>>) target(%dma_start3A_541 : memref<512x32xf32, #tpu.memory_space<vmem>>) offsets(%dma_start3A_544 : memref<512xi32, #tpu.memory_space<vmem>>) semaphore(%arg58 : memref<!tpu.dma_semaphore, #tpu.memory_space<semaphore_mem>>)
    %dma_wait3A_548 = arith.constant 11 : i32
    %dma_wait3A_549 = arith.constant 5 : i32
    %dma_wait3A_550 = arith.constant 0 : i32
    %dma_wait3A_551 = arith.constant 0 : i32
    %dma_wait3A_552 = tpu.memref_slice %arg56[%dma_wait3A_549, %dma_wait3A_550, %dma_wait3A_551] : memref<6x512x32xf32, #tpu.memory_space<vmem>> -> memref<1x512x32xf32, #tpu.memory_space<vmem>>
    %dma_wait3A_553 = tpu.memref_squeeze %dma_wait3A_552 : memref<1x512x32xf32, #tpu.memory_space<vmem>> -> memref<512x32xf32, #tpu.memory_space<vmem>>
    %dma_wait3A_554 = arith.constant 0 : i32
    %dma_wait3A_555 = tpu.memref_slice %arg55[%dma_wait3A_548, %dma_wait3A_554] : memref<26x512xi32, #tpu.memory_space<vmem>> -> memref<1x512xi32, #tpu.memory_space<vmem>>
    %dma_wait3A_556 = tpu.memref_squeeze %dma_wait3A_555 : memref<1x512xi32, #tpu.memory_space<vmem>> -> memref<512xi32, #tpu.memory_space<vmem>>
    %dma_wait3A_557 = arith.constant 0 : i32
    %dma_wait3A_558 = arith.constant 0 : i32
    %dma_wait3A_559 = tpu.memref_slice %arg14[%dma_wait3A_557, %dma_wait3A_558] : memref<100000x32xf32, #tpu.memory_space<hbm>> -> memref<100000x32xf32, #tpu.memory_space<hbm>>
    tpu.wait_indirect_dma semaphore(%arg62 : memref<!tpu.dma_semaphore, #tpu.memory_space<semaphore_mem>>) src(%dma_wait3A_559 : memref<100000x32xf32, #tpu.memory_space<hbm>>) dst(%dma_wait3A_553 : memref<512x32xf32, #tpu.memory_space<vmem>>)
    %dma_start3A_560 = arith.constant 5 : i32
    %dma_start3A_561 = arith.constant 0 : i32
    %dma_start3A_562 = arith.constant 0 : i32
    %dma_start3A_563 = tpu.memref_slice %arg56[%dma_start3A_560, %dma_start3A_561, %dma_start3A_562] : memref<6x512x32xf32, #tpu.memory_space<vmem>> -> memref<1x512x32xf32, #tpu.memory_space<vmem>>
    %dma_start3A_564 = tpu.memref_squeeze %dma_start3A_563 : memref<1x512x32xf32, #tpu.memory_space<vmem>> -> memref<512x32xf32, #tpu.memory_space<vmem>>
    %dma_start3A_565 = arith.constant 0 : i32
    %dma_start3A_566 = tpu.memref_slice %arg40[%mul3A_2, %dma_start3A_565] : memref<16384x32xf32, #tpu.memory_space<hbm>> -> memref<512x32xf32, #tpu.memory_space<hbm>>
    %dma_start3A_567 = arith.constant 0 : i32
    %dma_start3A_568 = tpu.memref_slice %arg40[%mul3A_2, %dma_start3A_567] : memref<16384x32xf32, #tpu.memory_space<hbm>> -> memref<512x32xf32, #tpu.memory_space<hbm>>
    %dma_start3A_569 = arith.constant 0 : i32
    %dma_start3A_570 = arith.constant 0 : i32
    %dma_start3A_571 = tpu.memref_slice %arg56[%dma_start3A_560, %dma_start3A_569, %dma_start3A_570] : memref<6x512x32xf32, #tpu.memory_space<vmem>> -> memref<1x512x32xf32, #tpu.memory_space<vmem>>
    %dma_start3A_572 = tpu.memref_squeeze %dma_start3A_571 : memref<1x512x32xf32, #tpu.memory_space<vmem>> -> memref<512x32xf32, #tpu.memory_space<vmem>>
    tpu.enqueue_dma source(%dma_start3A_572 : memref<512x32xf32, #tpu.memory_space<vmem>>) target(%dma_start3A_568 : memref<512x32xf32, #tpu.memory_space<hbm>>) target_semaphore(%arg68 : memref<!tpu.dma_semaphore, #tpu.memory_space<semaphore_mem>>)
    %dma_wait3A_573 = arith.constant 2 : i32
    %dma_wait3A_574 = arith.constant 0 : i32
    %dma_wait3A_575 = arith.constant 0 : i32
    %dma_wait3A_576 = tpu.memref_slice %arg56[%dma_wait3A_573, %dma_wait3A_574, %dma_wait3A_575] : memref<6x512x32xf32, #tpu.memory_space<vmem>> -> memref<1x512x32xf32, #tpu.memory_space<vmem>>
    %dma_wait3A_577 = tpu.memref_squeeze %dma_wait3A_576 : memref<1x512x32xf32, #tpu.memory_space<vmem>> -> memref<512x32xf32, #tpu.memory_space<vmem>>
    %dma_wait3A_578 = arith.constant 0 : i32
    %dma_wait3A_579 = tpu.memref_slice %arg37[%mul3A_2, %dma_wait3A_578] : memref<16384x32xf32, #tpu.memory_space<hbm>> -> memref<512x32xf32, #tpu.memory_space<hbm>>
    %dma_wait3A_580 = arith.constant 0 : i32
    %dma_wait3A_581 = tpu.memref_slice %arg37[%mul3A_2, %dma_wait3A_580] : memref<16384x32xf32, #tpu.memory_space<hbm>> -> memref<512x32xf32, #tpu.memory_space<hbm>>
    %dma_wait3A_582 = arith.constant 0 : i32
    %dma_wait3A_583 = arith.constant 0 : i32
    %dma_wait3A_584 = tpu.memref_slice %arg56[%dma_wait3A_573, %dma_wait3A_582, %dma_wait3A_583] : memref<6x512x32xf32, #tpu.memory_space<vmem>> -> memref<1x512x32xf32, #tpu.memory_space<vmem>>
    %dma_wait3A_585 = tpu.memref_squeeze %dma_wait3A_584 : memref<1x512x32xf32, #tpu.memory_space<vmem>> -> memref<512x32xf32, #tpu.memory_space<vmem>>
    tpu.wait_dma2 semaphore(%arg65 : memref<!tpu.dma_semaphore, #tpu.memory_space<semaphore_mem>>) src(%dma_wait3A_585 : memref<512x32xf32, #tpu.memory_space<vmem>>) dst(%dma_wait3A_581 : memref<512x32xf32, #tpu.memory_space<hbm>>)
    %dma_start3A_586 = arith.constant 14 : i32
    %dma_start3A_587 = arith.constant 2 : i32
    %dma_start3A_588 = arith.constant 0 : i32
    %dma_start3A_589 = arith.constant 0 : i32
    %dma_start3A_590 = tpu.memref_slice %arg56[%dma_start3A_587, %dma_start3A_588, %dma_start3A_589] : memref<6x512x32xf32, #tpu.memory_space<vmem>> -> memref<1x512x32xf32, #tpu.memory_space<vmem>>
    %dma_start3A_591 = tpu.memref_squeeze %dma_start3A_590 : memref<1x512x32xf32, #tpu.memory_space<vmem>> -> memref<512x32xf32, #tpu.memory_space<vmem>>
    %dma_start3A_592 = arith.constant 0 : i32
    %dma_start3A_593 = tpu.memref_slice %arg55[%dma_start3A_586, %dma_start3A_592] : memref<26x512xi32, #tpu.memory_space<vmem>> -> memref<1x512xi32, #tpu.memory_space<vmem>>
    %dma_start3A_594 = tpu.memref_squeeze %dma_start3A_593 : memref<1x512xi32, #tpu.memory_space<vmem>> -> memref<512xi32, #tpu.memory_space<vmem>>
    %dma_start3A_595 = arith.constant 0 : i32
    %dma_start3A_596 = arith.constant 0 : i32
    %dma_start3A_597 = tpu.memref_slice %arg17[%dma_start3A_595, %dma_start3A_596] : memref<100000x32xf32, #tpu.memory_space<hbm>> -> memref<100000x32xf32, #tpu.memory_space<hbm>>
    tpu.enqueue_indirect_dma source(%dma_start3A_597 : memref<100000x32xf32, #tpu.memory_space<hbm>>) target(%dma_start3A_591 : memref<512x32xf32, #tpu.memory_space<vmem>>) offsets(%dma_start3A_594 : memref<512xi32, #tpu.memory_space<vmem>>) semaphore(%arg59 : memref<!tpu.dma_semaphore, #tpu.memory_space<semaphore_mem>>)
    %dma_wait3A_598 = arith.constant 12 : i32
    %dma_wait3A_599 = arith.constant 0 : i32
    %dma_wait3A_600 = arith.constant 0 : i32
    %dma_wait3A_601 = arith.constant 0 : i32
    %dma_wait3A_602 = tpu.memref_slice %arg56[%dma_wait3A_599, %dma_wait3A_600, %dma_wait3A_601] : memref<6x512x32xf32, #tpu.memory_space<vmem>> -> memref<1x512x32xf32, #tpu.memory_space<vmem>>
    %dma_wait3A_603 = tpu.memref_squeeze %dma_wait3A_602 : memref<1x512x32xf32, #tpu.memory_space<vmem>> -> memref<512x32xf32, #tpu.memory_space<vmem>>
    %dma_wait3A_604 = arith.constant 0 : i32
    %dma_wait3A_605 = tpu.memref_slice %arg55[%dma_wait3A_598, %dma_wait3A_604] : memref<26x512xi32, #tpu.memory_space<vmem>> -> memref<1x512xi32, #tpu.memory_space<vmem>>
    %dma_wait3A_606 = tpu.memref_squeeze %dma_wait3A_605 : memref<1x512xi32, #tpu.memory_space<vmem>> -> memref<512xi32, #tpu.memory_space<vmem>>
    %dma_wait3A_607 = arith.constant 0 : i32
    %dma_wait3A_608 = arith.constant 0 : i32
    %dma_wait3A_609 = tpu.memref_slice %arg15[%dma_wait3A_607, %dma_wait3A_608] : memref<100000x32xf32, #tpu.memory_space<hbm>> -> memref<100000x32xf32, #tpu.memory_space<hbm>>
    tpu.wait_indirect_dma semaphore(%arg57 : memref<!tpu.dma_semaphore, #tpu.memory_space<semaphore_mem>>) src(%dma_wait3A_609 : memref<100000x32xf32, #tpu.memory_space<hbm>>) dst(%dma_wait3A_603 : memref<512x32xf32, #tpu.memory_space<vmem>>)
    %dma_start3A_610 = arith.constant 0 : i32
    %dma_start3A_611 = arith.constant 0 : i32
    %dma_start3A_612 = arith.constant 0 : i32
    %dma_start3A_613 = tpu.memref_slice %arg56[%dma_start3A_610, %dma_start3A_611, %dma_start3A_612] : memref<6x512x32xf32, #tpu.memory_space<vmem>> -> memref<1x512x32xf32, #tpu.memory_space<vmem>>
    %dma_start3A_614 = tpu.memref_squeeze %dma_start3A_613 : memref<1x512x32xf32, #tpu.memory_space<vmem>> -> memref<512x32xf32, #tpu.memory_space<vmem>>
    %dma_start3A_615 = arith.constant 0 : i32
    %dma_start3A_616 = tpu.memref_slice %arg41[%mul3A_2, %dma_start3A_615] : memref<16384x32xf32, #tpu.memory_space<hbm>> -> memref<512x32xf32, #tpu.memory_space<hbm>>
    %dma_start3A_617 = arith.constant 0 : i32
    %dma_start3A_618 = tpu.memref_slice %arg41[%mul3A_2, %dma_start3A_617] : memref<16384x32xf32, #tpu.memory_space<hbm>> -> memref<512x32xf32, #tpu.memory_space<hbm>>
    %dma_start3A_619 = arith.constant 0 : i32
    %dma_start3A_620 = arith.constant 0 : i32
    %dma_start3A_621 = tpu.memref_slice %arg56[%dma_start3A_610, %dma_start3A_619, %dma_start3A_620] : memref<6x512x32xf32, #tpu.memory_space<vmem>> -> memref<1x512x32xf32, #tpu.memory_space<vmem>>
    %dma_start3A_622 = tpu.memref_squeeze %dma_start3A_621 : memref<1x512x32xf32, #tpu.memory_space<vmem>> -> memref<512x32xf32, #tpu.memory_space<vmem>>
    tpu.enqueue_dma source(%dma_start3A_622 : memref<512x32xf32, #tpu.memory_space<vmem>>) target(%dma_start3A_618 : memref<512x32xf32, #tpu.memory_space<hbm>>) target_semaphore(%arg63 : memref<!tpu.dma_semaphore, #tpu.memory_space<semaphore_mem>>)
    %dma_wait3A_623 = arith.constant 3 : i32
    %dma_wait3A_624 = arith.constant 0 : i32
    %dma_wait3A_625 = arith.constant 0 : i32
    %dma_wait3A_626 = tpu.memref_slice %arg56[%dma_wait3A_623, %dma_wait3A_624, %dma_wait3A_625] : memref<6x512x32xf32, #tpu.memory_space<vmem>> -> memref<1x512x32xf32, #tpu.memory_space<vmem>>
    %dma_wait3A_627 = tpu.memref_squeeze %dma_wait3A_626 : memref<1x512x32xf32, #tpu.memory_space<vmem>> -> memref<512x32xf32, #tpu.memory_space<vmem>>
    %dma_wait3A_628 = arith.constant 0 : i32
    %dma_wait3A_629 = tpu.memref_slice %arg38[%mul3A_2, %dma_wait3A_628] : memref<16384x32xf32, #tpu.memory_space<hbm>> -> memref<512x32xf32, #tpu.memory_space<hbm>>
    %dma_wait3A_630 = arith.constant 0 : i32
    %dma_wait3A_631 = tpu.memref_slice %arg38[%mul3A_2, %dma_wait3A_630] : memref<16384x32xf32, #tpu.memory_space<hbm>> -> memref<512x32xf32, #tpu.memory_space<hbm>>
    %dma_wait3A_632 = arith.constant 0 : i32
    %dma_wait3A_633 = arith.constant 0 : i32
    %dma_wait3A_634 = tpu.memref_slice %arg56[%dma_wait3A_623, %dma_wait3A_632, %dma_wait3A_633] : memref<6x512x32xf32, #tpu.memory_space<vmem>> -> memref<1x512x32xf32, #tpu.memory_space<vmem>>
    %dma_wait3A_635 = tpu.memref_squeeze %dma_wait3A_634 : memref<1x512x32xf32, #tpu.memory_space<vmem>> -> memref<512x32xf32, #tpu.memory_space<vmem>>
    tpu.wait_dma2 semaphore(%arg66 : memref<!tpu.dma_semaphore, #tpu.memory_space<semaphore_mem>>) src(%dma_wait3A_635 : memref<512x32xf32, #tpu.memory_space<vmem>>) dst(%dma_wait3A_631 : memref<512x32xf32, #tpu.memory_space<hbm>>)
    %dma_start3A_636 = arith.constant 15 : i32
    %dma_start3A_637 = arith.constant 3 : i32
    %dma_start3A_638 = arith.constant 0 : i32
    %dma_start3A_639 = arith.constant 0 : i32
    %dma_start3A_640 = tpu.memref_slice %arg56[%dma_start3A_637, %dma_start3A_638, %dma_start3A_639] : memref<6x512x32xf32, #tpu.memory_space<vmem>> -> memref<1x512x32xf32, #tpu.memory_space<vmem>>
    %dma_start3A_641 = tpu.memref_squeeze %dma_start3A_640 : memref<1x512x32xf32, #tpu.memory_space<vmem>> -> memref<512x32xf32, #tpu.memory_space<vmem>>
    %dma_start3A_642 = arith.constant 0 : i32
    %dma_start3A_643 = tpu.memref_slice %arg55[%dma_start3A_636, %dma_start3A_642] : memref<26x512xi32, #tpu.memory_space<vmem>> -> memref<1x512xi32, #tpu.memory_space<vmem>>
    %dma_start3A_644 = tpu.memref_squeeze %dma_start3A_643 : memref<1x512xi32, #tpu.memory_space<vmem>> -> memref<512xi32, #tpu.memory_space<vmem>>
    %dma_start3A_645 = arith.constant 0 : i32
    %dma_start3A_646 = arith.constant 0 : i32
    %dma_start3A_647 = tpu.memref_slice %arg18[%dma_start3A_645, %dma_start3A_646] : memref<100000x32xf32, #tpu.memory_space<hbm>> -> memref<100000x32xf32, #tpu.memory_space<hbm>>
    tpu.enqueue_indirect_dma source(%dma_start3A_647 : memref<100000x32xf32, #tpu.memory_space<hbm>>) target(%dma_start3A_641 : memref<512x32xf32, #tpu.memory_space<vmem>>) offsets(%dma_start3A_644 : memref<512xi32, #tpu.memory_space<vmem>>) semaphore(%arg60 : memref<!tpu.dma_semaphore, #tpu.memory_space<semaphore_mem>>)
    %dma_wait3A_648 = arith.constant 13 : i32
    %dma_wait3A_649 = arith.constant 1 : i32
    %dma_wait3A_650 = arith.constant 0 : i32
    %dma_wait3A_651 = arith.constant 0 : i32
    %dma_wait3A_652 = tpu.memref_slice %arg56[%dma_wait3A_649, %dma_wait3A_650, %dma_wait3A_651] : memref<6x512x32xf32, #tpu.memory_space<vmem>> -> memref<1x512x32xf32, #tpu.memory_space<vmem>>
    %dma_wait3A_653 = tpu.memref_squeeze %dma_wait3A_652 : memref<1x512x32xf32, #tpu.memory_space<vmem>> -> memref<512x32xf32, #tpu.memory_space<vmem>>
    %dma_wait3A_654 = arith.constant 0 : i32
    %dma_wait3A_655 = tpu.memref_slice %arg55[%dma_wait3A_648, %dma_wait3A_654] : memref<26x512xi32, #tpu.memory_space<vmem>> -> memref<1x512xi32, #tpu.memory_space<vmem>>
    %dma_wait3A_656 = tpu.memref_squeeze %dma_wait3A_655 : memref<1x512xi32, #tpu.memory_space<vmem>> -> memref<512xi32, #tpu.memory_space<vmem>>
    %dma_wait3A_657 = arith.constant 0 : i32
    %dma_wait3A_658 = arith.constant 0 : i32
    %dma_wait3A_659 = tpu.memref_slice %arg16[%dma_wait3A_657, %dma_wait3A_658] : memref<100000x32xf32, #tpu.memory_space<hbm>> -> memref<100000x32xf32, #tpu.memory_space<hbm>>
    tpu.wait_indirect_dma semaphore(%arg58 : memref<!tpu.dma_semaphore, #tpu.memory_space<semaphore_mem>>) src(%dma_wait3A_659 : memref<100000x32xf32, #tpu.memory_space<hbm>>) dst(%dma_wait3A_653 : memref<512x32xf32, #tpu.memory_space<vmem>>)
    %dma_start3A_660 = arith.constant 1 : i32
    %dma_start3A_661 = arith.constant 0 : i32
    %dma_start3A_662 = arith.constant 0 : i32
    %dma_start3A_663 = tpu.memref_slice %arg56[%dma_start3A_660, %dma_start3A_661, %dma_start3A_662] : memref<6x512x32xf32, #tpu.memory_space<vmem>> -> memref<1x512x32xf32, #tpu.memory_space<vmem>>
    %dma_start3A_664 = tpu.memref_squeeze %dma_start3A_663 : memref<1x512x32xf32, #tpu.memory_space<vmem>> -> memref<512x32xf32, #tpu.memory_space<vmem>>
    %dma_start3A_665 = arith.constant 0 : i32
    %dma_start3A_666 = tpu.memref_slice %arg42[%mul3A_2, %dma_start3A_665] : memref<16384x32xf32, #tpu.memory_space<hbm>> -> memref<512x32xf32, #tpu.memory_space<hbm>>
    %dma_start3A_667 = arith.constant 0 : i32
    %dma_start3A_668 = tpu.memref_slice %arg42[%mul3A_2, %dma_start3A_667] : memref<16384x32xf32, #tpu.memory_space<hbm>> -> memref<512x32xf32, #tpu.memory_space<hbm>>
    %dma_start3A_669 = arith.constant 0 : i32
    %dma_start3A_670 = arith.constant 0 : i32
    %dma_start3A_671 = tpu.memref_slice %arg56[%dma_start3A_660, %dma_start3A_669, %dma_start3A_670] : memref<6x512x32xf32, #tpu.memory_space<vmem>> -> memref<1x512x32xf32, #tpu.memory_space<vmem>>
    %dma_start3A_672 = tpu.memref_squeeze %dma_start3A_671 : memref<1x512x32xf32, #tpu.memory_space<vmem>> -> memref<512x32xf32, #tpu.memory_space<vmem>>
    tpu.enqueue_dma source(%dma_start3A_672 : memref<512x32xf32, #tpu.memory_space<vmem>>) target(%dma_start3A_668 : memref<512x32xf32, #tpu.memory_space<hbm>>) target_semaphore(%arg64 : memref<!tpu.dma_semaphore, #tpu.memory_space<semaphore_mem>>)
    %dma_wait3A_673 = arith.constant 4 : i32
    %dma_wait3A_674 = arith.constant 0 : i32
    %dma_wait3A_675 = arith.constant 0 : i32
    %dma_wait3A_676 = tpu.memref_slice %arg56[%dma_wait3A_673, %dma_wait3A_674, %dma_wait3A_675] : memref<6x512x32xf32, #tpu.memory_space<vmem>> -> memref<1x512x32xf32, #tpu.memory_space<vmem>>
    %dma_wait3A_677 = tpu.memref_squeeze %dma_wait3A_676 : memref<1x512x32xf32, #tpu.memory_space<vmem>> -> memref<512x32xf32, #tpu.memory_space<vmem>>
    %dma_wait3A_678 = arith.constant 0 : i32
    %dma_wait3A_679 = tpu.memref_slice %arg39[%mul3A_2, %dma_wait3A_678] : memref<16384x32xf32, #tpu.memory_space<hbm>> -> memref<512x32xf32, #tpu.memory_space<hbm>>
    %dma_wait3A_680 = arith.constant 0 : i32
    %dma_wait3A_681 = tpu.memref_slice %arg39[%mul3A_2, %dma_wait3A_680] : memref<16384x32xf32, #tpu.memory_space<hbm>> -> memref<512x32xf32, #tpu.memory_space<hbm>>
    %dma_wait3A_682 = arith.constant 0 : i32
    %dma_wait3A_683 = arith.constant 0 : i32
    %dma_wait3A_684 = tpu.memref_slice %arg56[%dma_wait3A_673, %dma_wait3A_682, %dma_wait3A_683] : memref<6x512x32xf32, #tpu.memory_space<vmem>> -> memref<1x512x32xf32, #tpu.memory_space<vmem>>
    %dma_wait3A_685 = tpu.memref_squeeze %dma_wait3A_684 : memref<1x512x32xf32, #tpu.memory_space<vmem>> -> memref<512x32xf32, #tpu.memory_space<vmem>>
    tpu.wait_dma2 semaphore(%arg67 : memref<!tpu.dma_semaphore, #tpu.memory_space<semaphore_mem>>) src(%dma_wait3A_685 : memref<512x32xf32, #tpu.memory_space<vmem>>) dst(%dma_wait3A_681 : memref<512x32xf32, #tpu.memory_space<hbm>>)
    %dma_start3A_686 = arith.constant 16 : i32
    %dma_start3A_687 = arith.constant 4 : i32
    %dma_start3A_688 = arith.constant 0 : i32
    %dma_start3A_689 = arith.constant 0 : i32
    %dma_start3A_690 = tpu.memref_slice %arg56[%dma_start3A_687, %dma_start3A_688, %dma_start3A_689] : memref<6x512x32xf32, #tpu.memory_space<vmem>> -> memref<1x512x32xf32, #tpu.memory_space<vmem>>
    %dma_start3A_691 = tpu.memref_squeeze %dma_start3A_690 : memref<1x512x32xf32, #tpu.memory_space<vmem>> -> memref<512x32xf32, #tpu.memory_space<vmem>>
    %dma_start3A_692 = arith.constant 0 : i32
    %dma_start3A_693 = tpu.memref_slice %arg55[%dma_start3A_686, %dma_start3A_692] : memref<26x512xi32, #tpu.memory_space<vmem>> -> memref<1x512xi32, #tpu.memory_space<vmem>>
    %dma_start3A_694 = tpu.memref_squeeze %dma_start3A_693 : memref<1x512xi32, #tpu.memory_space<vmem>> -> memref<512xi32, #tpu.memory_space<vmem>>
    %dma_start3A_695 = arith.constant 0 : i32
    %dma_start3A_696 = arith.constant 0 : i32
    %dma_start3A_697 = tpu.memref_slice %arg19[%dma_start3A_695, %dma_start3A_696] : memref<100000x32xf32, #tpu.memory_space<hbm>> -> memref<100000x32xf32, #tpu.memory_space<hbm>>
    tpu.enqueue_indirect_dma source(%dma_start3A_697 : memref<100000x32xf32, #tpu.memory_space<hbm>>) target(%dma_start3A_691 : memref<512x32xf32, #tpu.memory_space<vmem>>) offsets(%dma_start3A_694 : memref<512xi32, #tpu.memory_space<vmem>>) semaphore(%arg61 : memref<!tpu.dma_semaphore, #tpu.memory_space<semaphore_mem>>)
    %dma_wait3A_698 = arith.constant 14 : i32
    %dma_wait3A_699 = arith.constant 2 : i32
    %dma_wait3A_700 = arith.constant 0 : i32
    %dma_wait3A_701 = arith.constant 0 : i32
    %dma_wait3A_702 = tpu.memref_slice %arg56[%dma_wait3A_699, %dma_wait3A_700, %dma_wait3A_701] : memref<6x512x32xf32, #tpu.memory_space<vmem>> -> memref<1x512x32xf32, #tpu.memory_space<vmem>>
    %dma_wait3A_703 = tpu.memref_squeeze %dma_wait3A_702 : memref<1x512x32xf32, #tpu.memory_space<vmem>> -> memref<512x32xf32, #tpu.memory_space<vmem>>
    %dma_wait3A_704 = arith.constant 0 : i32
    %dma_wait3A_705 = tpu.memref_slice %arg55[%dma_wait3A_698, %dma_wait3A_704] : memref<26x512xi32, #tpu.memory_space<vmem>> -> memref<1x512xi32, #tpu.memory_space<vmem>>
    %dma_wait3A_706 = tpu.memref_squeeze %dma_wait3A_705 : memref<1x512xi32, #tpu.memory_space<vmem>> -> memref<512xi32, #tpu.memory_space<vmem>>
    %dma_wait3A_707 = arith.constant 0 : i32
    %dma_wait3A_708 = arith.constant 0 : i32
    %dma_wait3A_709 = tpu.memref_slice %arg17[%dma_wait3A_707, %dma_wait3A_708] : memref<100000x32xf32, #tpu.memory_space<hbm>> -> memref<100000x32xf32, #tpu.memory_space<hbm>>
    tpu.wait_indirect_dma semaphore(%arg59 : memref<!tpu.dma_semaphore, #tpu.memory_space<semaphore_mem>>) src(%dma_wait3A_709 : memref<100000x32xf32, #tpu.memory_space<hbm>>) dst(%dma_wait3A_703 : memref<512x32xf32, #tpu.memory_space<vmem>>)
    %dma_start3A_710 = arith.constant 2 : i32
    %dma_start3A_711 = arith.constant 0 : i32
    %dma_start3A_712 = arith.constant 0 : i32
    %dma_start3A_713 = tpu.memref_slice %arg56[%dma_start3A_710, %dma_start3A_711, %dma_start3A_712] : memref<6x512x32xf32, #tpu.memory_space<vmem>> -> memref<1x512x32xf32, #tpu.memory_space<vmem>>
    %dma_start3A_714 = tpu.memref_squeeze %dma_start3A_713 : memref<1x512x32xf32, #tpu.memory_space<vmem>> -> memref<512x32xf32, #tpu.memory_space<vmem>>
    %dma_start3A_715 = arith.constant 0 : i32
    %dma_start3A_716 = tpu.memref_slice %arg43[%mul3A_2, %dma_start3A_715] : memref<16384x32xf32, #tpu.memory_space<hbm>> -> memref<512x32xf32, #tpu.memory_space<hbm>>
    %dma_start3A_717 = arith.constant 0 : i32
    %dma_start3A_718 = tpu.memref_slice %arg43[%mul3A_2, %dma_start3A_717] : memref<16384x32xf32, #tpu.memory_space<hbm>> -> memref<512x32xf32, #tpu.memory_space<hbm>>
    %dma_start3A_719 = arith.constant 0 : i32
    %dma_start3A_720 = arith.constant 0 : i32
    %dma_start3A_721 = tpu.memref_slice %arg56[%dma_start3A_710, %dma_start3A_719, %dma_start3A_720] : memref<6x512x32xf32, #tpu.memory_space<vmem>> -> memref<1x512x32xf32, #tpu.memory_space<vmem>>
    %dma_start3A_722 = tpu.memref_squeeze %dma_start3A_721 : memref<1x512x32xf32, #tpu.memory_space<vmem>> -> memref<512x32xf32, #tpu.memory_space<vmem>>
    tpu.enqueue_dma source(%dma_start3A_722 : memref<512x32xf32, #tpu.memory_space<vmem>>) target(%dma_start3A_718 : memref<512x32xf32, #tpu.memory_space<hbm>>) target_semaphore(%arg65 : memref<!tpu.dma_semaphore, #tpu.memory_space<semaphore_mem>>)
    %dma_wait3A_723 = arith.constant 5 : i32
    %dma_wait3A_724 = arith.constant 0 : i32
    %dma_wait3A_725 = arith.constant 0 : i32
    %dma_wait3A_726 = tpu.memref_slice %arg56[%dma_wait3A_723, %dma_wait3A_724, %dma_wait3A_725] : memref<6x512x32xf32, #tpu.memory_space<vmem>> -> memref<1x512x32xf32, #tpu.memory_space<vmem>>
    %dma_wait3A_727 = tpu.memref_squeeze %dma_wait3A_726 : memref<1x512x32xf32, #tpu.memory_space<vmem>> -> memref<512x32xf32, #tpu.memory_space<vmem>>
    %dma_wait3A_728 = arith.constant 0 : i32
    %dma_wait3A_729 = tpu.memref_slice %arg40[%mul3A_2, %dma_wait3A_728] : memref<16384x32xf32, #tpu.memory_space<hbm>> -> memref<512x32xf32, #tpu.memory_space<hbm>>
    %dma_wait3A_730 = arith.constant 0 : i32
    %dma_wait3A_731 = tpu.memref_slice %arg40[%mul3A_2, %dma_wait3A_730] : memref<16384x32xf32, #tpu.memory_space<hbm>> -> memref<512x32xf32, #tpu.memory_space<hbm>>
    %dma_wait3A_732 = arith.constant 0 : i32
    %dma_wait3A_733 = arith.constant 0 : i32
    %dma_wait3A_734 = tpu.memref_slice %arg56[%dma_wait3A_723, %dma_wait3A_732, %dma_wait3A_733] : memref<6x512x32xf32, #tpu.memory_space<vmem>> -> memref<1x512x32xf32, #tpu.memory_space<vmem>>
    %dma_wait3A_735 = tpu.memref_squeeze %dma_wait3A_734 : memref<1x512x32xf32, #tpu.memory_space<vmem>> -> memref<512x32xf32, #tpu.memory_space<vmem>>
    tpu.wait_dma2 semaphore(%arg68 : memref<!tpu.dma_semaphore, #tpu.memory_space<semaphore_mem>>) src(%dma_wait3A_735 : memref<512x32xf32, #tpu.memory_space<vmem>>) dst(%dma_wait3A_731 : memref<512x32xf32, #tpu.memory_space<hbm>>)
    %dma_start3A_736 = arith.constant 17 : i32
    %dma_start3A_737 = arith.constant 5 : i32
    %dma_start3A_738 = arith.constant 0 : i32
    %dma_start3A_739 = arith.constant 0 : i32
    %dma_start3A_740 = tpu.memref_slice %arg56[%dma_start3A_737, %dma_start3A_738, %dma_start3A_739] : memref<6x512x32xf32, #tpu.memory_space<vmem>> -> memref<1x512x32xf32, #tpu.memory_space<vmem>>
    %dma_start3A_741 = tpu.memref_squeeze %dma_start3A_740 : memref<1x512x32xf32, #tpu.memory_space<vmem>> -> memref<512x32xf32, #tpu.memory_space<vmem>>
    %dma_start3A_742 = arith.constant 0 : i32
    %dma_start3A_743 = tpu.memref_slice %arg55[%dma_start3A_736, %dma_start3A_742] : memref<26x512xi32, #tpu.memory_space<vmem>> -> memref<1x512xi32, #tpu.memory_space<vmem>>
    %dma_start3A_744 = tpu.memref_squeeze %dma_start3A_743 : memref<1x512xi32, #tpu.memory_space<vmem>> -> memref<512xi32, #tpu.memory_space<vmem>>
    %dma_start3A_745 = arith.constant 0 : i32
    %dma_start3A_746 = arith.constant 0 : i32
    %dma_start3A_747 = tpu.memref_slice %arg20[%dma_start3A_745, %dma_start3A_746] : memref<100000x32xf32, #tpu.memory_space<hbm>> -> memref<100000x32xf32, #tpu.memory_space<hbm>>
    tpu.enqueue_indirect_dma source(%dma_start3A_747 : memref<100000x32xf32, #tpu.memory_space<hbm>>) target(%dma_start3A_741 : memref<512x32xf32, #tpu.memory_space<vmem>>) offsets(%dma_start3A_744 : memref<512xi32, #tpu.memory_space<vmem>>) semaphore(%arg62 : memref<!tpu.dma_semaphore, #tpu.memory_space<semaphore_mem>>)
    %dma_wait3A_748 = arith.constant 15 : i32
    %dma_wait3A_749 = arith.constant 3 : i32
    %dma_wait3A_750 = arith.constant 0 : i32
    %dma_wait3A_751 = arith.constant 0 : i32
    %dma_wait3A_752 = tpu.memref_slice %arg56[%dma_wait3A_749, %dma_wait3A_750, %dma_wait3A_751] : memref<6x512x32xf32, #tpu.memory_space<vmem>> -> memref<1x512x32xf32, #tpu.memory_space<vmem>>
    %dma_wait3A_753 = tpu.memref_squeeze %dma_wait3A_752 : memref<1x512x32xf32, #tpu.memory_space<vmem>> -> memref<512x32xf32, #tpu.memory_space<vmem>>
    %dma_wait3A_754 = arith.constant 0 : i32
    %dma_wait3A_755 = tpu.memref_slice %arg55[%dma_wait3A_748, %dma_wait3A_754] : memref<26x512xi32, #tpu.memory_space<vmem>> -> memref<1x512xi32, #tpu.memory_space<vmem>>
    %dma_wait3A_756 = tpu.memref_squeeze %dma_wait3A_755 : memref<1x512xi32, #tpu.memory_space<vmem>> -> memref<512xi32, #tpu.memory_space<vmem>>
    %dma_wait3A_757 = arith.constant 0 : i32
    %dma_wait3A_758 = arith.constant 0 : i32
    %dma_wait3A_759 = tpu.memref_slice %arg18[%dma_wait3A_757, %dma_wait3A_758] : memref<100000x32xf32, #tpu.memory_space<hbm>> -> memref<100000x32xf32, #tpu.memory_space<hbm>>
    tpu.wait_indirect_dma semaphore(%arg60 : memref<!tpu.dma_semaphore, #tpu.memory_space<semaphore_mem>>) src(%dma_wait3A_759 : memref<100000x32xf32, #tpu.memory_space<hbm>>) dst(%dma_wait3A_753 : memref<512x32xf32, #tpu.memory_space<vmem>>)
    %dma_start3A_760 = arith.constant 3 : i32
    %dma_start3A_761 = arith.constant 0 : i32
    %dma_start3A_762 = arith.constant 0 : i32
    %dma_start3A_763 = tpu.memref_slice %arg56[%dma_start3A_760, %dma_start3A_761, %dma_start3A_762] : memref<6x512x32xf32, #tpu.memory_space<vmem>> -> memref<1x512x32xf32, #tpu.memory_space<vmem>>
    %dma_start3A_764 = tpu.memref_squeeze %dma_start3A_763 : memref<1x512x32xf32, #tpu.memory_space<vmem>> -> memref<512x32xf32, #tpu.memory_space<vmem>>
    %dma_start3A_765 = arith.constant 0 : i32
    %dma_start3A_766 = tpu.memref_slice %arg44[%mul3A_2, %dma_start3A_765] : memref<16384x32xf32, #tpu.memory_space<hbm>> -> memref<512x32xf32, #tpu.memory_space<hbm>>
    %dma_start3A_767 = arith.constant 0 : i32
    %dma_start3A_768 = tpu.memref_slice %arg44[%mul3A_2, %dma_start3A_767] : memref<16384x32xf32, #tpu.memory_space<hbm>> -> memref<512x32xf32, #tpu.memory_space<hbm>>
    %dma_start3A_769 = arith.constant 0 : i32
    %dma_start3A_770 = arith.constant 0 : i32
    %dma_start3A_771 = tpu.memref_slice %arg56[%dma_start3A_760, %dma_start3A_769, %dma_start3A_770] : memref<6x512x32xf32, #tpu.memory_space<vmem>> -> memref<1x512x32xf32, #tpu.memory_space<vmem>>
    %dma_start3A_772 = tpu.memref_squeeze %dma_start3A_771 : memref<1x512x32xf32, #tpu.memory_space<vmem>> -> memref<512x32xf32, #tpu.memory_space<vmem>>
    tpu.enqueue_dma source(%dma_start3A_772 : memref<512x32xf32, #tpu.memory_space<vmem>>) target(%dma_start3A_768 : memref<512x32xf32, #tpu.memory_space<hbm>>) target_semaphore(%arg66 : memref<!tpu.dma_semaphore, #tpu.memory_space<semaphore_mem>>)
    %dma_wait3A_773 = arith.constant 0 : i32
    %dma_wait3A_774 = arith.constant 0 : i32
    %dma_wait3A_775 = arith.constant 0 : i32
    %dma_wait3A_776 = tpu.memref_slice %arg56[%dma_wait3A_773, %dma_wait3A_774, %dma_wait3A_775] : memref<6x512x32xf32, #tpu.memory_space<vmem>> -> memref<1x512x32xf32, #tpu.memory_space<vmem>>
    %dma_wait3A_777 = tpu.memref_squeeze %dma_wait3A_776 : memref<1x512x32xf32, #tpu.memory_space<vmem>> -> memref<512x32xf32, #tpu.memory_space<vmem>>
    %dma_wait3A_778 = arith.constant 0 : i32
    %dma_wait3A_779 = tpu.memref_slice %arg41[%mul3A_2, %dma_wait3A_778] : memref<16384x32xf32, #tpu.memory_space<hbm>> -> memref<512x32xf32, #tpu.memory_space<hbm>>
    %dma_wait3A_780 = arith.constant 0 : i32
    %dma_wait3A_781 = tpu.memref_slice %arg41[%mul3A_2, %dma_wait3A_780] : memref<16384x32xf32, #tpu.memory_space<hbm>> -> memref<512x32xf32, #tpu.memory_space<hbm>>
    %dma_wait3A_782 = arith.constant 0 : i32
    %dma_wait3A_783 = arith.constant 0 : i32
    %dma_wait3A_784 = tpu.memref_slice %arg56[%dma_wait3A_773, %dma_wait3A_782, %dma_wait3A_783] : memref<6x512x32xf32, #tpu.memory_space<vmem>> -> memref<1x512x32xf32, #tpu.memory_space<vmem>>
    %dma_wait3A_785 = tpu.memref_squeeze %dma_wait3A_784 : memref<1x512x32xf32, #tpu.memory_space<vmem>> -> memref<512x32xf32, #tpu.memory_space<vmem>>
    tpu.wait_dma2 semaphore(%arg63 : memref<!tpu.dma_semaphore, #tpu.memory_space<semaphore_mem>>) src(%dma_wait3A_785 : memref<512x32xf32, #tpu.memory_space<vmem>>) dst(%dma_wait3A_781 : memref<512x32xf32, #tpu.memory_space<hbm>>)
    %dma_start3A_786 = arith.constant 18 : i32
    %dma_start3A_787 = arith.constant 0 : i32
    %dma_start3A_788 = arith.constant 0 : i32
    %dma_start3A_789 = arith.constant 0 : i32
    %dma_start3A_790 = tpu.memref_slice %arg56[%dma_start3A_787, %dma_start3A_788, %dma_start3A_789] : memref<6x512x32xf32, #tpu.memory_space<vmem>> -> memref<1x512x32xf32, #tpu.memory_space<vmem>>
    %dma_start3A_791 = tpu.memref_squeeze %dma_start3A_790 : memref<1x512x32xf32, #tpu.memory_space<vmem>> -> memref<512x32xf32, #tpu.memory_space<vmem>>
    %dma_start3A_792 = arith.constant 0 : i32
    %dma_start3A_793 = tpu.memref_slice %arg55[%dma_start3A_786, %dma_start3A_792] : memref<26x512xi32, #tpu.memory_space<vmem>> -> memref<1x512xi32, #tpu.memory_space<vmem>>
    %dma_start3A_794 = tpu.memref_squeeze %dma_start3A_793 : memref<1x512xi32, #tpu.memory_space<vmem>> -> memref<512xi32, #tpu.memory_space<vmem>>
    %dma_start3A_795 = arith.constant 0 : i32
    %dma_start3A_796 = arith.constant 0 : i32
    %dma_start3A_797 = tpu.memref_slice %arg21[%dma_start3A_795, %dma_start3A_796] : memref<100000x32xf32, #tpu.memory_space<hbm>> -> memref<100000x32xf32, #tpu.memory_space<hbm>>
    tpu.enqueue_indirect_dma source(%dma_start3A_797 : memref<100000x32xf32, #tpu.memory_space<hbm>>) target(%dma_start3A_791 : memref<512x32xf32, #tpu.memory_space<vmem>>) offsets(%dma_start3A_794 : memref<512xi32, #tpu.memory_space<vmem>>) semaphore(%arg57 : memref<!tpu.dma_semaphore, #tpu.memory_space<semaphore_mem>>)
    %dma_wait3A_798 = arith.constant 16 : i32
    %dma_wait3A_799 = arith.constant 4 : i32
    %dma_wait3A_800 = arith.constant 0 : i32
    %dma_wait3A_801 = arith.constant 0 : i32
    %dma_wait3A_802 = tpu.memref_slice %arg56[%dma_wait3A_799, %dma_wait3A_800, %dma_wait3A_801] : memref<6x512x32xf32, #tpu.memory_space<vmem>> -> memref<1x512x32xf32, #tpu.memory_space<vmem>>
    %dma_wait3A_803 = tpu.memref_squeeze %dma_wait3A_802 : memref<1x512x32xf32, #tpu.memory_space<vmem>> -> memref<512x32xf32, #tpu.memory_space<vmem>>
    %dma_wait3A_804 = arith.constant 0 : i32
    %dma_wait3A_805 = tpu.memref_slice %arg55[%dma_wait3A_798, %dma_wait3A_804] : memref<26x512xi32, #tpu.memory_space<vmem>> -> memref<1x512xi32, #tpu.memory_space<vmem>>
    %dma_wait3A_806 = tpu.memref_squeeze %dma_wait3A_805 : memref<1x512xi32, #tpu.memory_space<vmem>> -> memref<512xi32, #tpu.memory_space<vmem>>
    %dma_wait3A_807 = arith.constant 0 : i32
    %dma_wait3A_808 = arith.constant 0 : i32
    %dma_wait3A_809 = tpu.memref_slice %arg19[%dma_wait3A_807, %dma_wait3A_808] : memref<100000x32xf32, #tpu.memory_space<hbm>> -> memref<100000x32xf32, #tpu.memory_space<hbm>>
    tpu.wait_indirect_dma semaphore(%arg61 : memref<!tpu.dma_semaphore, #tpu.memory_space<semaphore_mem>>) src(%dma_wait3A_809 : memref<100000x32xf32, #tpu.memory_space<hbm>>) dst(%dma_wait3A_803 : memref<512x32xf32, #tpu.memory_space<vmem>>)
    %dma_start3A_810 = arith.constant 4 : i32
    %dma_start3A_811 = arith.constant 0 : i32
    %dma_start3A_812 = arith.constant 0 : i32
    %dma_start3A_813 = tpu.memref_slice %arg56[%dma_start3A_810, %dma_start3A_811, %dma_start3A_812] : memref<6x512x32xf32, #tpu.memory_space<vmem>> -> memref<1x512x32xf32, #tpu.memory_space<vmem>>
    %dma_start3A_814 = tpu.memref_squeeze %dma_start3A_813 : memref<1x512x32xf32, #tpu.memory_space<vmem>> -> memref<512x32xf32, #tpu.memory_space<vmem>>
    %dma_start3A_815 = arith.constant 0 : i32
    %dma_start3A_816 = tpu.memref_slice %arg45[%mul3A_2, %dma_start3A_815] : memref<16384x32xf32, #tpu.memory_space<hbm>> -> memref<512x32xf32, #tpu.memory_space<hbm>>
    %dma_start3A_817 = arith.constant 0 : i32
    %dma_start3A_818 = tpu.memref_slice %arg45[%mul3A_2, %dma_start3A_817] : memref<16384x32xf32, #tpu.memory_space<hbm>> -> memref<512x32xf32, #tpu.memory_space<hbm>>
    %dma_start3A_819 = arith.constant 0 : i32
    %dma_start3A_820 = arith.constant 0 : i32
    %dma_start3A_821 = tpu.memref_slice %arg56[%dma_start3A_810, %dma_start3A_819, %dma_start3A_820] : memref<6x512x32xf32, #tpu.memory_space<vmem>> -> memref<1x512x32xf32, #tpu.memory_space<vmem>>
    %dma_start3A_822 = tpu.memref_squeeze %dma_start3A_821 : memref<1x512x32xf32, #tpu.memory_space<vmem>> -> memref<512x32xf32, #tpu.memory_space<vmem>>
    tpu.enqueue_dma source(%dma_start3A_822 : memref<512x32xf32, #tpu.memory_space<vmem>>) target(%dma_start3A_818 : memref<512x32xf32, #tpu.memory_space<hbm>>) target_semaphore(%arg67 : memref<!tpu.dma_semaphore, #tpu.memory_space<semaphore_mem>>)
    %dma_wait3A_823 = arith.constant 1 : i32
    %dma_wait3A_824 = arith.constant 0 : i32
    %dma_wait3A_825 = arith.constant 0 : i32
    %dma_wait3A_826 = tpu.memref_slice %arg56[%dma_wait3A_823, %dma_wait3A_824, %dma_wait3A_825] : memref<6x512x32xf32, #tpu.memory_space<vmem>> -> memref<1x512x32xf32, #tpu.memory_space<vmem>>
    %dma_wait3A_827 = tpu.memref_squeeze %dma_wait3A_826 : memref<1x512x32xf32, #tpu.memory_space<vmem>> -> memref<512x32xf32, #tpu.memory_space<vmem>>
    %dma_wait3A_828 = arith.constant 0 : i32
    %dma_wait3A_829 = tpu.memref_slice %arg42[%mul3A_2, %dma_wait3A_828] : memref<16384x32xf32, #tpu.memory_space<hbm>> -> memref<512x32xf32, #tpu.memory_space<hbm>>
    %dma_wait3A_830 = arith.constant 0 : i32
    %dma_wait3A_831 = tpu.memref_slice %arg42[%mul3A_2, %dma_wait3A_830] : memref<16384x32xf32, #tpu.memory_space<hbm>> -> memref<512x32xf32, #tpu.memory_space<hbm>>
    %dma_wait3A_832 = arith.constant 0 : i32
    %dma_wait3A_833 = arith.constant 0 : i32
    %dma_wait3A_834 = tpu.memref_slice %arg56[%dma_wait3A_823, %dma_wait3A_832, %dma_wait3A_833] : memref<6x512x32xf32, #tpu.memory_space<vmem>> -> memref<1x512x32xf32, #tpu.memory_space<vmem>>
    %dma_wait3A_835 = tpu.memref_squeeze %dma_wait3A_834 : memref<1x512x32xf32, #tpu.memory_space<vmem>> -> memref<512x32xf32, #tpu.memory_space<vmem>>
    tpu.wait_dma2 semaphore(%arg64 : memref<!tpu.dma_semaphore, #tpu.memory_space<semaphore_mem>>) src(%dma_wait3A_835 : memref<512x32xf32, #tpu.memory_space<vmem>>) dst(%dma_wait3A_831 : memref<512x32xf32, #tpu.memory_space<hbm>>)
    %dma_start3A_836 = arith.constant 19 : i32
    %dma_start3A_837 = arith.constant 1 : i32
    %dma_start3A_838 = arith.constant 0 : i32
    %dma_start3A_839 = arith.constant 0 : i32
    %dma_start3A_840 = tpu.memref_slice %arg56[%dma_start3A_837, %dma_start3A_838, %dma_start3A_839] : memref<6x512x32xf32, #tpu.memory_space<vmem>> -> memref<1x512x32xf32, #tpu.memory_space<vmem>>
    %dma_start3A_841 = tpu.memref_squeeze %dma_start3A_840 : memref<1x512x32xf32, #tpu.memory_space<vmem>> -> memref<512x32xf32, #tpu.memory_space<vmem>>
    %dma_start3A_842 = arith.constant 0 : i32
    %dma_start3A_843 = tpu.memref_slice %arg55[%dma_start3A_836, %dma_start3A_842] : memref<26x512xi32, #tpu.memory_space<vmem>> -> memref<1x512xi32, #tpu.memory_space<vmem>>
    %dma_start3A_844 = tpu.memref_squeeze %dma_start3A_843 : memref<1x512xi32, #tpu.memory_space<vmem>> -> memref<512xi32, #tpu.memory_space<vmem>>
    %dma_start3A_845 = arith.constant 0 : i32
    %dma_start3A_846 = arith.constant 0 : i32
    %dma_start3A_847 = tpu.memref_slice %arg22[%dma_start3A_845, %dma_start3A_846] : memref<100000x32xf32, #tpu.memory_space<hbm>> -> memref<100000x32xf32, #tpu.memory_space<hbm>>
    tpu.enqueue_indirect_dma source(%dma_start3A_847 : memref<100000x32xf32, #tpu.memory_space<hbm>>) target(%dma_start3A_841 : memref<512x32xf32, #tpu.memory_space<vmem>>) offsets(%dma_start3A_844 : memref<512xi32, #tpu.memory_space<vmem>>) semaphore(%arg58 : memref<!tpu.dma_semaphore, #tpu.memory_space<semaphore_mem>>)
    %dma_wait3A_848 = arith.constant 17 : i32
    %dma_wait3A_849 = arith.constant 5 : i32
    %dma_wait3A_850 = arith.constant 0 : i32
    %dma_wait3A_851 = arith.constant 0 : i32
    %dma_wait3A_852 = tpu.memref_slice %arg56[%dma_wait3A_849, %dma_wait3A_850, %dma_wait3A_851] : memref<6x512x32xf32, #tpu.memory_space<vmem>> -> memref<1x512x32xf32, #tpu.memory_space<vmem>>
    %dma_wait3A_853 = tpu.memref_squeeze %dma_wait3A_852 : memref<1x512x32xf32, #tpu.memory_space<vmem>> -> memref<512x32xf32, #tpu.memory_space<vmem>>
    %dma_wait3A_854 = arith.constant 0 : i32
    %dma_wait3A_855 = tpu.memref_slice %arg55[%dma_wait3A_848, %dma_wait3A_854] : memref<26x512xi32, #tpu.memory_space<vmem>> -> memref<1x512xi32, #tpu.memory_space<vmem>>
    %dma_wait3A_856 = tpu.memref_squeeze %dma_wait3A_855 : memref<1x512xi32, #tpu.memory_space<vmem>> -> memref<512xi32, #tpu.memory_space<vmem>>
    %dma_wait3A_857 = arith.constant 0 : i32
    %dma_wait3A_858 = arith.constant 0 : i32
    %dma_wait3A_859 = tpu.memref_slice %arg20[%dma_wait3A_857, %dma_wait3A_858] : memref<100000x32xf32, #tpu.memory_space<hbm>> -> memref<100000x32xf32, #tpu.memory_space<hbm>>
    tpu.wait_indirect_dma semaphore(%arg62 : memref<!tpu.dma_semaphore, #tpu.memory_space<semaphore_mem>>) src(%dma_wait3A_859 : memref<100000x32xf32, #tpu.memory_space<hbm>>) dst(%dma_wait3A_853 : memref<512x32xf32, #tpu.memory_space<vmem>>)
    %dma_start3A_860 = arith.constant 5 : i32
    %dma_start3A_861 = arith.constant 0 : i32
    %dma_start3A_862 = arith.constant 0 : i32
    %dma_start3A_863 = tpu.memref_slice %arg56[%dma_start3A_860, %dma_start3A_861, %dma_start3A_862] : memref<6x512x32xf32, #tpu.memory_space<vmem>> -> memref<1x512x32xf32, #tpu.memory_space<vmem>>
    %dma_start3A_864 = tpu.memref_squeeze %dma_start3A_863 : memref<1x512x32xf32, #tpu.memory_space<vmem>> -> memref<512x32xf32, #tpu.memory_space<vmem>>
    %dma_start3A_865 = arith.constant 0 : i32
    %dma_start3A_866 = tpu.memref_slice %arg46[%mul3A_2, %dma_start3A_865] : memref<16384x32xf32, #tpu.memory_space<hbm>> -> memref<512x32xf32, #tpu.memory_space<hbm>>
    %dma_start3A_867 = arith.constant 0 : i32
    %dma_start3A_868 = tpu.memref_slice %arg46[%mul3A_2, %dma_start3A_867] : memref<16384x32xf32, #tpu.memory_space<hbm>> -> memref<512x32xf32, #tpu.memory_space<hbm>>
    %dma_start3A_869 = arith.constant 0 : i32
    %dma_start3A_870 = arith.constant 0 : i32
    %dma_start3A_871 = tpu.memref_slice %arg56[%dma_start3A_860, %dma_start3A_869, %dma_start3A_870] : memref<6x512x32xf32, #tpu.memory_space<vmem>> -> memref<1x512x32xf32, #tpu.memory_space<vmem>>
    %dma_start3A_872 = tpu.memref_squeeze %dma_start3A_871 : memref<1x512x32xf32, #tpu.memory_space<vmem>> -> memref<512x32xf32, #tpu.memory_space<vmem>>
    tpu.enqueue_dma source(%dma_start3A_872 : memref<512x32xf32, #tpu.memory_space<vmem>>) target(%dma_start3A_868 : memref<512x32xf32, #tpu.memory_space<hbm>>) target_semaphore(%arg68 : memref<!tpu.dma_semaphore, #tpu.memory_space<semaphore_mem>>)
    %dma_wait3A_873 = arith.constant 2 : i32
    %dma_wait3A_874 = arith.constant 0 : i32
    %dma_wait3A_875 = arith.constant 0 : i32
    %dma_wait3A_876 = tpu.memref_slice %arg56[%dma_wait3A_873, %dma_wait3A_874, %dma_wait3A_875] : memref<6x512x32xf32, #tpu.memory_space<vmem>> -> memref<1x512x32xf32, #tpu.memory_space<vmem>>
    %dma_wait3A_877 = tpu.memref_squeeze %dma_wait3A_876 : memref<1x512x32xf32, #tpu.memory_space<vmem>> -> memref<512x32xf32, #tpu.memory_space<vmem>>
    %dma_wait3A_878 = arith.constant 0 : i32
    %dma_wait3A_879 = tpu.memref_slice %arg43[%mul3A_2, %dma_wait3A_878] : memref<16384x32xf32, #tpu.memory_space<hbm>> -> memref<512x32xf32, #tpu.memory_space<hbm>>
    %dma_wait3A_880 = arith.constant 0 : i32
    %dma_wait3A_881 = tpu.memref_slice %arg43[%mul3A_2, %dma_wait3A_880] : memref<16384x32xf32, #tpu.memory_space<hbm>> -> memref<512x32xf32, #tpu.memory_space<hbm>>
    %dma_wait3A_882 = arith.constant 0 : i32
    %dma_wait3A_883 = arith.constant 0 : i32
    %dma_wait3A_884 = tpu.memref_slice %arg56[%dma_wait3A_873, %dma_wait3A_882, %dma_wait3A_883] : memref<6x512x32xf32, #tpu.memory_space<vmem>> -> memref<1x512x32xf32, #tpu.memory_space<vmem>>
    %dma_wait3A_885 = tpu.memref_squeeze %dma_wait3A_884 : memref<1x512x32xf32, #tpu.memory_space<vmem>> -> memref<512x32xf32, #tpu.memory_space<vmem>>
    tpu.wait_dma2 semaphore(%arg65 : memref<!tpu.dma_semaphore, #tpu.memory_space<semaphore_mem>>) src(%dma_wait3A_885 : memref<512x32xf32, #tpu.memory_space<vmem>>) dst(%dma_wait3A_881 : memref<512x32xf32, #tpu.memory_space<hbm>>)
    %dma_start3A_886 = arith.constant 20 : i32
    %dma_start3A_887 = arith.constant 2 : i32
    %dma_start3A_888 = arith.constant 0 : i32
    %dma_start3A_889 = arith.constant 0 : i32
    %dma_start3A_890 = tpu.memref_slice %arg56[%dma_start3A_887, %dma_start3A_888, %dma_start3A_889] : memref<6x512x32xf32, #tpu.memory_space<vmem>> -> memref<1x512x32xf32, #tpu.memory_space<vmem>>
    %dma_start3A_891 = tpu.memref_squeeze %dma_start3A_890 : memref<1x512x32xf32, #tpu.memory_space<vmem>> -> memref<512x32xf32, #tpu.memory_space<vmem>>
    %dma_start3A_892 = arith.constant 0 : i32
    %dma_start3A_893 = tpu.memref_slice %arg55[%dma_start3A_886, %dma_start3A_892] : memref<26x512xi32, #tpu.memory_space<vmem>> -> memref<1x512xi32, #tpu.memory_space<vmem>>
    %dma_start3A_894 = tpu.memref_squeeze %dma_start3A_893 : memref<1x512xi32, #tpu.memory_space<vmem>> -> memref<512xi32, #tpu.memory_space<vmem>>
    %dma_start3A_895 = arith.constant 0 : i32
    %dma_start3A_896 = arith.constant 0 : i32
    %dma_start3A_897 = tpu.memref_slice %arg23[%dma_start3A_895, %dma_start3A_896] : memref<100000x32xf32, #tpu.memory_space<hbm>> -> memref<100000x32xf32, #tpu.memory_space<hbm>>
    tpu.enqueue_indirect_dma source(%dma_start3A_897 : memref<100000x32xf32, #tpu.memory_space<hbm>>) target(%dma_start3A_891 : memref<512x32xf32, #tpu.memory_space<vmem>>) offsets(%dma_start3A_894 : memref<512xi32, #tpu.memory_space<vmem>>) semaphore(%arg59 : memref<!tpu.dma_semaphore, #tpu.memory_space<semaphore_mem>>)
    %dma_wait3A_898 = arith.constant 18 : i32
    %dma_wait3A_899 = arith.constant 0 : i32
    %dma_wait3A_900 = arith.constant 0 : i32
    %dma_wait3A_901 = arith.constant 0 : i32
    %dma_wait3A_902 = tpu.memref_slice %arg56[%dma_wait3A_899, %dma_wait3A_900, %dma_wait3A_901] : memref<6x512x32xf32, #tpu.memory_space<vmem>> -> memref<1x512x32xf32, #tpu.memory_space<vmem>>
    %dma_wait3A_903 = tpu.memref_squeeze %dma_wait3A_902 : memref<1x512x32xf32, #tpu.memory_space<vmem>> -> memref<512x32xf32, #tpu.memory_space<vmem>>
    %dma_wait3A_904 = arith.constant 0 : i32
    %dma_wait3A_905 = tpu.memref_slice %arg55[%dma_wait3A_898, %dma_wait3A_904] : memref<26x512xi32, #tpu.memory_space<vmem>> -> memref<1x512xi32, #tpu.memory_space<vmem>>
    %dma_wait3A_906 = tpu.memref_squeeze %dma_wait3A_905 : memref<1x512xi32, #tpu.memory_space<vmem>> -> memref<512xi32, #tpu.memory_space<vmem>>
    %dma_wait3A_907 = arith.constant 0 : i32
    %dma_wait3A_908 = arith.constant 0 : i32
    %dma_wait3A_909 = tpu.memref_slice %arg21[%dma_wait3A_907, %dma_wait3A_908] : memref<100000x32xf32, #tpu.memory_space<hbm>> -> memref<100000x32xf32, #tpu.memory_space<hbm>>
    tpu.wait_indirect_dma semaphore(%arg57 : memref<!tpu.dma_semaphore, #tpu.memory_space<semaphore_mem>>) src(%dma_wait3A_909 : memref<100000x32xf32, #tpu.memory_space<hbm>>) dst(%dma_wait3A_903 : memref<512x32xf32, #tpu.memory_space<vmem>>)
    %dma_start3A_910 = arith.constant 0 : i32
    %dma_start3A_911 = arith.constant 0 : i32
    %dma_start3A_912 = arith.constant 0 : i32
    %dma_start3A_913 = tpu.memref_slice %arg56[%dma_start3A_910, %dma_start3A_911, %dma_start3A_912] : memref<6x512x32xf32, #tpu.memory_space<vmem>> -> memref<1x512x32xf32, #tpu.memory_space<vmem>>
    %dma_start3A_914 = tpu.memref_squeeze %dma_start3A_913 : memref<1x512x32xf32, #tpu.memory_space<vmem>> -> memref<512x32xf32, #tpu.memory_space<vmem>>
    %dma_start3A_915 = arith.constant 0 : i32
    %dma_start3A_916 = tpu.memref_slice %arg47[%mul3A_2, %dma_start3A_915] : memref<16384x32xf32, #tpu.memory_space<hbm>> -> memref<512x32xf32, #tpu.memory_space<hbm>>
    %dma_start3A_917 = arith.constant 0 : i32
    %dma_start3A_918 = tpu.memref_slice %arg47[%mul3A_2, %dma_start3A_917] : memref<16384x32xf32, #tpu.memory_space<hbm>> -> memref<512x32xf32, #tpu.memory_space<hbm>>
    %dma_start3A_919 = arith.constant 0 : i32
    %dma_start3A_920 = arith.constant 0 : i32
    %dma_start3A_921 = tpu.memref_slice %arg56[%dma_start3A_910, %dma_start3A_919, %dma_start3A_920] : memref<6x512x32xf32, #tpu.memory_space<vmem>> -> memref<1x512x32xf32, #tpu.memory_space<vmem>>
    %dma_start3A_922 = tpu.memref_squeeze %dma_start3A_921 : memref<1x512x32xf32, #tpu.memory_space<vmem>> -> memref<512x32xf32, #tpu.memory_space<vmem>>
    tpu.enqueue_dma source(%dma_start3A_922 : memref<512x32xf32, #tpu.memory_space<vmem>>) target(%dma_start3A_918 : memref<512x32xf32, #tpu.memory_space<hbm>>) target_semaphore(%arg63 : memref<!tpu.dma_semaphore, #tpu.memory_space<semaphore_mem>>)
    %dma_wait3A_923 = arith.constant 3 : i32
    %dma_wait3A_924 = arith.constant 0 : i32
    %dma_wait3A_925 = arith.constant 0 : i32
    %dma_wait3A_926 = tpu.memref_slice %arg56[%dma_wait3A_923, %dma_wait3A_924, %dma_wait3A_925] : memref<6x512x32xf32, #tpu.memory_space<vmem>> -> memref<1x512x32xf32, #tpu.memory_space<vmem>>
    %dma_wait3A_927 = tpu.memref_squeeze %dma_wait3A_926 : memref<1x512x32xf32, #tpu.memory_space<vmem>> -> memref<512x32xf32, #tpu.memory_space<vmem>>
    %dma_wait3A_928 = arith.constant 0 : i32
    %dma_wait3A_929 = tpu.memref_slice %arg44[%mul3A_2, %dma_wait3A_928] : memref<16384x32xf32, #tpu.memory_space<hbm>> -> memref<512x32xf32, #tpu.memory_space<hbm>>
    %dma_wait3A_930 = arith.constant 0 : i32
    %dma_wait3A_931 = tpu.memref_slice %arg44[%mul3A_2, %dma_wait3A_930] : memref<16384x32xf32, #tpu.memory_space<hbm>> -> memref<512x32xf32, #tpu.memory_space<hbm>>
    %dma_wait3A_932 = arith.constant 0 : i32
    %dma_wait3A_933 = arith.constant 0 : i32
    %dma_wait3A_934 = tpu.memref_slice %arg56[%dma_wait3A_923, %dma_wait3A_932, %dma_wait3A_933] : memref<6x512x32xf32, #tpu.memory_space<vmem>> -> memref<1x512x32xf32, #tpu.memory_space<vmem>>
    %dma_wait3A_935 = tpu.memref_squeeze %dma_wait3A_934 : memref<1x512x32xf32, #tpu.memory_space<vmem>> -> memref<512x32xf32, #tpu.memory_space<vmem>>
    tpu.wait_dma2 semaphore(%arg66 : memref<!tpu.dma_semaphore, #tpu.memory_space<semaphore_mem>>) src(%dma_wait3A_935 : memref<512x32xf32, #tpu.memory_space<vmem>>) dst(%dma_wait3A_931 : memref<512x32xf32, #tpu.memory_space<hbm>>)
    %dma_start3A_936 = arith.constant 21 : i32
    %dma_start3A_937 = arith.constant 3 : i32
    %dma_start3A_938 = arith.constant 0 : i32
    %dma_start3A_939 = arith.constant 0 : i32
    %dma_start3A_940 = tpu.memref_slice %arg56[%dma_start3A_937, %dma_start3A_938, %dma_start3A_939] : memref<6x512x32xf32, #tpu.memory_space<vmem>> -> memref<1x512x32xf32, #tpu.memory_space<vmem>>
    %dma_start3A_941 = tpu.memref_squeeze %dma_start3A_940 : memref<1x512x32xf32, #tpu.memory_space<vmem>> -> memref<512x32xf32, #tpu.memory_space<vmem>>
    %dma_start3A_942 = arith.constant 0 : i32
    %dma_start3A_943 = tpu.memref_slice %arg55[%dma_start3A_936, %dma_start3A_942] : memref<26x512xi32, #tpu.memory_space<vmem>> -> memref<1x512xi32, #tpu.memory_space<vmem>>
    %dma_start3A_944 = tpu.memref_squeeze %dma_start3A_943 : memref<1x512xi32, #tpu.memory_space<vmem>> -> memref<512xi32, #tpu.memory_space<vmem>>
    %dma_start3A_945 = arith.constant 0 : i32
    %dma_start3A_946 = arith.constant 0 : i32
    %dma_start3A_947 = tpu.memref_slice %arg24[%dma_start3A_945, %dma_start3A_946] : memref<100000x32xf32, #tpu.memory_space<hbm>> -> memref<100000x32xf32, #tpu.memory_space<hbm>>
    tpu.enqueue_indirect_dma source(%dma_start3A_947 : memref<100000x32xf32, #tpu.memory_space<hbm>>) target(%dma_start3A_941 : memref<512x32xf32, #tpu.memory_space<vmem>>) offsets(%dma_start3A_944 : memref<512xi32, #tpu.memory_space<vmem>>) semaphore(%arg60 : memref<!tpu.dma_semaphore, #tpu.memory_space<semaphore_mem>>)
    %dma_wait3A_948 = arith.constant 19 : i32
    %dma_wait3A_949 = arith.constant 1 : i32
    %dma_wait3A_950 = arith.constant 0 : i32
    %dma_wait3A_951 = arith.constant 0 : i32
    %dma_wait3A_952 = tpu.memref_slice %arg56[%dma_wait3A_949, %dma_wait3A_950, %dma_wait3A_951] : memref<6x512x32xf32, #tpu.memory_space<vmem>> -> memref<1x512x32xf32, #tpu.memory_space<vmem>>
    %dma_wait3A_953 = tpu.memref_squeeze %dma_wait3A_952 : memref<1x512x32xf32, #tpu.memory_space<vmem>> -> memref<512x32xf32, #tpu.memory_space<vmem>>
    %dma_wait3A_954 = arith.constant 0 : i32
    %dma_wait3A_955 = tpu.memref_slice %arg55[%dma_wait3A_948, %dma_wait3A_954] : memref<26x512xi32, #tpu.memory_space<vmem>> -> memref<1x512xi32, #tpu.memory_space<vmem>>
    %dma_wait3A_956 = tpu.memref_squeeze %dma_wait3A_955 : memref<1x512xi32, #tpu.memory_space<vmem>> -> memref<512xi32, #tpu.memory_space<vmem>>
    %dma_wait3A_957 = arith.constant 0 : i32
    %dma_wait3A_958 = arith.constant 0 : i32
    %dma_wait3A_959 = tpu.memref_slice %arg22[%dma_wait3A_957, %dma_wait3A_958] : memref<100000x32xf32, #tpu.memory_space<hbm>> -> memref<100000x32xf32, #tpu.memory_space<hbm>>
    tpu.wait_indirect_dma semaphore(%arg58 : memref<!tpu.dma_semaphore, #tpu.memory_space<semaphore_mem>>) src(%dma_wait3A_959 : memref<100000x32xf32, #tpu.memory_space<hbm>>) dst(%dma_wait3A_953 : memref<512x32xf32, #tpu.memory_space<vmem>>)
    %dma_start3A_960 = arith.constant 1 : i32
    %dma_start3A_961 = arith.constant 0 : i32
    %dma_start3A_962 = arith.constant 0 : i32
    %dma_start3A_963 = tpu.memref_slice %arg56[%dma_start3A_960, %dma_start3A_961, %dma_start3A_962] : memref<6x512x32xf32, #tpu.memory_space<vmem>> -> memref<1x512x32xf32, #tpu.memory_space<vmem>>
    %dma_start3A_964 = tpu.memref_squeeze %dma_start3A_963 : memref<1x512x32xf32, #tpu.memory_space<vmem>> -> memref<512x32xf32, #tpu.memory_space<vmem>>
    %dma_start3A_965 = arith.constant 0 : i32
    %dma_start3A_966 = tpu.memref_slice %arg48[%mul3A_2, %dma_start3A_965] : memref<16384x32xf32, #tpu.memory_space<hbm>> -> memref<512x32xf32, #tpu.memory_space<hbm>>
    %dma_start3A_967 = arith.constant 0 : i32
    %dma_start3A_968 = tpu.memref_slice %arg48[%mul3A_2, %dma_start3A_967] : memref<16384x32xf32, #tpu.memory_space<hbm>> -> memref<512x32xf32, #tpu.memory_space<hbm>>
    %dma_start3A_969 = arith.constant 0 : i32
    %dma_start3A_970 = arith.constant 0 : i32
    %dma_start3A_971 = tpu.memref_slice %arg56[%dma_start3A_960, %dma_start3A_969, %dma_start3A_970] : memref<6x512x32xf32, #tpu.memory_space<vmem>> -> memref<1x512x32xf32, #tpu.memory_space<vmem>>
    %dma_start3A_972 = tpu.memref_squeeze %dma_start3A_971 : memref<1x512x32xf32, #tpu.memory_space<vmem>> -> memref<512x32xf32, #tpu.memory_space<vmem>>
    tpu.enqueue_dma source(%dma_start3A_972 : memref<512x32xf32, #tpu.memory_space<vmem>>) target(%dma_start3A_968 : memref<512x32xf32, #tpu.memory_space<hbm>>) target_semaphore(%arg64 : memref<!tpu.dma_semaphore, #tpu.memory_space<semaphore_mem>>)
    %dma_wait3A_973 = arith.constant 4 : i32
    %dma_wait3A_974 = arith.constant 0 : i32
    %dma_wait3A_975 = arith.constant 0 : i32
    %dma_wait3A_976 = tpu.memref_slice %arg56[%dma_wait3A_973, %dma_wait3A_974, %dma_wait3A_975] : memref<6x512x32xf32, #tpu.memory_space<vmem>> -> memref<1x512x32xf32, #tpu.memory_space<vmem>>
    %dma_wait3A_977 = tpu.memref_squeeze %dma_wait3A_976 : memref<1x512x32xf32, #tpu.memory_space<vmem>> -> memref<512x32xf32, #tpu.memory_space<vmem>>
    %dma_wait3A_978 = arith.constant 0 : i32
    %dma_wait3A_979 = tpu.memref_slice %arg45[%mul3A_2, %dma_wait3A_978] : memref<16384x32xf32, #tpu.memory_space<hbm>> -> memref<512x32xf32, #tpu.memory_space<hbm>>
    %dma_wait3A_980 = arith.constant 0 : i32
    %dma_wait3A_981 = tpu.memref_slice %arg45[%mul3A_2, %dma_wait3A_980] : memref<16384x32xf32, #tpu.memory_space<hbm>> -> memref<512x32xf32, #tpu.memory_space<hbm>>
    %dma_wait3A_982 = arith.constant 0 : i32
    %dma_wait3A_983 = arith.constant 0 : i32
    %dma_wait3A_984 = tpu.memref_slice %arg56[%dma_wait3A_973, %dma_wait3A_982, %dma_wait3A_983] : memref<6x512x32xf32, #tpu.memory_space<vmem>> -> memref<1x512x32xf32, #tpu.memory_space<vmem>>
    %dma_wait3A_985 = tpu.memref_squeeze %dma_wait3A_984 : memref<1x512x32xf32, #tpu.memory_space<vmem>> -> memref<512x32xf32, #tpu.memory_space<vmem>>
    tpu.wait_dma2 semaphore(%arg67 : memref<!tpu.dma_semaphore, #tpu.memory_space<semaphore_mem>>) src(%dma_wait3A_985 : memref<512x32xf32, #tpu.memory_space<vmem>>) dst(%dma_wait3A_981 : memref<512x32xf32, #tpu.memory_space<hbm>>)
    %dma_start3A_986 = arith.constant 22 : i32
    %dma_start3A_987 = arith.constant 4 : i32
    %dma_start3A_988 = arith.constant 0 : i32
    %dma_start3A_989 = arith.constant 0 : i32
    %dma_start3A_990 = tpu.memref_slice %arg56[%dma_start3A_987, %dma_start3A_988, %dma_start3A_989] : memref<6x512x32xf32, #tpu.memory_space<vmem>> -> memref<1x512x32xf32, #tpu.memory_space<vmem>>
    %dma_start3A_991 = tpu.memref_squeeze %dma_start3A_990 : memref<1x512x32xf32, #tpu.memory_space<vmem>> -> memref<512x32xf32, #tpu.memory_space<vmem>>
    %dma_start3A_992 = arith.constant 0 : i32
    %dma_start3A_993 = tpu.memref_slice %arg55[%dma_start3A_986, %dma_start3A_992] : memref<26x512xi32, #tpu.memory_space<vmem>> -> memref<1x512xi32, #tpu.memory_space<vmem>>
    %dma_start3A_994 = tpu.memref_squeeze %dma_start3A_993 : memref<1x512xi32, #tpu.memory_space<vmem>> -> memref<512xi32, #tpu.memory_space<vmem>>
    %dma_start3A_995 = arith.constant 0 : i32
    %dma_start3A_996 = arith.constant 0 : i32
    %dma_start3A_997 = tpu.memref_slice %arg25[%dma_start3A_995, %dma_start3A_996] : memref<100000x32xf32, #tpu.memory_space<hbm>> -> memref<100000x32xf32, #tpu.memory_space<hbm>>
    tpu.enqueue_indirect_dma source(%dma_start3A_997 : memref<100000x32xf32, #tpu.memory_space<hbm>>) target(%dma_start3A_991 : memref<512x32xf32, #tpu.memory_space<vmem>>) offsets(%dma_start3A_994 : memref<512xi32, #tpu.memory_space<vmem>>) semaphore(%arg61 : memref<!tpu.dma_semaphore, #tpu.memory_space<semaphore_mem>>)
    %dma_wait3A_998 = arith.constant 20 : i32
    %dma_wait3A_999 = arith.constant 2 : i32
    %dma_wait3A_1000 = arith.constant 0 : i32
    %dma_wait3A_1001 = arith.constant 0 : i32
    %dma_wait3A_1002 = tpu.memref_slice %arg56[%dma_wait3A_999, %dma_wait3A_1000, %dma_wait3A_1001] : memref<6x512x32xf32, #tpu.memory_space<vmem>> -> memref<1x512x32xf32, #tpu.memory_space<vmem>>
    %dma_wait3A_1003 = tpu.memref_squeeze %dma_wait3A_1002 : memref<1x512x32xf32, #tpu.memory_space<vmem>> -> memref<512x32xf32, #tpu.memory_space<vmem>>
    %dma_wait3A_1004 = arith.constant 0 : i32
    %dma_wait3A_1005 = tpu.memref_slice %arg55[%dma_wait3A_998, %dma_wait3A_1004] : memref<26x512xi32, #tpu.memory_space<vmem>> -> memref<1x512xi32, #tpu.memory_space<vmem>>
    %dma_wait3A_1006 = tpu.memref_squeeze %dma_wait3A_1005 : memref<1x512xi32, #tpu.memory_space<vmem>> -> memref<512xi32, #tpu.memory_space<vmem>>
    %dma_wait3A_1007 = arith.constant 0 : i32
    %dma_wait3A_1008 = arith.constant 0 : i32
    %dma_wait3A_1009 = tpu.memref_slice %arg23[%dma_wait3A_1007, %dma_wait3A_1008] : memref<100000x32xf32, #tpu.memory_space<hbm>> -> memref<100000x32xf32, #tpu.memory_space<hbm>>
    tpu.wait_indirect_dma semaphore(%arg59 : memref<!tpu.dma_semaphore, #tpu.memory_space<semaphore_mem>>) src(%dma_wait3A_1009 : memref<100000x32xf32, #tpu.memory_space<hbm>>) dst(%dma_wait3A_1003 : memref<512x32xf32, #tpu.memory_space<vmem>>)
    %dma_start3A_1010 = arith.constant 2 : i32
    %dma_start3A_1011 = arith.constant 0 : i32
    %dma_start3A_1012 = arith.constant 0 : i32
    %dma_start3A_1013 = tpu.memref_slice %arg56[%dma_start3A_1010, %dma_start3A_1011, %dma_start3A_1012] : memref<6x512x32xf32, #tpu.memory_space<vmem>> -> memref<1x512x32xf32, #tpu.memory_space<vmem>>
    %dma_start3A_1014 = tpu.memref_squeeze %dma_start3A_1013 : memref<1x512x32xf32, #tpu.memory_space<vmem>> -> memref<512x32xf32, #tpu.memory_space<vmem>>
    %dma_start3A_1015 = arith.constant 0 : i32
    %dma_start3A_1016 = tpu.memref_slice %arg49[%mul3A_2, %dma_start3A_1015] : memref<16384x32xf32, #tpu.memory_space<hbm>> -> memref<512x32xf32, #tpu.memory_space<hbm>>
    %dma_start3A_1017 = arith.constant 0 : i32
    %dma_start3A_1018 = tpu.memref_slice %arg49[%mul3A_2, %dma_start3A_1017] : memref<16384x32xf32, #tpu.memory_space<hbm>> -> memref<512x32xf32, #tpu.memory_space<hbm>>
    %dma_start3A_1019 = arith.constant 0 : i32
    %dma_start3A_1020 = arith.constant 0 : i32
    %dma_start3A_1021 = tpu.memref_slice %arg56[%dma_start3A_1010, %dma_start3A_1019, %dma_start3A_1020] : memref<6x512x32xf32, #tpu.memory_space<vmem>> -> memref<1x512x32xf32, #tpu.memory_space<vmem>>
    %dma_start3A_1022 = tpu.memref_squeeze %dma_start3A_1021 : memref<1x512x32xf32, #tpu.memory_space<vmem>> -> memref<512x32xf32, #tpu.memory_space<vmem>>
    tpu.enqueue_dma source(%dma_start3A_1022 : memref<512x32xf32, #tpu.memory_space<vmem>>) target(%dma_start3A_1018 : memref<512x32xf32, #tpu.memory_space<hbm>>) target_semaphore(%arg65 : memref<!tpu.dma_semaphore, #tpu.memory_space<semaphore_mem>>)
    %dma_wait3A_1023 = arith.constant 5 : i32
    %dma_wait3A_1024 = arith.constant 0 : i32
    %dma_wait3A_1025 = arith.constant 0 : i32
    %dma_wait3A_1026 = tpu.memref_slice %arg56[%dma_wait3A_1023, %dma_wait3A_1024, %dma_wait3A_1025] : memref<6x512x32xf32, #tpu.memory_space<vmem>> -> memref<1x512x32xf32, #tpu.memory_space<vmem>>
    %dma_wait3A_1027 = tpu.memref_squeeze %dma_wait3A_1026 : memref<1x512x32xf32, #tpu.memory_space<vmem>> -> memref<512x32xf32, #tpu.memory_space<vmem>>
    %dma_wait3A_1028 = arith.constant 0 : i32
    %dma_wait3A_1029 = tpu.memref_slice %arg46[%mul3A_2, %dma_wait3A_1028] : memref<16384x32xf32, #tpu.memory_space<hbm>> -> memref<512x32xf32, #tpu.memory_space<hbm>>
    %dma_wait3A_1030 = arith.constant 0 : i32
    %dma_wait3A_1031 = tpu.memref_slice %arg46[%mul3A_2, %dma_wait3A_1030] : memref<16384x32xf32, #tpu.memory_space<hbm>> -> memref<512x32xf32, #tpu.memory_space<hbm>>
    %dma_wait3A_1032 = arith.constant 0 : i32
    %dma_wait3A_1033 = arith.constant 0 : i32
    %dma_wait3A_1034 = tpu.memref_slice %arg56[%dma_wait3A_1023, %dma_wait3A_1032, %dma_wait3A_1033] : memref<6x512x32xf32, #tpu.memory_space<vmem>> -> memref<1x512x32xf32, #tpu.memory_space<vmem>>
    %dma_wait3A_1035 = tpu.memref_squeeze %dma_wait3A_1034 : memref<1x512x32xf32, #tpu.memory_space<vmem>> -> memref<512x32xf32, #tpu.memory_space<vmem>>
    tpu.wait_dma2 semaphore(%arg68 : memref<!tpu.dma_semaphore, #tpu.memory_space<semaphore_mem>>) src(%dma_wait3A_1035 : memref<512x32xf32, #tpu.memory_space<vmem>>) dst(%dma_wait3A_1031 : memref<512x32xf32, #tpu.memory_space<hbm>>)
    %dma_start3A_1036 = arith.constant 23 : i32
    %dma_start3A_1037 = arith.constant 5 : i32
    %dma_start3A_1038 = arith.constant 0 : i32
    %dma_start3A_1039 = arith.constant 0 : i32
    %dma_start3A_1040 = tpu.memref_slice %arg56[%dma_start3A_1037, %dma_start3A_1038, %dma_start3A_1039] : memref<6x512x32xf32, #tpu.memory_space<vmem>> -> memref<1x512x32xf32, #tpu.memory_space<vmem>>
    %dma_start3A_1041 = tpu.memref_squeeze %dma_start3A_1040 : memref<1x512x32xf32, #tpu.memory_space<vmem>> -> memref<512x32xf32, #tpu.memory_space<vmem>>
    %dma_start3A_1042 = arith.constant 0 : i32
    %dma_start3A_1043 = tpu.memref_slice %arg55[%dma_start3A_1036, %dma_start3A_1042] : memref<26x512xi32, #tpu.memory_space<vmem>> -> memref<1x512xi32, #tpu.memory_space<vmem>>
    %dma_start3A_1044 = tpu.memref_squeeze %dma_start3A_1043 : memref<1x512xi32, #tpu.memory_space<vmem>> -> memref<512xi32, #tpu.memory_space<vmem>>
    %dma_start3A_1045 = arith.constant 0 : i32
    %dma_start3A_1046 = arith.constant 0 : i32
    %dma_start3A_1047 = tpu.memref_slice %arg26[%dma_start3A_1045, %dma_start3A_1046] : memref<100000x32xf32, #tpu.memory_space<hbm>> -> memref<100000x32xf32, #tpu.memory_space<hbm>>
    tpu.enqueue_indirect_dma source(%dma_start3A_1047 : memref<100000x32xf32, #tpu.memory_space<hbm>>) target(%dma_start3A_1041 : memref<512x32xf32, #tpu.memory_space<vmem>>) offsets(%dma_start3A_1044 : memref<512xi32, #tpu.memory_space<vmem>>) semaphore(%arg62 : memref<!tpu.dma_semaphore, #tpu.memory_space<semaphore_mem>>)
    %dma_wait3A_1048 = arith.constant 21 : i32
    %dma_wait3A_1049 = arith.constant 3 : i32
    %dma_wait3A_1050 = arith.constant 0 : i32
    %dma_wait3A_1051 = arith.constant 0 : i32
    %dma_wait3A_1052 = tpu.memref_slice %arg56[%dma_wait3A_1049, %dma_wait3A_1050, %dma_wait3A_1051] : memref<6x512x32xf32, #tpu.memory_space<vmem>> -> memref<1x512x32xf32, #tpu.memory_space<vmem>>
    %dma_wait3A_1053 = tpu.memref_squeeze %dma_wait3A_1052 : memref<1x512x32xf32, #tpu.memory_space<vmem>> -> memref<512x32xf32, #tpu.memory_space<vmem>>
    %dma_wait3A_1054 = arith.constant 0 : i32
    %dma_wait3A_1055 = tpu.memref_slice %arg55[%dma_wait3A_1048, %dma_wait3A_1054] : memref<26x512xi32, #tpu.memory_space<vmem>> -> memref<1x512xi32, #tpu.memory_space<vmem>>
    %dma_wait3A_1056 = tpu.memref_squeeze %dma_wait3A_1055 : memref<1x512xi32, #tpu.memory_space<vmem>> -> memref<512xi32, #tpu.memory_space<vmem>>
    %dma_wait3A_1057 = arith.constant 0 : i32
    %dma_wait3A_1058 = arith.constant 0 : i32
    %dma_wait3A_1059 = tpu.memref_slice %arg24[%dma_wait3A_1057, %dma_wait3A_1058] : memref<100000x32xf32, #tpu.memory_space<hbm>> -> memref<100000x32xf32, #tpu.memory_space<hbm>>
    tpu.wait_indirect_dma semaphore(%arg60 : memref<!tpu.dma_semaphore, #tpu.memory_space<semaphore_mem>>) src(%dma_wait3A_1059 : memref<100000x32xf32, #tpu.memory_space<hbm>>) dst(%dma_wait3A_1053 : memref<512x32xf32, #tpu.memory_space<vmem>>)
    %dma_start3A_1060 = arith.constant 3 : i32
    %dma_start3A_1061 = arith.constant 0 : i32
    %dma_start3A_1062 = arith.constant 0 : i32
    %dma_start3A_1063 = tpu.memref_slice %arg56[%dma_start3A_1060, %dma_start3A_1061, %dma_start3A_1062] : memref<6x512x32xf32, #tpu.memory_space<vmem>> -> memref<1x512x32xf32, #tpu.memory_space<vmem>>
    %dma_start3A_1064 = tpu.memref_squeeze %dma_start3A_1063 : memref<1x512x32xf32, #tpu.memory_space<vmem>> -> memref<512x32xf32, #tpu.memory_space<vmem>>
    %dma_start3A_1065 = arith.constant 0 : i32
    %dma_start3A_1066 = tpu.memref_slice %arg50[%mul3A_2, %dma_start3A_1065] : memref<16384x32xf32, #tpu.memory_space<hbm>> -> memref<512x32xf32, #tpu.memory_space<hbm>>
    %dma_start3A_1067 = arith.constant 0 : i32
    %dma_start3A_1068 = tpu.memref_slice %arg50[%mul3A_2, %dma_start3A_1067] : memref<16384x32xf32, #tpu.memory_space<hbm>> -> memref<512x32xf32, #tpu.memory_space<hbm>>
    %dma_start3A_1069 = arith.constant 0 : i32
    %dma_start3A_1070 = arith.constant 0 : i32
    %dma_start3A_1071 = tpu.memref_slice %arg56[%dma_start3A_1060, %dma_start3A_1069, %dma_start3A_1070] : memref<6x512x32xf32, #tpu.memory_space<vmem>> -> memref<1x512x32xf32, #tpu.memory_space<vmem>>
    %dma_start3A_1072 = tpu.memref_squeeze %dma_start3A_1071 : memref<1x512x32xf32, #tpu.memory_space<vmem>> -> memref<512x32xf32, #tpu.memory_space<vmem>>
    tpu.enqueue_dma source(%dma_start3A_1072 : memref<512x32xf32, #tpu.memory_space<vmem>>) target(%dma_start3A_1068 : memref<512x32xf32, #tpu.memory_space<hbm>>) target_semaphore(%arg66 : memref<!tpu.dma_semaphore, #tpu.memory_space<semaphore_mem>>)
    %dma_wait3A_1073 = arith.constant 0 : i32
    %dma_wait3A_1074 = arith.constant 0 : i32
    %dma_wait3A_1075 = arith.constant 0 : i32
    %dma_wait3A_1076 = tpu.memref_slice %arg56[%dma_wait3A_1073, %dma_wait3A_1074, %dma_wait3A_1075] : memref<6x512x32xf32, #tpu.memory_space<vmem>> -> memref<1x512x32xf32, #tpu.memory_space<vmem>>
    %dma_wait3A_1077 = tpu.memref_squeeze %dma_wait3A_1076 : memref<1x512x32xf32, #tpu.memory_space<vmem>> -> memref<512x32xf32, #tpu.memory_space<vmem>>
    %dma_wait3A_1078 = arith.constant 0 : i32
    %dma_wait3A_1079 = tpu.memref_slice %arg47[%mul3A_2, %dma_wait3A_1078] : memref<16384x32xf32, #tpu.memory_space<hbm>> -> memref<512x32xf32, #tpu.memory_space<hbm>>
    %dma_wait3A_1080 = arith.constant 0 : i32
    %dma_wait3A_1081 = tpu.memref_slice %arg47[%mul3A_2, %dma_wait3A_1080] : memref<16384x32xf32, #tpu.memory_space<hbm>> -> memref<512x32xf32, #tpu.memory_space<hbm>>
    %dma_wait3A_1082 = arith.constant 0 : i32
    %dma_wait3A_1083 = arith.constant 0 : i32
    %dma_wait3A_1084 = tpu.memref_slice %arg56[%dma_wait3A_1073, %dma_wait3A_1082, %dma_wait3A_1083] : memref<6x512x32xf32, #tpu.memory_space<vmem>> -> memref<1x512x32xf32, #tpu.memory_space<vmem>>
    %dma_wait3A_1085 = tpu.memref_squeeze %dma_wait3A_1084 : memref<1x512x32xf32, #tpu.memory_space<vmem>> -> memref<512x32xf32, #tpu.memory_space<vmem>>
    tpu.wait_dma2 semaphore(%arg63 : memref<!tpu.dma_semaphore, #tpu.memory_space<semaphore_mem>>) src(%dma_wait3A_1085 : memref<512x32xf32, #tpu.memory_space<vmem>>) dst(%dma_wait3A_1081 : memref<512x32xf32, #tpu.memory_space<hbm>>)
    %dma_start3A_1086 = arith.constant 24 : i32
    %dma_start3A_1087 = arith.constant 0 : i32
    %dma_start3A_1088 = arith.constant 0 : i32
    %dma_start3A_1089 = arith.constant 0 : i32
    %dma_start3A_1090 = tpu.memref_slice %arg56[%dma_start3A_1087, %dma_start3A_1088, %dma_start3A_1089] : memref<6x512x32xf32, #tpu.memory_space<vmem>> -> memref<1x512x32xf32, #tpu.memory_space<vmem>>
    %dma_start3A_1091 = tpu.memref_squeeze %dma_start3A_1090 : memref<1x512x32xf32, #tpu.memory_space<vmem>> -> memref<512x32xf32, #tpu.memory_space<vmem>>
    %dma_start3A_1092 = arith.constant 0 : i32
    %dma_start3A_1093 = tpu.memref_slice %arg55[%dma_start3A_1086, %dma_start3A_1092] : memref<26x512xi32, #tpu.memory_space<vmem>> -> memref<1x512xi32, #tpu.memory_space<vmem>>
    %dma_start3A_1094 = tpu.memref_squeeze %dma_start3A_1093 : memref<1x512xi32, #tpu.memory_space<vmem>> -> memref<512xi32, #tpu.memory_space<vmem>>
    %dma_start3A_1095 = arith.constant 0 : i32
    %dma_start3A_1096 = arith.constant 0 : i32
    %dma_start3A_1097 = tpu.memref_slice %arg27[%dma_start3A_1095, %dma_start3A_1096] : memref<100000x32xf32, #tpu.memory_space<hbm>> -> memref<100000x32xf32, #tpu.memory_space<hbm>>
    tpu.enqueue_indirect_dma source(%dma_start3A_1097 : memref<100000x32xf32, #tpu.memory_space<hbm>>) target(%dma_start3A_1091 : memref<512x32xf32, #tpu.memory_space<vmem>>) offsets(%dma_start3A_1094 : memref<512xi32, #tpu.memory_space<vmem>>) semaphore(%arg57 : memref<!tpu.dma_semaphore, #tpu.memory_space<semaphore_mem>>)
    %dma_wait3A_1098 = arith.constant 22 : i32
    %dma_wait3A_1099 = arith.constant 4 : i32
    %dma_wait3A_1100 = arith.constant 0 : i32
    %dma_wait3A_1101 = arith.constant 0 : i32
    %dma_wait3A_1102 = tpu.memref_slice %arg56[%dma_wait3A_1099, %dma_wait3A_1100, %dma_wait3A_1101] : memref<6x512x32xf32, #tpu.memory_space<vmem>> -> memref<1x512x32xf32, #tpu.memory_space<vmem>>
    %dma_wait3A_1103 = tpu.memref_squeeze %dma_wait3A_1102 : memref<1x512x32xf32, #tpu.memory_space<vmem>> -> memref<512x32xf32, #tpu.memory_space<vmem>>
    %dma_wait3A_1104 = arith.constant 0 : i32
    %dma_wait3A_1105 = tpu.memref_slice %arg55[%dma_wait3A_1098, %dma_wait3A_1104] : memref<26x512xi32, #tpu.memory_space<vmem>> -> memref<1x512xi32, #tpu.memory_space<vmem>>
    %dma_wait3A_1106 = tpu.memref_squeeze %dma_wait3A_1105 : memref<1x512xi32, #tpu.memory_space<vmem>> -> memref<512xi32, #tpu.memory_space<vmem>>
    %dma_wait3A_1107 = arith.constant 0 : i32
    %dma_wait3A_1108 = arith.constant 0 : i32
    %dma_wait3A_1109 = tpu.memref_slice %arg25[%dma_wait3A_1107, %dma_wait3A_1108] : memref<100000x32xf32, #tpu.memory_space<hbm>> -> memref<100000x32xf32, #tpu.memory_space<hbm>>
    tpu.wait_indirect_dma semaphore(%arg61 : memref<!tpu.dma_semaphore, #tpu.memory_space<semaphore_mem>>) src(%dma_wait3A_1109 : memref<100000x32xf32, #tpu.memory_space<hbm>>) dst(%dma_wait3A_1103 : memref<512x32xf32, #tpu.memory_space<vmem>>)
    %dma_start3A_1110 = arith.constant 4 : i32
    %dma_start3A_1111 = arith.constant 0 : i32
    %dma_start3A_1112 = arith.constant 0 : i32
    %dma_start3A_1113 = tpu.memref_slice %arg56[%dma_start3A_1110, %dma_start3A_1111, %dma_start3A_1112] : memref<6x512x32xf32, #tpu.memory_space<vmem>> -> memref<1x512x32xf32, #tpu.memory_space<vmem>>
    %dma_start3A_1114 = tpu.memref_squeeze %dma_start3A_1113 : memref<1x512x32xf32, #tpu.memory_space<vmem>> -> memref<512x32xf32, #tpu.memory_space<vmem>>
    %dma_start3A_1115 = arith.constant 0 : i32
    %dma_start3A_1116 = tpu.memref_slice %arg51[%mul3A_2, %dma_start3A_1115] : memref<16384x32xf32, #tpu.memory_space<hbm>> -> memref<512x32xf32, #tpu.memory_space<hbm>>
    %dma_start3A_1117 = arith.constant 0 : i32
    %dma_start3A_1118 = tpu.memref_slice %arg51[%mul3A_2, %dma_start3A_1117] : memref<16384x32xf32, #tpu.memory_space<hbm>> -> memref<512x32xf32, #tpu.memory_space<hbm>>
    %dma_start3A_1119 = arith.constant 0 : i32
    %dma_start3A_1120 = arith.constant 0 : i32
    %dma_start3A_1121 = tpu.memref_slice %arg56[%dma_start3A_1110, %dma_start3A_1119, %dma_start3A_1120] : memref<6x512x32xf32, #tpu.memory_space<vmem>> -> memref<1x512x32xf32, #tpu.memory_space<vmem>>
    %dma_start3A_1122 = tpu.memref_squeeze %dma_start3A_1121 : memref<1x512x32xf32, #tpu.memory_space<vmem>> -> memref<512x32xf32, #tpu.memory_space<vmem>>
    tpu.enqueue_dma source(%dma_start3A_1122 : memref<512x32xf32, #tpu.memory_space<vmem>>) target(%dma_start3A_1118 : memref<512x32xf32, #tpu.memory_space<hbm>>) target_semaphore(%arg67 : memref<!tpu.dma_semaphore, #tpu.memory_space<semaphore_mem>>)
    %dma_wait3A_1123 = arith.constant 1 : i32
    %dma_wait3A_1124 = arith.constant 0 : i32
    %dma_wait3A_1125 = arith.constant 0 : i32
    %dma_wait3A_1126 = tpu.memref_slice %arg56[%dma_wait3A_1123, %dma_wait3A_1124, %dma_wait3A_1125] : memref<6x512x32xf32, #tpu.memory_space<vmem>> -> memref<1x512x32xf32, #tpu.memory_space<vmem>>
    %dma_wait3A_1127 = tpu.memref_squeeze %dma_wait3A_1126 : memref<1x512x32xf32, #tpu.memory_space<vmem>> -> memref<512x32xf32, #tpu.memory_space<vmem>>
    %dma_wait3A_1128 = arith.constant 0 : i32
    %dma_wait3A_1129 = tpu.memref_slice %arg48[%mul3A_2, %dma_wait3A_1128] : memref<16384x32xf32, #tpu.memory_space<hbm>> -> memref<512x32xf32, #tpu.memory_space<hbm>>
    %dma_wait3A_1130 = arith.constant 0 : i32
    %dma_wait3A_1131 = tpu.memref_slice %arg48[%mul3A_2, %dma_wait3A_1130] : memref<16384x32xf32, #tpu.memory_space<hbm>> -> memref<512x32xf32, #tpu.memory_space<hbm>>
    %dma_wait3A_1132 = arith.constant 0 : i32
    %dma_wait3A_1133 = arith.constant 0 : i32
    %dma_wait3A_1134 = tpu.memref_slice %arg56[%dma_wait3A_1123, %dma_wait3A_1132, %dma_wait3A_1133] : memref<6x512x32xf32, #tpu.memory_space<vmem>> -> memref<1x512x32xf32, #tpu.memory_space<vmem>>
    %dma_wait3A_1135 = tpu.memref_squeeze %dma_wait3A_1134 : memref<1x512x32xf32, #tpu.memory_space<vmem>> -> memref<512x32xf32, #tpu.memory_space<vmem>>
    tpu.wait_dma2 semaphore(%arg64 : memref<!tpu.dma_semaphore, #tpu.memory_space<semaphore_mem>>) src(%dma_wait3A_1135 : memref<512x32xf32, #tpu.memory_space<vmem>>) dst(%dma_wait3A_1131 : memref<512x32xf32, #tpu.memory_space<hbm>>)
    %dma_start3A_1136 = arith.constant 25 : i32
    %dma_start3A_1137 = arith.constant 1 : i32
    %dma_start3A_1138 = arith.constant 0 : i32
    %dma_start3A_1139 = arith.constant 0 : i32
    %dma_start3A_1140 = tpu.memref_slice %arg56[%dma_start3A_1137, %dma_start3A_1138, %dma_start3A_1139] : memref<6x512x32xf32, #tpu.memory_space<vmem>> -> memref<1x512x32xf32, #tpu.memory_space<vmem>>
    %dma_start3A_1141 = tpu.memref_squeeze %dma_start3A_1140 : memref<1x512x32xf32, #tpu.memory_space<vmem>> -> memref<512x32xf32, #tpu.memory_space<vmem>>
    %dma_start3A_1142 = arith.constant 0 : i32
    %dma_start3A_1143 = tpu.memref_slice %arg55[%dma_start3A_1136, %dma_start3A_1142] : memref<26x512xi32, #tpu.memory_space<vmem>> -> memref<1x512xi32, #tpu.memory_space<vmem>>
    %dma_start3A_1144 = tpu.memref_squeeze %dma_start3A_1143 : memref<1x512xi32, #tpu.memory_space<vmem>> -> memref<512xi32, #tpu.memory_space<vmem>>
    %dma_start3A_1145 = arith.constant 0 : i32
    %dma_start3A_1146 = arith.constant 0 : i32
    %dma_start3A_1147 = tpu.memref_slice %arg28[%dma_start3A_1145, %dma_start3A_1146] : memref<100000x32xf32, #tpu.memory_space<hbm>> -> memref<100000x32xf32, #tpu.memory_space<hbm>>
    tpu.enqueue_indirect_dma source(%dma_start3A_1147 : memref<100000x32xf32, #tpu.memory_space<hbm>>) target(%dma_start3A_1141 : memref<512x32xf32, #tpu.memory_space<vmem>>) offsets(%dma_start3A_1144 : memref<512xi32, #tpu.memory_space<vmem>>) semaphore(%arg58 : memref<!tpu.dma_semaphore, #tpu.memory_space<semaphore_mem>>)
    %dma_wait3A_1148 = arith.constant 23 : i32
    %dma_wait3A_1149 = arith.constant 5 : i32
    %dma_wait3A_1150 = arith.constant 0 : i32
    %dma_wait3A_1151 = arith.constant 0 : i32
    %dma_wait3A_1152 = tpu.memref_slice %arg56[%dma_wait3A_1149, %dma_wait3A_1150, %dma_wait3A_1151] : memref<6x512x32xf32, #tpu.memory_space<vmem>> -> memref<1x512x32xf32, #tpu.memory_space<vmem>>
    %dma_wait3A_1153 = tpu.memref_squeeze %dma_wait3A_1152 : memref<1x512x32xf32, #tpu.memory_space<vmem>> -> memref<512x32xf32, #tpu.memory_space<vmem>>
    %dma_wait3A_1154 = arith.constant 0 : i32
    %dma_wait3A_1155 = tpu.memref_slice %arg55[%dma_wait3A_1148, %dma_wait3A_1154] : memref<26x512xi32, #tpu.memory_space<vmem>> -> memref<1x512xi32, #tpu.memory_space<vmem>>
    %dma_wait3A_1156 = tpu.memref_squeeze %dma_wait3A_1155 : memref<1x512xi32, #tpu.memory_space<vmem>> -> memref<512xi32, #tpu.memory_space<vmem>>
    %dma_wait3A_1157 = arith.constant 0 : i32
    %dma_wait3A_1158 = arith.constant 0 : i32
    %dma_wait3A_1159 = tpu.memref_slice %arg26[%dma_wait3A_1157, %dma_wait3A_1158] : memref<100000x32xf32, #tpu.memory_space<hbm>> -> memref<100000x32xf32, #tpu.memory_space<hbm>>
    tpu.wait_indirect_dma semaphore(%arg62 : memref<!tpu.dma_semaphore, #tpu.memory_space<semaphore_mem>>) src(%dma_wait3A_1159 : memref<100000x32xf32, #tpu.memory_space<hbm>>) dst(%dma_wait3A_1153 : memref<512x32xf32, #tpu.memory_space<vmem>>)
    %dma_start3A_1160 = arith.constant 5 : i32
    %dma_start3A_1161 = arith.constant 0 : i32
    %dma_start3A_1162 = arith.constant 0 : i32
    %dma_start3A_1163 = tpu.memref_slice %arg56[%dma_start3A_1160, %dma_start3A_1161, %dma_start3A_1162] : memref<6x512x32xf32, #tpu.memory_space<vmem>> -> memref<1x512x32xf32, #tpu.memory_space<vmem>>
    %dma_start3A_1164 = tpu.memref_squeeze %dma_start3A_1163 : memref<1x512x32xf32, #tpu.memory_space<vmem>> -> memref<512x32xf32, #tpu.memory_space<vmem>>
    %dma_start3A_1165 = arith.constant 0 : i32
    %dma_start3A_1166 = tpu.memref_slice %arg52[%mul3A_2, %dma_start3A_1165] : memref<16384x32xf32, #tpu.memory_space<hbm>> -> memref<512x32xf32, #tpu.memory_space<hbm>>
    %dma_start3A_1167 = arith.constant 0 : i32
    %dma_start3A_1168 = tpu.memref_slice %arg52[%mul3A_2, %dma_start3A_1167] : memref<16384x32xf32, #tpu.memory_space<hbm>> -> memref<512x32xf32, #tpu.memory_space<hbm>>
    %dma_start3A_1169 = arith.constant 0 : i32
    %dma_start3A_1170 = arith.constant 0 : i32
    %dma_start3A_1171 = tpu.memref_slice %arg56[%dma_start3A_1160, %dma_start3A_1169, %dma_start3A_1170] : memref<6x512x32xf32, #tpu.memory_space<vmem>> -> memref<1x512x32xf32, #tpu.memory_space<vmem>>
    %dma_start3A_1172 = tpu.memref_squeeze %dma_start3A_1171 : memref<1x512x32xf32, #tpu.memory_space<vmem>> -> memref<512x32xf32, #tpu.memory_space<vmem>>
    tpu.enqueue_dma source(%dma_start3A_1172 : memref<512x32xf32, #tpu.memory_space<vmem>>) target(%dma_start3A_1168 : memref<512x32xf32, #tpu.memory_space<hbm>>) target_semaphore(%arg68 : memref<!tpu.dma_semaphore, #tpu.memory_space<semaphore_mem>>)
    %dma_wait3A_1173 = arith.constant 24 : i32
    %dma_wait3A_1174 = arith.constant 0 : i32
    %dma_wait3A_1175 = arith.constant 0 : i32
    %dma_wait3A_1176 = arith.constant 0 : i32
    %dma_wait3A_1177 = tpu.memref_slice %arg56[%dma_wait3A_1174, %dma_wait3A_1175, %dma_wait3A_1176] : memref<6x512x32xf32, #tpu.memory_space<vmem>> -> memref<1x512x32xf32, #tpu.memory_space<vmem>>
    %dma_wait3A_1178 = tpu.memref_squeeze %dma_wait3A_1177 : memref<1x512x32xf32, #tpu.memory_space<vmem>> -> memref<512x32xf32, #tpu.memory_space<vmem>>
    %dma_wait3A_1179 = arith.constant 0 : i32
    %dma_wait3A_1180 = tpu.memref_slice %arg55[%dma_wait3A_1173, %dma_wait3A_1179] : memref<26x512xi32, #tpu.memory_space<vmem>> -> memref<1x512xi32, #tpu.memory_space<vmem>>
    %dma_wait3A_1181 = tpu.memref_squeeze %dma_wait3A_1180 : memref<1x512xi32, #tpu.memory_space<vmem>> -> memref<512xi32, #tpu.memory_space<vmem>>
    %dma_wait3A_1182 = arith.constant 0 : i32
    %dma_wait3A_1183 = arith.constant 0 : i32
    %dma_wait3A_1184 = tpu.memref_slice %arg27[%dma_wait3A_1182, %dma_wait3A_1183] : memref<100000x32xf32, #tpu.memory_space<hbm>> -> memref<100000x32xf32, #tpu.memory_space<hbm>>
    tpu.wait_indirect_dma semaphore(%arg57 : memref<!tpu.dma_semaphore, #tpu.memory_space<semaphore_mem>>) src(%dma_wait3A_1184 : memref<100000x32xf32, #tpu.memory_space<hbm>>) dst(%dma_wait3A_1178 : memref<512x32xf32, #tpu.memory_space<vmem>>)
    %dma_start3A_1185 = arith.constant 0 : i32
    %dma_start3A_1186 = arith.constant 0 : i32
    %dma_start3A_1187 = arith.constant 0 : i32
    %dma_start3A_1188 = tpu.memref_slice %arg56[%dma_start3A_1185, %dma_start3A_1186, %dma_start3A_1187] : memref<6x512x32xf32, #tpu.memory_space<vmem>> -> memref<1x512x32xf32, #tpu.memory_space<vmem>>
    %dma_start3A_1189 = tpu.memref_squeeze %dma_start3A_1188 : memref<1x512x32xf32, #tpu.memory_space<vmem>> -> memref<512x32xf32, #tpu.memory_space<vmem>>
    %dma_start3A_1190 = arith.constant 0 : i32
    %dma_start3A_1191 = tpu.memref_slice %arg53[%mul3A_2, %dma_start3A_1190] : memref<16384x32xf32, #tpu.memory_space<hbm>> -> memref<512x32xf32, #tpu.memory_space<hbm>>
    %dma_start3A_1192 = arith.constant 0 : i32
    %dma_start3A_1193 = tpu.memref_slice %arg53[%mul3A_2, %dma_start3A_1192] : memref<16384x32xf32, #tpu.memory_space<hbm>> -> memref<512x32xf32, #tpu.memory_space<hbm>>
    %dma_start3A_1194 = arith.constant 0 : i32
    %dma_start3A_1195 = arith.constant 0 : i32
    %dma_start3A_1196 = tpu.memref_slice %arg56[%dma_start3A_1185, %dma_start3A_1194, %dma_start3A_1195] : memref<6x512x32xf32, #tpu.memory_space<vmem>> -> memref<1x512x32xf32, #tpu.memory_space<vmem>>
    %dma_start3A_1197 = tpu.memref_squeeze %dma_start3A_1196 : memref<1x512x32xf32, #tpu.memory_space<vmem>> -> memref<512x32xf32, #tpu.memory_space<vmem>>
    tpu.enqueue_dma source(%dma_start3A_1197 : memref<512x32xf32, #tpu.memory_space<vmem>>) target(%dma_start3A_1193 : memref<512x32xf32, #tpu.memory_space<hbm>>) target_semaphore(%arg63 : memref<!tpu.dma_semaphore, #tpu.memory_space<semaphore_mem>>)
    %dma_wait3A_1198 = arith.constant 25 : i32
    %dma_wait3A_1199 = arith.constant 1 : i32
    %dma_wait3A_1200 = arith.constant 0 : i32
    %dma_wait3A_1201 = arith.constant 0 : i32
    %dma_wait3A_1202 = tpu.memref_slice %arg56[%dma_wait3A_1199, %dma_wait3A_1200, %dma_wait3A_1201] : memref<6x512x32xf32, #tpu.memory_space<vmem>> -> memref<1x512x32xf32, #tpu.memory_space<vmem>>
    %dma_wait3A_1203 = tpu.memref_squeeze %dma_wait3A_1202 : memref<1x512x32xf32, #tpu.memory_space<vmem>> -> memref<512x32xf32, #tpu.memory_space<vmem>>
    %dma_wait3A_1204 = arith.constant 0 : i32
    %dma_wait3A_1205 = tpu.memref_slice %arg55[%dma_wait3A_1198, %dma_wait3A_1204] : memref<26x512xi32, #tpu.memory_space<vmem>> -> memref<1x512xi32, #tpu.memory_space<vmem>>
    %dma_wait3A_1206 = tpu.memref_squeeze %dma_wait3A_1205 : memref<1x512xi32, #tpu.memory_space<vmem>> -> memref<512xi32, #tpu.memory_space<vmem>>
    %dma_wait3A_1207 = arith.constant 0 : i32
    %dma_wait3A_1208 = arith.constant 0 : i32
    %dma_wait3A_1209 = tpu.memref_slice %arg28[%dma_wait3A_1207, %dma_wait3A_1208] : memref<100000x32xf32, #tpu.memory_space<hbm>> -> memref<100000x32xf32, #tpu.memory_space<hbm>>
    tpu.wait_indirect_dma semaphore(%arg58 : memref<!tpu.dma_semaphore, #tpu.memory_space<semaphore_mem>>) src(%dma_wait3A_1209 : memref<100000x32xf32, #tpu.memory_space<hbm>>) dst(%dma_wait3A_1203 : memref<512x32xf32, #tpu.memory_space<vmem>>)
    %dma_start3A_1210 = arith.constant 1 : i32
    %dma_start3A_1211 = arith.constant 0 : i32
    %dma_start3A_1212 = arith.constant 0 : i32
    %dma_start3A_1213 = tpu.memref_slice %arg56[%dma_start3A_1210, %dma_start3A_1211, %dma_start3A_1212] : memref<6x512x32xf32, #tpu.memory_space<vmem>> -> memref<1x512x32xf32, #tpu.memory_space<vmem>>
    %dma_start3A_1214 = tpu.memref_squeeze %dma_start3A_1213 : memref<1x512x32xf32, #tpu.memory_space<vmem>> -> memref<512x32xf32, #tpu.memory_space<vmem>>
    %dma_start3A_1215 = arith.constant 0 : i32
    %dma_start3A_1216 = tpu.memref_slice %arg54[%mul3A_2, %dma_start3A_1215] : memref<16384x32xf32, #tpu.memory_space<hbm>> -> memref<512x32xf32, #tpu.memory_space<hbm>>
    %dma_start3A_1217 = arith.constant 0 : i32
    %dma_start3A_1218 = tpu.memref_slice %arg54[%mul3A_2, %dma_start3A_1217] : memref<16384x32xf32, #tpu.memory_space<hbm>> -> memref<512x32xf32, #tpu.memory_space<hbm>>
    %dma_start3A_1219 = arith.constant 0 : i32
    %dma_start3A_1220 = arith.constant 0 : i32
    %dma_start3A_1221 = tpu.memref_slice %arg56[%dma_start3A_1210, %dma_start3A_1219, %dma_start3A_1220] : memref<6x512x32xf32, #tpu.memory_space<vmem>> -> memref<1x512x32xf32, #tpu.memory_space<vmem>>
    %dma_start3A_1222 = tpu.memref_squeeze %dma_start3A_1221 : memref<1x512x32xf32, #tpu.memory_space<vmem>> -> memref<512x32xf32, #tpu.memory_space<vmem>>
    tpu.enqueue_dma source(%dma_start3A_1222 : memref<512x32xf32, #tpu.memory_space<vmem>>) target(%dma_start3A_1218 : memref<512x32xf32, #tpu.memory_space<hbm>>) target_semaphore(%arg64 : memref<!tpu.dma_semaphore, #tpu.memory_space<semaphore_mem>>)
    %dma_wait3A_1223 = arith.constant 2 : i32
    %dma_wait3A_1224 = arith.constant 0 : i32
    %dma_wait3A_1225 = arith.constant 0 : i32
    %dma_wait3A_1226 = tpu.memref_slice %arg56[%dma_wait3A_1223, %dma_wait3A_1224, %dma_wait3A_1225] : memref<6x512x32xf32, #tpu.memory_space<vmem>> -> memref<1x512x32xf32, #tpu.memory_space<vmem>>
    %dma_wait3A_1227 = tpu.memref_squeeze %dma_wait3A_1226 : memref<1x512x32xf32, #tpu.memory_space<vmem>> -> memref<512x32xf32, #tpu.memory_space<vmem>>
    %dma_wait3A_1228 = arith.constant 0 : i32
    %dma_wait3A_1229 = tpu.memref_slice %arg49[%mul3A_2, %dma_wait3A_1228] : memref<16384x32xf32, #tpu.memory_space<hbm>> -> memref<512x32xf32, #tpu.memory_space<hbm>>
    %dma_wait3A_1230 = arith.constant 0 : i32
    %dma_wait3A_1231 = tpu.memref_slice %arg49[%mul3A_2, %dma_wait3A_1230] : memref<16384x32xf32, #tpu.memory_space<hbm>> -> memref<512x32xf32, #tpu.memory_space<hbm>>
    %dma_wait3A_1232 = arith.constant 0 : i32
    %dma_wait3A_1233 = arith.constant 0 : i32
    %dma_wait3A_1234 = tpu.memref_slice %arg56[%dma_wait3A_1223, %dma_wait3A_1232, %dma_wait3A_1233] : memref<6x512x32xf32, #tpu.memory_space<vmem>> -> memref<1x512x32xf32, #tpu.memory_space<vmem>>
    %dma_wait3A_1235 = tpu.memref_squeeze %dma_wait3A_1234 : memref<1x512x32xf32, #tpu.memory_space<vmem>> -> memref<512x32xf32, #tpu.memory_space<vmem>>
    tpu.wait_dma2 semaphore(%arg65 : memref<!tpu.dma_semaphore, #tpu.memory_space<semaphore_mem>>) src(%dma_wait3A_1235 : memref<512x32xf32, #tpu.memory_space<vmem>>) dst(%dma_wait3A_1231 : memref<512x32xf32, #tpu.memory_space<hbm>>)
    %dma_wait3A_1236 = arith.constant 3 : i32
    %dma_wait3A_1237 = arith.constant 0 : i32
    %dma_wait3A_1238 = arith.constant 0 : i32
    %dma_wait3A_1239 = tpu.memref_slice %arg56[%dma_wait3A_1236, %dma_wait3A_1237, %dma_wait3A_1238] : memref<6x512x32xf32, #tpu.memory_space<vmem>> -> memref<1x512x32xf32, #tpu.memory_space<vmem>>
    %dma_wait3A_1240 = tpu.memref_squeeze %dma_wait3A_1239 : memref<1x512x32xf32, #tpu.memory_space<vmem>> -> memref<512x32xf32, #tpu.memory_space<vmem>>
    %dma_wait3A_1241 = arith.constant 0 : i32
    %dma_wait3A_1242 = tpu.memref_slice %arg50[%mul3A_2, %dma_wait3A_1241] : memref<16384x32xf32, #tpu.memory_space<hbm>> -> memref<512x32xf32, #tpu.memory_space<hbm>>
    %dma_wait3A_1243 = arith.constant 0 : i32
    %dma_wait3A_1244 = tpu.memref_slice %arg50[%mul3A_2, %dma_wait3A_1243] : memref<16384x32xf32, #tpu.memory_space<hbm>> -> memref<512x32xf32, #tpu.memory_space<hbm>>
    %dma_wait3A_1245 = arith.constant 0 : i32
    %dma_wait3A_1246 = arith.constant 0 : i32
    %dma_wait3A_1247 = tpu.memref_slice %arg56[%dma_wait3A_1236, %dma_wait3A_1245, %dma_wait3A_1246] : memref<6x512x32xf32, #tpu.memory_space<vmem>> -> memref<1x512x32xf32, #tpu.memory_space<vmem>>
    %dma_wait3A_1248 = tpu.memref_squeeze %dma_wait3A_1247 : memref<1x512x32xf32, #tpu.memory_space<vmem>> -> memref<512x32xf32, #tpu.memory_space<vmem>>
    tpu.wait_dma2 semaphore(%arg66 : memref<!tpu.dma_semaphore, #tpu.memory_space<semaphore_mem>>) src(%dma_wait3A_1248 : memref<512x32xf32, #tpu.memory_space<vmem>>) dst(%dma_wait3A_1244 : memref<512x32xf32, #tpu.memory_space<hbm>>)
    %dma_wait3A_1249 = arith.constant 4 : i32
    %dma_wait3A_1250 = arith.constant 0 : i32
    %dma_wait3A_1251 = arith.constant 0 : i32
    %dma_wait3A_1252 = tpu.memref_slice %arg56[%dma_wait3A_1249, %dma_wait3A_1250, %dma_wait3A_1251] : memref<6x512x32xf32, #tpu.memory_space<vmem>> -> memref<1x512x32xf32, #tpu.memory_space<vmem>>
    %dma_wait3A_1253 = tpu.memref_squeeze %dma_wait3A_1252 : memref<1x512x32xf32, #tpu.memory_space<vmem>> -> memref<512x32xf32, #tpu.memory_space<vmem>>
    %dma_wait3A_1254 = arith.constant 0 : i32
    %dma_wait3A_1255 = tpu.memref_slice %arg51[%mul3A_2, %dma_wait3A_1254] : memref<16384x32xf32, #tpu.memory_space<hbm>> -> memref<512x32xf32, #tpu.memory_space<hbm>>
    %dma_wait3A_1256 = arith.constant 0 : i32
    %dma_wait3A_1257 = tpu.memref_slice %arg51[%mul3A_2, %dma_wait3A_1256] : memref<16384x32xf32, #tpu.memory_space<hbm>> -> memref<512x32xf32, #tpu.memory_space<hbm>>
    %dma_wait3A_1258 = arith.constant 0 : i32
    %dma_wait3A_1259 = arith.constant 0 : i32
    %dma_wait3A_1260 = tpu.memref_slice %arg56[%dma_wait3A_1249, %dma_wait3A_1258, %dma_wait3A_1259] : memref<6x512x32xf32, #tpu.memory_space<vmem>> -> memref<1x512x32xf32, #tpu.memory_space<vmem>>
    %dma_wait3A_1261 = tpu.memref_squeeze %dma_wait3A_1260 : memref<1x512x32xf32, #tpu.memory_space<vmem>> -> memref<512x32xf32, #tpu.memory_space<vmem>>
    tpu.wait_dma2 semaphore(%arg67 : memref<!tpu.dma_semaphore, #tpu.memory_space<semaphore_mem>>) src(%dma_wait3A_1261 : memref<512x32xf32, #tpu.memory_space<vmem>>) dst(%dma_wait3A_1257 : memref<512x32xf32, #tpu.memory_space<hbm>>)
    %dma_wait3A_1262 = arith.constant 5 : i32
    %dma_wait3A_1263 = arith.constant 0 : i32
    %dma_wait3A_1264 = arith.constant 0 : i32
    %dma_wait3A_1265 = tpu.memref_slice %arg56[%dma_wait3A_1262, %dma_wait3A_1263, %dma_wait3A_1264] : memref<6x512x32xf32, #tpu.memory_space<vmem>> -> memref<1x512x32xf32, #tpu.memory_space<vmem>>
    %dma_wait3A_1266 = tpu.memref_squeeze %dma_wait3A_1265 : memref<1x512x32xf32, #tpu.memory_space<vmem>> -> memref<512x32xf32, #tpu.memory_space<vmem>>
    %dma_wait3A_1267 = arith.constant 0 : i32
    %dma_wait3A_1268 = tpu.memref_slice %arg52[%mul3A_2, %dma_wait3A_1267] : memref<16384x32xf32, #tpu.memory_space<hbm>> -> memref<512x32xf32, #tpu.memory_space<hbm>>
    %dma_wait3A_1269 = arith.constant 0 : i32
    %dma_wait3A_1270 = tpu.memref_slice %arg52[%mul3A_2, %dma_wait3A_1269] : memref<16384x32xf32, #tpu.memory_space<hbm>> -> memref<512x32xf32, #tpu.memory_space<hbm>>
    %dma_wait3A_1271 = arith.constant 0 : i32
    %dma_wait3A_1272 = arith.constant 0 : i32
    %dma_wait3A_1273 = tpu.memref_slice %arg56[%dma_wait3A_1262, %dma_wait3A_1271, %dma_wait3A_1272] : memref<6x512x32xf32, #tpu.memory_space<vmem>> -> memref<1x512x32xf32, #tpu.memory_space<vmem>>
    %dma_wait3A_1274 = tpu.memref_squeeze %dma_wait3A_1273 : memref<1x512x32xf32, #tpu.memory_space<vmem>> -> memref<512x32xf32, #tpu.memory_space<vmem>>
    tpu.wait_dma2 semaphore(%arg68 : memref<!tpu.dma_semaphore, #tpu.memory_space<semaphore_mem>>) src(%dma_wait3A_1274 : memref<512x32xf32, #tpu.memory_space<vmem>>) dst(%dma_wait3A_1270 : memref<512x32xf32, #tpu.memory_space<hbm>>)
    %dma_wait3A_1275 = arith.constant 0 : i32
    %dma_wait3A_1276 = arith.constant 0 : i32
    %dma_wait3A_1277 = arith.constant 0 : i32
    %dma_wait3A_1278 = tpu.memref_slice %arg56[%dma_wait3A_1275, %dma_wait3A_1276, %dma_wait3A_1277] : memref<6x512x32xf32, #tpu.memory_space<vmem>> -> memref<1x512x32xf32, #tpu.memory_space<vmem>>
    %dma_wait3A_1279 = tpu.memref_squeeze %dma_wait3A_1278 : memref<1x512x32xf32, #tpu.memory_space<vmem>> -> memref<512x32xf32, #tpu.memory_space<vmem>>
    %dma_wait3A_1280 = arith.constant 0 : i32
    %dma_wait3A_1281 = tpu.memref_slice %arg53[%mul3A_2, %dma_wait3A_1280] : memref<16384x32xf32, #tpu.memory_space<hbm>> -> memref<512x32xf32, #tpu.memory_space<hbm>>
    %dma_wait3A_1282 = arith.constant 0 : i32
    %dma_wait3A_1283 = tpu.memref_slice %arg53[%mul3A_2, %dma_wait3A_1282] : memref<16384x32xf32, #tpu.memory_space<hbm>> -> memref<512x32xf32, #tpu.memory_space<hbm>>
    %dma_wait3A_1284 = arith.constant 0 : i32
    %dma_wait3A_1285 = arith.constant 0 : i32
    %dma_wait3A_1286 = tpu.memref_slice %arg56[%dma_wait3A_1275, %dma_wait3A_1284, %dma_wait3A_1285] : memref<6x512x32xf32, #tpu.memory_space<vmem>> -> memref<1x512x32xf32, #tpu.memory_space<vmem>>
    %dma_wait3A_1287 = tpu.memref_squeeze %dma_wait3A_1286 : memref<1x512x32xf32, #tpu.memory_space<vmem>> -> memref<512x32xf32, #tpu.memory_space<vmem>>
    tpu.wait_dma2 semaphore(%arg63 : memref<!tpu.dma_semaphore, #tpu.memory_space<semaphore_mem>>) src(%dma_wait3A_1287 : memref<512x32xf32, #tpu.memory_space<vmem>>) dst(%dma_wait3A_1283 : memref<512x32xf32, #tpu.memory_space<hbm>>)
    %dma_wait3A_1288 = arith.constant 1 : i32
    %dma_wait3A_1289 = arith.constant 0 : i32
    %dma_wait3A_1290 = arith.constant 0 : i32
    %dma_wait3A_1291 = tpu.memref_slice %arg56[%dma_wait3A_1288, %dma_wait3A_1289, %dma_wait3A_1290] : memref<6x512x32xf32, #tpu.memory_space<vmem>> -> memref<1x512x32xf32, #tpu.memory_space<vmem>>
    %dma_wait3A_1292 = tpu.memref_squeeze %dma_wait3A_1291 : memref<1x512x32xf32, #tpu.memory_space<vmem>> -> memref<512x32xf32, #tpu.memory_space<vmem>>
    %dma_wait3A_1293 = arith.constant 0 : i32
    %dma_wait3A_1294 = tpu.memref_slice %arg54[%mul3A_2, %dma_wait3A_1293] : memref<16384x32xf32, #tpu.memory_space<hbm>> -> memref<512x32xf32, #tpu.memory_space<hbm>>
    %dma_wait3A_1295 = arith.constant 0 : i32
    %dma_wait3A_1296 = tpu.memref_slice %arg54[%mul3A_2, %dma_wait3A_1295] : memref<16384x32xf32, #tpu.memory_space<hbm>> -> memref<512x32xf32, #tpu.memory_space<hbm>>
    %dma_wait3A_1297 = arith.constant 0 : i32
    %dma_wait3A_1298 = arith.constant 0 : i32
    %dma_wait3A_1299 = tpu.memref_slice %arg56[%dma_wait3A_1288, %dma_wait3A_1297, %dma_wait3A_1298] : memref<6x512x32xf32, #tpu.memory_space<vmem>> -> memref<1x512x32xf32, #tpu.memory_space<vmem>>
    %dma_wait3A_1300 = tpu.memref_squeeze %dma_wait3A_1299 : memref<1x512x32xf32, #tpu.memory_space<vmem>> -> memref<512x32xf32, #tpu.memory_space<vmem>>
    tpu.wait_dma2 semaphore(%arg64 : memref<!tpu.dma_semaphore, #tpu.memory_space<semaphore_mem>>) src(%dma_wait3A_1300 : memref<512x32xf32, #tpu.memory_space<vmem>>) dst(%dma_wait3A_1296 : memref<512x32xf32, #tpu.memory_space<hbm>>)
    return
  }
}

</mosaic_0001>

<sc_bundles>
// kernel: _lookup.3.cloned.1.call-start
scs
__scs_entry_jumppad:
0x0: {  	(pc) =	sbr.rel $0x88, $3  }
0x1: {  	(tag) =	ssettag $0x0;
	lr =	simm.s32 $0x1  }
0x2: {  	[smem:$0x3F86] =	sst lr;
	_ =	strace $0xD0000000  }
0x3: {  	_ = 	snop  }
0x4: {  	_ = 	snop  }
0x5: {  	_ = 	snop  }
0x6: {  	_ = 	snop  }
0x7: {  	_ = 	snop  }
__scs_overlays_trampoline_lowered:
0x8: {  	[smem:$0x3F95] =	sst s0  }
0x9: {  	[smem:$0x3F96] =	sst s1  }
0xa: {  	[smem:$0x3F97] =	sst s2  }
0xb: {  	[smem:$0x3F98] =	sst s3  }
0xc: {  	[smem:$0x3F99] =	sst s4  }
0xd: {  	[smem:$0x3F9A] =	sst s5  }
0xe: {  	[smem:$0x3F9B] =	sst s6  }
0xf: {  	[smem:$0x3F9C] =	sst s7  }
0x10: {  	[smem:$0x3F9D] =	sst s8  }
0x11: {  	[smem:$0x3F9E] =	sst s9;
	s0 =	simm.s32 @!p0 $0x0  }
0x12: {  	s1 =	sld [smem:$0x3F84];
	s0 =	simm.s32 @p0 $0x1  }
0x13: {  	[smem:$0x3F9F] =	sst s0;
	s0 =	simm.s32 @!p1 $0x0  }
0x14: {  	s2 =	sld [smem:$0x3F83];
	s0 =	simm.s32 @p1 $0x1  }
0x15: {  	[smem:$0x3FA0] =	sst s0;
	s0 =	simm.s32 @!p2 $0x0  }
0x16: {  	s3 =	sld [smem:$0x3FDB];
	s0 =	simm.s32 @p2 $0x1  }
0x17: {  	s4 =	simm.s32 $0x1BF5;
	[smem:$0x3FA2] =	sst s0  }
0x18: {  	s0 =	sld [smem:$0x3F85];
	_ =	swait.ge [sflag:s4], $0x0  }
0x19: {  	s7 =	sld [smem:$0x3F86]  }
0x1a: {  	s8 =	sadd.s32 $0xFFFFE003, lr  }
0x1b: {  	s9 =	sadd.s32 $0xFFFFFEF7, lr;
	s5 =	simm.s32 $0xFFFFFFFF;
	p2 =	slt.u32 s8, $0xFFFFF086  }
0x1c: {  	p1 =	slt.u32 s9, $0xF7A;
	s5 =	simm.s32 @!p2 $0x0  }
0x1d: {  	s5 =	simm.s32 @p1 $0x1;
	p0 =	seq.s32 s7, s2  }
0x1e: {  	s7 =	smul.u32 @!p0 $0xF7A, s2;
	p2 =	seq.s32 @!p0 s5, $0x0  }
0x1f: {  	s9 =	smul.u32 $0xF7A, s1;
	s8 =	simm.s32 @!p0 $0x1BF5;
	p2 =	por !p2, p0  }
0x20: {  	[sflag:s8] =	ssyncset.s32 @!p0 $0xFFFFF086;
	s6 =	sadd.s32 @!p0 s3, s7;
	s7 =	simm.s32 @!p0 $0x108  }
0x21: {  	s3 =	sadd.s32 s3, s9;
	s6 =	sadd.s32 @!p0 $0x88, s6;
	s7 =	simm.s32 @p2 $0x1082  }
0x22: {  	[simem:s7], [sflag:s8] =	dma.local @!p0 [hbm:s6], $0xF7A  }
0x23: {  	s9 =	sor.u32 $0xD0000000, s2;
	s6 =	simm.s32 $0x108;
	_ =	swait.ge @!p0 [sflag:s8], $0x0  }
0x24: {  	s3 =	sadd.s32 $0x88, s3;
	s6 =	simm.s32 @!p1 $0x1082;
	[sflag:s4] =	ssyncset.s32 $0xFFFFF086  }
0x25: {  	[simem:s6], [sflag:s4] =	dma.local [hbm:s3], $0xF7A  }
0x26: {  	[smem:$0x3F86] =	sst s1;
	(tag) =	ssettag s2;
	_ =	strace s9  }
0x27: {  	s1 =	sld [smem:$0x3F96]  }
0x28: {  	s2 =	sld [smem:$0x3F97]  }
0x29: {  	s4 =	sld [smem:$0x3F99]  }
0x2a: {  	p0 =	seq.s32 s5, $0x0;
	s5 =	sld [smem:$0x3F9A]  }
0x2b: {  	s6 =	sld [smem:$0x3F9B]  }
0x2c: {  	s7 =	sld [smem:$0x3F9C]  }
0x2d: {  	s3 =	simm.s32 $0x108;
	s8 =	sld [smem:$0x3F9D]  }
0x2e: {  	s3 =	simm.s32 @!p0 $0x1082;
	s9 =	sld [smem:$0x3F9E]  }
0x2f: {  	lr =	sadd.s32 s0, s3;
	s0 =	sld [smem:$0x3F95]  }
0x30: {  	s3 =	sld [smem:$0x3F98]  }
0x31: {  	[smem:$0x3FA1] =	sst s10  }
0x32: {  	s10 =	sld [smem:$0x3F9F];
	_ =	sdelay $0x3  }
0x33: {  	p0 =	seq.s32 s10, $0x1;
	s10 =	sld [smem:$0x3FA1];
	_ =	sdelay $0x3  }
0x34: {  	[smem:$0x3FA1] =	sst s10  }
0x35: {  	s10 =	sld [smem:$0x3FA0];
	_ =	sdelay $0x3  }
0x36: {  	p1 =	seq.s32 s10, $0x1;
	s10 =	sld [smem:$0x3FA1];
	_ =	sdelay $0x3  }
0x37: {  	[smem:$0x3FA1] =	sst s10  }
0x38: {  	s10 =	sld [smem:$0x3FA2]  }
0x39: {  	_ = 	snop;
	(pc) =	sbr.ind lr, $3  }
0x3a: {  	_ = 	snop  }
0x3b: {  	_ = 	snop  }
0x3c: {  	p2 =	seq.s32 s10, $0x1;
	s10 =	sld [smem:$0x3FA1]  }
0x3d: {  	_ =	shalt  }
0x3e: {  	_ =	shalt  }
0x3f: {  	_ =	shalt  }
0x40: {  	_ =	shalt  }
0x41: {  	_ =	shalt  }
0x42: {  	_ =	shalt  }
0x43: {  	_ =	shalt  }
0x44: {  	_ =	shalt  }
0x45: {  	_ =	shalt  }
0x46: {  	_ =	shalt  }
0x47: {  	_ =	shalt  }
0x48: {  	_ =	shalt  }
0x49: {  	_ =	shalt  }
0x4a: {  	_ =	shalt  }
0x4b: {  	_ =	shalt  }
0x4c: {  	_ =	shalt  }
0x4d: {  	_ =	shalt  }
0x4e: {  	_ =	shalt  }
0x4f: {  	_ =	shalt  }
0x50: {  	_ =	shalt  }
0x51: {  	_ =	shalt  }
0x52: {  	_ =	shalt  }
0x53: {  	_ =	shalt  }
0x54: {  	_ =	shalt  }
0x55: {  	_ =	shalt  }
0x56: {  	_ =	shalt  }
0x57: {  	_ =	shalt  }
0x58: {  	_ =	shalt  }
0x59: {  	_ =	shalt  }
0x5a: {  	_ =	shalt  }
0x5b: {  	_ =	shalt  }
0x5c: {  	_ =	shalt  }
0x5d: {  	_ =	shalt  }
0x5e: {  	_ =	shalt  }
0x5f: {  	_ =	shalt  }
0x60: {  	_ =	shalt  }
0x61: {  	_ =	shalt  }
0x62: {  	_ =	shalt  }
0x63: {  	_ =	shalt  }
0x64: {  	_ =	shalt  }
0x65: {  	_ =	shalt  }
0x66: {  	_ =	shalt  }
0x67: {  	_ =	shalt  }
0x68: {  	_ =	shalt  }
0x69: {  	_ =	shalt  }
0x6a: {  	_ =	shalt  }
0x6b: {  	_ =	shalt  }
0x6c: {  	_ =	shalt  }
0x6d: {  	_ =	shalt  }
0x6e: {  	_ =	shalt  }
0x6f: {  	_ =	shalt  }
0x70: {  	_ =	shalt  }
0x71: {  	_ =	shalt  }
0x72: {  	_ =	shalt  }
0x73: {  	_ =	shalt  }
0x74: {  	_ =	shalt  }
0x75: {  	_ =	shalt  }
0x76: {  	_ =	shalt  }
0x77: {  	_ =	shalt  }
0x78: {  	_ =	shalt  }
0x79: {  	_ =	shalt  }
0x7a: {  	_ =	shalt  }
0x7b: {  	_ =	shalt  }
0x7c: {  	_ =	shalt  }
0x7d: {  	_ =	shalt  }
0x7e: {  	_ =	shalt  }
0x7f: {  	_ =	shalt  }
0x80: {  	_ =	shalt  }
0x81: {  	_ =	shalt  }
0x82: {  	_ =	shalt  }
0x83: {  	_ =	shalt  }
0x84: {  	_ =	shalt  }
0x85: {  	_ =	shalt  }
0x86: {  	_ =	shalt  }
0x87: {  	_ =	shalt  }
.Lfunc_end0:
.L_simem_size_0:
called_computation_lowered:
.L_overlay_start_0:
0x88: {  	s2 =	sld [smem:$0x3FD9]  }
0x89: {  	s3 =	sld [smem:$0x3FFE];
	_ =	sdelay $0x1  }
0x8a: {  	s1 =	srdreg.scid  }
0x8b: {  	s0 =	sand.u32 $0x1, s1  }
0x8c: {  	s22 =	sshll.u32 s0, $0xA;
	s2 =	sadd.s32 s3, s2  }
0x8d: {  	s2 =	sadd.s32 s2, s22  }
0x8e: {  	[smem:$0x3FAD] =	sst s2  }
0x8f: {  	_ = 	snop  }
0x90: {  	s14 =	sld [smem:$0x3FD0];
	_ =	sdelay $0x3  }
0x91: {  	s16 =	simm.s32 $0xA;
	s15 =	simm.s32 $0x10;
	s23 =	sadd.s32 $0x1, s14  }
0x92: {  	[smem:s15], [sflag:s16] =	dma.local [hbm:s23], $0x1  }
0x93: {  	_ =	swait.eq [sflag:s16], $0x1  }
0x94: {  	s5 =	sld [smem:$0x14]  }
0x95: {  	s9 =	sld [smem:$0x15];
	[sflag:s16] =	ssyncset.done $0x0  }
0x96: {  	s2 =	sld [smem:$0x16];
	[sflag:s16] =	ssyncadd.s32 $0xFFFFFFFF  }
0x97: {  	s4 =	sadd.s32 $0x2, s14;
	s3 =	sld [smem:$0x17]  }
0x98: {  	[smem:s15], [sflag:s16] =	dma.local [hbm:s4], $0x1  }
0x99: {  	_ =	swait.eq [sflag:s16], $0x1  }
0x9a: {  	s4 =	sld [smem:$0x10]  }
0x9b: {  	s6 =	sld [smem:$0x11]  }
0x9c: {  	s7 =	sld [smem:$0x12]  }
0x9d: {  	s8 =	sld [smem:$0x13]  }
0x9e: {  	s10 =	sld [smem:$0x14]  }
0x9f: {  	s11 =	sld [smem:$0x15];
	[sflag:s16] =	ssyncset.done $0x0  }
0xa0: {  	s12 =	sld [smem:$0x16];
	[sflag:s16] =	ssyncadd.s32 $0xFFFFFFFF  }
0xa1: {  	s14 =	sadd.s32 $0x3, s14;
	s13 =	sld [smem:$0x17]  }
0xa2: {  	[smem:s15], [sflag:s16] =	dma.local [hbm:s14], $0x1  }
0xa3: {  	_ =	swait.eq [sflag:s16], $0x1  }
0xa4: {  	[sflag:s16] =	ssyncset.done $0x0  }
0xa5: {  	s15 =	sld [smem:$0x10];
	[sflag:s16] =	ssyncadd.s32 $0xFFFFFFFF  }
0xa6: {  	s16 =	sld [smem:$0x11];
	(tm) =	ssettm $0x1  }
0xa7: {  	s24 =	sld [smem:$0x3FFB];
	_ =	sdelay $0x3  }
0xa8: {  	_ =	strace s24  }
0xa9: {  	s14 =	sld [smem:$0x3FFC];
	_ =	sdelay $0x3  }
0xaa: {  	_ =	strace s14  }
0xab: {  	s14 =	sld [smem:$0x3FFD];
	_ =	sdelay $0x3  }
0xac: {  	_ =	strace s14  }
0xad: {  	_ =	strace $0x8FFFFFFF  }
0xae: {  	s25 =	sld [smem:$0x3FDB];
	_ =	sdelay $0x1  }
0xaf: {  	s17 =	simm.s32 $_scs_section_size  }
0xb0: {  	s18 =	simm.s32 $_size__tile_task_arg_handler_lowered;
	s19 =	simm.s32 $_tile_task_arg_handler_lowered  }
0xb1: {  	s29 =	simm.s32 $0x1BFF;
	s28 =	sshll.u32 s19, $0x1;
	s17 =	sadd.s32 s17, s25  }
0xb2: {  	s20 =	simm.s32 $0x60;
	s26 =	sshll.u32 s18, $0x1;
	s18 =	sadd.s32 s28, s17  }
0xb3: {  	[timem:s20], [sflag:s29] =	dma.local [hbm:s18], s26  }
0xb4: {  	_ =	swait.ge [sflag:s29], s26  }
0xb5: {  	s30 =	simm.s32 $_tile_overlayer_lowered;
	s14 =	ssub.s32 $0x0, s26;
	[sflag:s29] =	ssyncset.done $0x0  }
0xb6: {  	s31 =	simm.s32 $_size__tile_overlayer_lowered;
	s18 =	sshll.u32 s30, $0x1;
	[sflag:s29] =	ssyncadd.s32 s14  }
0xb7: {  	s21 =	simm.s32 $0x0;
	s18 =	sadd.s32 s18, s17;
	s14 =	sshll.u32 s31, $0x1  }
0xb8: {  	[timem:s21], [sflag:s29] =	dma.local [hbm:s18], s14  }
0xb9: {  	_ =	swait.ge [sflag:s29], s14  }
0xba: {  	s22 =	ssub.s32 $0x0, s14;
	[sflag:s29] =	ssyncset.done $0x0  }
0xbb: {  	[sflag:s29] =	ssyncadd.s32 s22;
	_ =	sdelay $0x1  }
0xbc: {  	s23 =	simm.s32 $0x1B8B  }
0xbd: {  	_ =	swait.ge [sflag:s23], $0x1  }
0xbe: {  	[sflag:s23] =	ssyncset.done $0x0  }
0xbf: {  	s25 =	simm.s32 $0x1B8E;
	s24 =	sld [smem:$0x3FFE];
	[sflag:s23] =	ssyncadd.s32 $0xFFFFFFFF  }
0xc0: {  	s26 =	simm.s32 $execute0_lowered;
	[smem:$0x3FD2] =	sst s25  }
0xc1: {  	s19 =	sshll.u32 s26, $0x1;
	_ =	strace $0x80000046;
	[dreg:$0x1] =	wrdreg $0xFFFFFFFF  }
0xc2: {  	s28 =	simm.s32 $_size_execute0_lowered;
	s17 =	sadd.s32 s17, s19;
	[dreg:$0x0] =	wrdreg $0x0  }
0xc3: {  	s19 =	sshll.u32 s28, $0x1;
	[dreg:$0x2] =	wrdreg s17  }
0xc4: {  	[dreg:$0x3] =	wrdreg s19  }
0xc5: {  	[dreg:$0x4] =	wrdreg $0xC0  }
0xc6: {  	_ =	task [dreg:s21], $0x5FFFF  }
0xc7: {  	[dreg:$0x1] =	wrdreg $0xFFFFFFFF  }
0xc8: {  	[dreg:$0x0] =	wrdreg $0x30  }
0xc9: {  	[dreg:$0x2] =	wrdreg $0x0  }
0xca: {  	[dreg:$0x3] =	wrdreg s9  }
0xcb: {  	[dreg:$0x4] =	wrdreg $0x9  }
0xcc: {  	_ =	task [dreg:s21], $0x5FFFF  }
0xcd: {  	[dreg:$0x1] =	wrdreg $0xFFFFFFFF  }
0xce: {  	[dreg:$0x0] =	wrdreg $0x60  }
0xcf: {  	[dreg:$0x2] =	wrdreg s5  }
0xd0: {  	[dreg:$0x3] =	wrdreg s24  }
0xd1: {  	[dreg:$0x4] =	wrdreg s16  }
0xd2: {  	[dreg:$0x5] =	wrdreg s15  }
0xd3: {  	[dreg:$0x6] =	wrdreg s13  }
0xd4: {  	[dreg:$0x7] =	wrdreg s12  }
0xd5: {  	[dreg:$0x8] =	wrdreg s11  }
0xd6: {  	[dreg:$0x9] =	wrdreg s10  }
0xd7: {  	[dreg:$0xa] =	wrdreg s8  }
0xd8: {  	[dreg:$0xb] =	wrdreg s7  }
0xd9: {  	[dreg:$0xc] =	wrdreg s6  }
0xda: {  	[dreg:$0xd] =	wrdreg s4  }
0xdb: {  	[dreg:$0xe] =	wrdreg s3  }
0xdc: {  	[dreg:$0xf] =	wrdreg s2  }
0xdd: {  	_ =	task.clear_ibuf [dreg:s21], $0x10FFFF;
	_ =	strace $0x90000046  }
0xde: {  	s29 =	simm.s32 $0x9;
	_ =	strace $0x80000048  }
0xdf: {  	_ =	swait.ge [sflag:s29], $0x1  }
0xe0: {  	[sflag:s29] =	ssyncadd.s32 $0xFFFFFFFF  }
0xe1: {  	_ =	strace $0x90000048  }
0xe2: {  	_ =	sfence  }
0xe3: {  	s30 =	sld [smem:$0x0];
	_ =	sdelay $0x2  }
0xe4: {  	s31 =	sshll.u32 s1, $0xD;
	s1 =	sshrl.u32 s1, $0x2  }
0xe5: {  	s3 =	sand.u32 $0x4000, s31;
	s1 =	sadd.s32 s1, s30  }
0xe6: {  	s0 =	sor.u32 s3, s0;
	s1 =	sshll.u32 s1, $0x11  }
0xe7: {  	s0 =	sor.u32 s1, s0  }
0xe8: {  	s0 =	sadd.s32 $0x8F2B, s0  }
0xe9: {  	[sflag:s0] =	ssyncadd.remote.s32 $0x1  }
0xea: {  	_ =	sfence.sel $0xFFFF  }
0xeb: {  	[dreg:$0x0] =	wrdreg $0xFFFFFFFF;
	(pc) =	sbr.abs _section_cstart, $3  }
0xec: {  	[dreg:$0x1] =	wrdreg $0xFFFFFFFF  }
0xed: {  	_ =	task.clear_ibuf [dreg:s21], $0x2FFFF;
	_ =	strace $0x9FFFFFFF  }
0xee: {  	(tm) =	ssettm $0x7FFFFFFF  }
0xef: {  	_ =	shalt  }
tec
_tile_task_arg_handler_lowered:
.L_overlay_start_1:
0x0: {  	(tag) =	ssettag $0x1  }
0x1: {  	s0 =	rddreg [dreg:$0x0]  }
0x2: {  	s1 =	rddreg [dreg:$0x1]  }
0x3: {  	s2 =	rddreg [dreg:$0x2]  }
0x4: {  	s3 =	rddreg [dreg:$0x3]  }
0x5: {  	s4 =	rddreg [dreg:$0x4]  }
0x6: {  	s5 =	rddreg [dreg:$0x5]  }
0x7: {  	s6 =	rddreg [dreg:$0x6]  }
0x8: {  	s7 =	rddreg [dreg:$0x7]  }
0x9: {  	s8 =	rddreg [dreg:$0x8]  }
0xa: {  	s9 =	rddreg [dreg:$0x9]  }
0xb: {  	s10 =	rddreg [dreg:$0xa]  }
0xc: {  	s11 =	rddreg [dreg:$0xb]  }
0xd: {  	s12 =	rddreg [dreg:$0xc]  }
0xe: {  	s13 =	rddreg [dreg:$0xd]  }
0xf: {  	[smem:s0] =	sst s1  }
0x10: {  	[smem:s0+$0x1] =	sst s2  }
0x11: {  	[smem:s0+$0x2] =	sst s3  }
0x12: {  	[smem:s0+$0x3] =	sst s4  }
0x13: {  	[smem:s0+$0x4] =	sst s5  }
0x14: {  	[smem:s0+$0x5] =	sst s6  }
0x15: {  	[smem:s0+$0x6] =	sst s7  }
0x16: {  	[smem:s0+$0x7] =	sst s8  }
0x17: {  	[smem:s0+$0x8] =	sst s9  }
0x18: {  	[smem:s0+$0x9] =	sst s10  }
0x19: {  	[smem:s0+$0xA] =	sst s11  }
0x1a: {  	[smem:s0+$0xB] =	sst s12  }
0x1b: {  	[smem:s0+$0xC] =	sst s13;
	_ =	shalt  }
.Lfunc_end2:
execute0_lowered:
.L_overlay_start_2:
0x1c: {  	(tag) =	ssettag $0x2  }
0x1d: {  	s16 =	rddreg [dreg:$0x0]  }
0x1e: {  	s3 =	rddreg [dreg:$0x1]  }
0x1f: {  	s17 =	rddreg [dreg:$0x2]  }
0x20: {  	s15 =	rddreg [dreg:$0x3]  }
0x21: {  	s14 =	rddreg [dreg:$0x4]  }
0x22: {  	s13 =	rddreg [dreg:$0x5]  }
0x23: {  	s12 =	rddreg [dreg:$0x6]  }
0x24: {  	s11 =	rddreg [dreg:$0x7]  }
0x25: {  	s10 =	rddreg [dreg:$0x8]  }
0x26: {  	s9 =	rddreg [dreg:$0x9]  }
0x27: {  	s8 =	rddreg [dreg:$0xa]  }
0x28: {  	s7 =	rddreg [dreg:$0xb]  }
0x29: {  	s6 =	rddreg [dreg:$0xc];
	s1 =	simm.s32 $0x0  }
0x2a: {  	[smem:$0x7FF] =	sst s1  }
0x2b: {  	s0 =	sld [smem:$0x1]  }
0x2c: {  	s4 =	rddreg [dreg:$0xd]  }
0x2d: {  	s5 =	sld [smem:$0x0]  }
0x2e: {  	s2 =	sadd.s32 $0x1A3400, s3;
	[smem:$0x7CA] =	sst s0  }
0x2f: {  	s20 =	sadd.s32 $0x205000, s3;
	_ =	strace $0x80000047;
	[dreg:$0xe] =	wrdreg s2  }
0x30: {  	s21 =	sadd.s32 $0x266C00, s3;
	[dreg:$0xf] =	wrdreg s20  }
0x31: {  	s22 =	sadd.s32 $0x2C8800, s3;
	[dreg:$0x10] =	wrdreg s21  }
0x32: {  	s23 =	sadd.s32 $0x32A400, s3;
	[dreg:$0x11] =	wrdreg s22  }
0x33: {  	s24 =	sadd.s32 $0x38C000, s3;
	[dreg:$0x12] =	wrdreg s23  }
0x34: {  	s25 =	sadd.s32 $0x3EDC00, s3;
	[dreg:$0x13] =	wrdreg s24  }
0x35: {  	s26 =	sadd.s32 $0x44F800, s3;
	[dreg:$0x14] =	wrdreg s25  }
0x36: {  	s0 =	sadd.s32 $0x4B1400, s3;
	[dreg:$0x15] =	wrdreg s26  }
0x37: {  	s18 =	sadd.s32 $0x513000, s3;
	[dreg:$0x16] =	wrdreg s0  }
0x38: {  	s19 =	sadd.s32 $0x574C00, s3;
	[dreg:$0x17] =	wrdreg s18  }
0x39: {  	[dreg:$0x18] =	wrdreg s19;
	s20 =	sadd.s32 $0x5D6800, s3  }
0x3a: {  	s21 =	sadd.s32 $0x638400, s3;
	[dreg:$0x19] =	wrdreg s20  }
0x3b: {  	s22 =	sadd.s32 $0x69A000, s3;
	[dreg:$0x1a] =	wrdreg s21  }
0x3c: {  	s23 =	sadd.s32 $0x6FBC00, s3;
	[dreg:$0x1b] =	wrdreg s22  }
0x3d: {  	s24 =	sadd.s32 $0x75D800, s3;
	[dreg:$0x1c] =	wrdreg s23  }
0x3e: {  	s25 =	sadd.s32 $0x7BF400, s3;
	[dreg:$0x1d] =	wrdreg s24  }
0x3f: {  	s26 =	sadd.s32 $0x821000, s3;
	[dreg:$0x1e] =	wrdreg s25  }
0x40: {  	s0 =	sadd.s32 $0x882C00, s3;
	[dreg:$0x1f] =	wrdreg s26  }
0x41: {  	s18 =	sadd.s32 $0x8E4800, s3;
	[smem:$0x7EC] =	sst s0  }
0x42: {  	s19 =	sadd.s32 $0x946400, s3;
	[smem:$0x7EE] =	sst s18  }
0x43: {  	[smem:$0x7F0] =	sst s19  }
0x44: {  	s20 =	sadd.s32 $0x9A8000, s3;
	s21 =	srdreg.scid;
	s18 =	sadd.s32 $0xA09C00, s3  }
0x45: {  	s22 =	stileid.u32;
	s23 =	sadd.s32 $0xA6B800, s3;
	[smem:$0x7F2] =	sst s20  }
0x46: {  	s2 =	sand.u32 $0x1, s21;
	s19 =	sshll.u32 s22, $0x1;
	[smem:$0x7F4] =	sst s18  }
0x47: {  	s24 =	sadd.s32 $0xACD400, s3;
	[smem:$0x7F6] =	sst s23;
	s19 =	sor.u32 s2, s19  }
0x48: {  	s25 =	sadd.s32 $0xB2F000, s3;
	[smem:$0x7F8] =	sst s24;
	s26 =	sshll.u32 s19, $0xB  }
0x49: {  	[smem:$0x7FA] =	sst s25;
	s0 =	sadd.s32 s17, s26  }
0x4a: {  	s15 =	sadd.s32 s15, s26;
	[smem:$0x7CD] =	sst s0  }
0x4b: {  	s14 =	sadd.s32 s14, s26;
	[smem:$0x7CF] =	sst s15  }
0x4c: {  	s13 =	sadd.s32 s13, s26;
	[smem:$0x7D1] =	sst s14  }
0x4d: {  	s12 =	sadd.s32 s12, s26;
	[smem:$0x7D3] =	sst s13  }
0x4e: {  	s11 =	sadd.s32 s11, s26;
	[smem:$0x7D5] =	sst s12  }
0x4f: {  	s10 =	sadd.s32 s10, s26;
	[smem:$0x7D7] =	sst s11  }
0x50: {  	s9 =	sadd.s32 s9, s26;
	[smem:$0x7D9] =	sst s10  }
0x51: {  	s8 =	sadd.s32 s8, s26;
	[smem:$0x7DB] =	sst s9  }
0x52: {  	s7 =	sadd.s32 s7, s26;
	[smem:$0x7DD] =	sst s8  }
0x53: {  	s6 =	sadd.s32 s6, s26;
	[smem:$0x7DF] =	sst s7  }
0x54: {  	s20 =	smul.u32 $0x680, s19;
	s4 =	sadd.s32 s4, s26;
	[smem:$0x7E1] =	sst s6  }
0x55: {  	s17 =	sadd.s32 s5, s26;
	[smem:$0x7E3] =	sst s4  }
0x56: {  	s3 =	sadd.s32 s26, s3;
	s16 =	sadd.s32 s16, s20;
	[smem:$0x7E5] =	sst s17  }
0x57: {  	s18 =	sadd.s32 $0x1CA00, s3;
	[smem:$0x7CB] =	sst s16  }
0x58: {  	s19 =	sadd.s32 $0x2CA00, s3;
	[smem:$0x7E7] =	sst s18  }
0x59: {  	s20 =	sadd.s32 $0x3CA00, s3;
	[smem:$0x7E9] =	sst s19  }
0x5a: {  	s21 =	sadd.s32 $0x4CA00, s3;
	[smem:$0x7EB] =	sst s20  }
0x5b: {  	s22 =	sadd.s32 $0x5CA00, s3;
	[smem:$0x7ED] =	sst s21  }
0x5c: {  	s23 =	sadd.s32 $0x6CA00, s3;
	[smem:$0x7EF] =	sst s22  }
0x5d: {  	s24 =	sadd.s32 $0x7CA00, s3;
	[smem:$0x7F1] =	sst s23  }
0x5e: {  	s25 =	sadd.s32 $0x8CA00, s3;
	[smem:$0x7F3] =	sst s24  }
0x5f: {  	s26 =	sadd.s32 $0x9CA00, s3;
	[smem:$0x7F5] =	sst s25  }
0x60: {  	s0 =	sadd.s32 $0xACA00, s3;
	[smem:$0x7F7] =	sst s26  }
0x61: {  	s5 =	sadd.s32 $0xBCA00, s3;
	[smem:$0x7F9] =	sst s0  }
0x62: {  	s6 =	sadd.s32 $0xCCA00, s3;
	[smem:$0x7FB] =	sst s5  }
0x63: {  	s3 =	sadd.s32 $0xDCA00, s3;
	[smem:$0x7FC] =	sst s6  }
0x64: {  	s7 =	simm.s32 $0x400;
	[smem:$0x7FD] =	sst s3  }
0x65: {  	s8 =	simm.s32 $0x600;
	[smem:$0x7CC] =	sst s7  }
0x66: {  	s9 =	simm.s32 $0x800;
	[smem:$0x7CE] =	sst s8  }
0x67: {  	s10 =	simm.s32 $0xA00;
	[smem:$0x7D0] =	sst s9  }
0x68: {  	s11 =	simm.s32 $0xC00;
	[smem:$0x7D2] =	sst s10  }
0x69: {  	s12 =	simm.s32 $0xE00;
	[smem:$0x7D4] =	sst s11  }
0x6a: {  	s13 =	simm.s32 $0x1000;
	[smem:$0x7D6] =	sst s12  }
0x6b: {  	s14 =	simm.s32 $0x1200;
	[smem:$0x7D8] =	sst s13  }
0x6c: {  	s15 =	simm.s32 $0x1400;
	[smem:$0x7DA] =	sst s14  }
0x6d: {  	s17 =	simm.s32 $0x1800;
	[smem:$0x7DC] =	sst s15  }
0x6e: {  	s16 =	simm.s32 $0x1600;
	[smem:$0x7E0] =	sst s17  }
0x6f: {  	s18 =	simm.s32 $0x1A00;
	[smem:$0x7DE] =	sst s16  }
0x70: {  	s19 =	simm.s32 $0x1C00;
	[smem:$0x7E2] =	sst s18  }
0x71: {  	s20 =	simm.s32 $0x1E00;
	[smem:$0x7E4] =	sst s19  }
0x72: {  	[smem:$0x7E6] =	sst s20  }
0x73: {  	s21 =	simm.s32 $0x2000;
	s22 =	sld [smem:$0x7CB]  }
0x74: {  	s23 =	simm.s32 $0x2200;
	[smem:$0x7E8] =	sst s21  }
0x75: {  	s3 =	simm.s32 $0xD;
	[smem:$0x7EA] =	sst s23  }
0x76: {  	[tilespmem:s1], [sflag:$0xD] =	stream.linear.gather [hbm4b:s22+s1], $0x3400, $0x38;
	[tilespmem:$0x1B400] =	vst v63  }
0x77: {  	_ =	swait.ge [sflag:s3], $0x3400  }
0x78: {  	s4 =	simm.s32 $0x200;
	s24 =	rddreg [dreg:$0xe];
	[sflag:s3] =	ssyncset.done $0x0  }
0x79: {  	s5 =	simm.s32 $0x3400;
	s25 =	sld [smem:$0x7CC];
	[sflag:s3] =	ssyncadd.s32 $0xFFFFCC00  }
0x7a: {  	[tilespmem:s5], [sflag:$0x1] =	stream.indirect.gather [hbm4b:s24+s4], $0x20, s1, s4, $0xb8;
	[tilespmem:$0x1B400] =	vst v63  }
0x7b: {  	s6 =	simm.s32 $0x7400;
	s26 =	rddreg [dreg:$0xf]  }
0x7c: {  	[tilespmem:s6], [sflag:$0x2] =	stream.indirect.gather [hbm4b:s26+s4], $0x20, s4, s4, $0xb8;
	[tilespmem:$0x1B400] =	vst v63  }
0x7d: {  	s7 =	simm.s32 $0xB400;
	s8 =	simm.s32 $0x1;
	s0 =	rddreg [dreg:$0x10]  }
0x7e: {  	[tilespmem:s7], [sflag:$0x3] =	stream.indirect.gather [hbm4b:s0+s4], $0x20, s25, s4, $0xb8;
	[tilespmem:$0x1B400] =	vst v63  }
0x7f: {  	_ =	swait.ge [sflag:s8], $0x4000  }
0x80: {  	s11 =	sld [smem:$0x7CD]  }
0x81: {  	[sflag:s8] =	ssyncset.done $0x0  }
0x82: {  	s12 =	sld [smem:$0x7CE];
	[sflag:s8] =	ssyncadd.s32 $0xFFFFC000  }
0x83: {  	[hbm4b:s11+s1] =	stream.linear.scatter [tilespmem:s5], [sflag:$0x7], $0x4000, $0x38;
	[tilespmem:$0x1B400] =	vst v63  }
0x84: {  	s9 =	simm.s32 $0xF400;
	s10 =	simm.s32 $0x2;
	s13 =	rddreg [dreg:$0x11]  }
0x85: {  	[tilespmem:s9], [sflag:$0x4] =	stream.indirect.gather [hbm4b:s13+s4], $0x20, s12, s4, $0xb8;
	[tilespmem:$0x1B400] =	vst v63  }
0x86: {  	_ =	swait.ge [sflag:s10], $0x4000  }
0x87: {  	s14 =	sld [smem:$0x7CF]  }
0x88: {  	[sflag:s10] =	ssyncset.done $0x0  }
0x89: {  	s15 =	sld [smem:$0x7D0];
	[sflag:s10] =	ssyncadd.s32 $0xFFFFC000  }
0x8a: {  	[hbm4b:s14+s1] =	stream.linear.scatter [tilespmem:s6], [sflag:$0x8], $0x4000, $0x38;
	[tilespmem:$0x1B400] =	vst v63  }
0x8b: {  	s11 =	simm.s32 $0x13400;
	s12 =	simm.s32 $0x3;
	s16 =	rddreg [dreg:$0x12]  }
0x8c: {  	[tilespmem:s11], [sflag:$0x5] =	stream.indirect.gather [hbm4b:s16+s4], $0x20, s15, s4, $0xb8;
	[tilespmem:$0x1B400] =	vst v63  }
0x8d: {  	_ =	swait.ge [sflag:s12], $0x4000  }
0x8e: {  	s17 =	sld [smem:$0x7D1]  }
0x8f: {  	[sflag:s12] =	ssyncset.done $0x0  }
0x90: {  	s18 =	sld [smem:$0x7D2];
	[sflag:s12] =	ssyncadd.s32 $0xFFFFC000  }
0x91: {  	[hbm4b:s17+s1] =	stream.linear.scatter [tilespmem:s7], [sflag:$0x9], $0x4000, $0x38;
	[tilespmem:$0x1B400] =	vst v63  }
0x92: {  	s14 =	simm.s32 $0x17400;
	s15 =	simm.s32 $0x4;
	s19 =	rddreg [dreg:$0x13]  }
0x93: {  	[tilespmem:s14], [sflag:$0x6] =	stream.indirect.gather [hbm4b:s19+s4], $0x20, s18, s4, $0xb8;
	[tilespmem:$0x1B400] =	vst v63  }
0x94: {  	_ =	swait.ge [sflag:s15], $0x4000  }
0x95: {  	s20 =	sld [smem:$0x7D3]  }
0x96: {  	[sflag:s15] =	ssyncset.done $0x0  }
0x97: {  	s13 =	simm.s32 $0x7;
	[sflag:s15] =	ssyncadd.s32 $0xFFFFC000  }
0x98: {  	[hbm4b:s20+s1] =	stream.linear.scatter [tilespmem:s9], [sflag:$0xA], $0x4000, $0x38;
	[tilespmem:$0x1B400] =	vst v63  }
0x99: {  	_ =	swait.ge [sflag:s13], $0x4000  }
0x9a: {  	s22 =	sld [smem:$0x7D4]  }
0x9b: {  	[sflag:s13] =	ssyncset.done $0x0  }
0x9c: {  	s17 =	simm.s32 $0x5;
	s21 =	rddreg [dreg:$0x14];
	[sflag:s13] =	ssyncadd.s32 $0xFFFFC000  }
0x9d: {  	[tilespmem:s5], [sflag:$0x1] =	stream.indirect.gather [hbm4b:s21+s4], $0x20, s22, s4, $0xb8;
	[tilespmem:$0x1B400] =	vst v63  }
0x9e: {  	_ =	swait.ge [sflag:s17], $0x4000  }
0x9f: {  	s23 =	sld [smem:$0x7D5]  }
0xa0: {  	[sflag:s17] =	ssyncset.done $0x0  }
0xa1: {  	s16 =	simm.s32 $0x8;
	[sflag:s17] =	ssyncadd.s32 $0xFFFFC000  }
0xa2: {  	[hbm4b:s23+s1] =	stream.linear.scatter [tilespmem:s11], [sflag:$0xB], $0x4000, $0x38;
	[tilespmem:$0x1B400] =	vst v63  }
0xa3: {  	_ =	swait.ge [sflag:s16], $0x4000  }
0xa4: {  	s25 =	sld [smem:$0x7D6]  }
0xa5: {  	[sflag:s16] =	ssyncset.done $0x0  }
0xa6: {  	s18 =	simm.s32 $0x6;
	s24 =	rddreg [dreg:$0x15];
	[sflag:s16] =	ssyncadd.s32 $0xFFFFC000  }
0xa7: {  	[tilespmem:s6], [sflag:$0x2] =	stream.indirect.gather [hbm4b:s24+s4], $0x20, s25, s4, $0xb8;
	[tilespmem:$0x1B400] =	vst v63  }
0xa8: {  	_ =	swait.ge [sflag:s18], $0x4000  }
0xa9: {  	s26 =	sld [smem:$0x7D7]  }
0xaa: {  	[sflag:s18] =	ssyncset.done $0x0  }
0xab: {  	s19 =	simm.s32 $0x9;
	[sflag:s18] =	ssyncadd.s32 $0xFFFFC000  }
0xac: {  	[hbm4b:s26+s1] =	stream.linear.scatter [tilespmem:s14], [sflag:$0xC], $0x4000, $0x38;
	[tilespmem:$0x1B400] =	vst v63  }
0xad: {  	_ =	swait.ge [sflag:s19], $0x4000  }
0xae: {  	s21 =	sld [smem:$0x7D8]  }
0xaf: {  	[sflag:s19] =	ssyncset.done $0x0  }
0xb0: {  	s0 =	rddreg [dreg:$0x16];
	[sflag:s19] =	ssyncadd.s32 $0xFFFFC000  }
0xb1: {  	[tilespmem:s7], [sflag:$0x3] =	stream.indirect.gather [hbm4b:s0+s4], $0x20, s21, s4, $0xb8;
	[tilespmem:$0x1B400] =	vst v63  }
0xb2: {  	_ =	swait.ge [sflag:s8], $0x4000  }
0xb3: {  	s22 =	sld [smem:$0x7D9]  }
0xb4: {  	[sflag:s8] =	ssyncset.done $0x0  }
0xb5: {  	s20 =	simm.s32 $0xA;
	[sflag:s8] =	ssyncadd.s32 $0xFFFFC000  }
0xb6: {  	[hbm4b:s22+s1] =	stream.linear.scatter [tilespmem:s5], [sflag:$0x7], $0x4000, $0x38;
	[tilespmem:$0x1B400] =	vst v63  }
0xb7: {  	_ =	swait.ge [sflag:s20], $0x4000  }
0xb8: {  	s22 =	sld [smem:$0x7DA]  }
0xb9: {  	[sflag:s20] =	ssyncset.done $0x0  }
0xba: {  	s23 =	rddreg [dreg:$0x17];
	[sflag:s20] =	ssyncadd.s32 $0xFFFFC000  }
0xbb: {  	[tilespmem:s9], [sflag:$0x4] =	stream.indirect.gather [hbm4b:s23+s4], $0x20, s22, s4, $0xb8;
	[tilespmem:$0x1B400] =	vst v63  }
0xbc: {  	_ =	swait.ge [sflag:s10], $0x4000  }
0xbd: {  	s24 =	sld [smem:$0x7DB]  }
0xbe: {  	[sflag:s10] =	ssyncset.done $0x0  }
0xbf: {  	s21 =	simm.s32 $0xB;
	[sflag:s10] =	ssyncadd.s32 $0xFFFFC000  }
0xc0: {  	[hbm4b:s24+s1] =	stream.linear.scatter [tilespmem:s6], [sflag:$0x8], $0x4000, $0x38;
	[tilespmem:$0x1B400] =	vst v63  }
0xc1: {  	_ =	swait.ge [sflag:s21], $0x4000  }
0xc2: {  	s23 =	sld [smem:$0x7DC]  }
0xc3: {  	[sflag:s21] =	ssyncset.done $0x0  }
0xc4: {  	s25 =	rddreg [dreg:$0x18];
	[sflag:s21] =	ssyncadd.s32 $0xFFFFC000  }
0xc5: {  	[tilespmem:s11], [sflag:$0x5] =	stream.indirect.gather [hbm4b:s25+s4], $0x20, s23, s4, $0xb8;
	[tilespmem:$0x1B400] =	vst v63  }
0xc6: {  	_ =	swait.ge [sflag:s12], $0x4000  }
0xc7: {  	s26 =	sld [smem:$0x7DD]  }
0xc8: {  	[sflag:s12] =	ssyncset.done $0x0  }
0xc9: {  	s22 =	simm.s32 $0xC;
	[sflag:s12] =	ssyncadd.s32 $0xFFFFC000  }
0xca: {  	[hbm4b:s26+s1] =	stream.linear.scatter [tilespmem:s7], [sflag:$0x9], $0x4000, $0x38;
	[tilespmem:$0x1B400] =	vst v63  }
0xcb: {  	_ =	swait.ge [sflag:s22], $0x4000  }
0xcc: {  	s24 =	sld [smem:$0x7DE]  }
0xcd: {  	[sflag:s22] =	ssyncset.done $0x0  }
0xce: {  	s0 =	rddreg [dreg:$0x19];
	[sflag:s22] =	ssyncadd.s32 $0xFFFFC000  }
0xcf: {  	[tilespmem:s14], [sflag:$0x6] =	stream.indirect.gather [hbm4b:s0+s4], $0x20, s24, s4, $0xb8;
	[tilespmem:$0x1B400] =	vst v63  }
0xd0: {  	_ =	swait.ge [sflag:s15], $0x4000  }
0xd1: {  	s25 =	sld [smem:$0x7DF]  }
0xd2: {  	[sflag:s15] =	ssyncset.done $0x0  }
0xd3: {  	[sflag:s15] =	ssyncadd.s32 $0xFFFFC000  }
0xd4: {  	[hbm4b:s25+s1] =	stream.linear.scatter [tilespmem:s9], [sflag:$0xA], $0x4000, $0x38;
	[tilespmem:$0x1B400] =	vst v63  }
0xd5: {  	_ =	swait.ge [sflag:s13], $0x4000  }
0xd6: {  	s0 =	sld [smem:$0x7E0]  }
0xd7: {  	[sflag:s13] =	ssyncset.done $0x0  }
0xd8: {  	s26 =	rddreg [dreg:$0x1a];
	[sflag:s13] =	ssyncadd.s32 $0xFFFFC000  }
0xd9: {  	[tilespmem:s5], [sflag:$0x1] =	stream.indirect.gather [hbm4b:s26+s4], $0x20, s0, s4, $0xb8;
	[tilespmem:$0x1B400] =	vst v63  }
0xda: {  	_ =	swait.ge [sflag:s17], $0x4000  }
0xdb: {  	s25 =	sld [smem:$0x7E1]  }
0xdc: {  	[sflag:s17] =	ssyncset.done $0x0  }
0xdd: {  	[sflag:s17] =	ssyncadd.s32 $0xFFFFC000  }
0xde: {  	[hbm4b:s25+s1] =	stream.linear.scatter [tilespmem:s11], [sflag:$0xB], $0x4000, $0x38;
	[tilespmem:$0x1B400] =	vst v63  }
0xdf: {  	_ =	swait.ge [sflag:s16], $0x4000  }
0xe0: {  	s0 =	sld [smem:$0x7E2]  }
0xe1: {  	[sflag:s16] =	ssyncset.done $0x0  }
0xe2: {  	s26 =	rddreg [dreg:$0x1b];
	[sflag:s16] =	ssyncadd.s32 $0xFFFFC000  }
0xe3: {  	[tilespmem:s6], [sflag:$0x2] =	stream.indirect.gather [hbm4b:s26+s4], $0x20, s0, s4, $0xb8;
	[tilespmem:$0x1B400] =	vst v63  }
0xe4: {  	_ =	swait.ge [sflag:s18], $0x4000  }
0xe5: {  	s25 =	sld [smem:$0x7E3]  }
0xe6: {  	[sflag:s18] =	ssyncset.done $0x0  }
0xe7: {  	[sflag:s18] =	ssyncadd.s32 $0xFFFFC000  }
0xe8: {  	[hbm4b:s25+s1] =	stream.linear.scatter [tilespmem:s14], [sflag:$0xC], $0x4000, $0x38;
	[tilespmem:$0x1B400] =	vst v63  }
0xe9: {  	_ =	swait.ge [sflag:s19], $0x4000  }
0xea: {  	s0 =	sld [smem:$0x7E4]  }
0xeb: {  	[sflag:s19] =	ssyncset.done $0x0  }
0xec: {  	s26 =	rddreg [dreg:$0x1c];
	[sflag:s19] =	ssyncadd.s32 $0xFFFFC000  }
0xed: {  	[tilespmem:s7], [sflag:$0x3] =	stream.indirect.gather [hbm4b:s26+s4], $0x20, s0, s4, $0xb8;
	[tilespmem:$0x1B400] =	vst v63  }
0xee: {  	_ =	swait.ge [sflag:s8], $0x4000  }
0xef: {  	s25 =	sld [smem:$0x7E5]  }
0xf0: {  	[sflag:s8] =	ssyncset.done $0x0  }
0xf1: {  	[sflag:s8] =	ssyncadd.s32 $0xFFFFC000  }
0xf2: {  	[hbm4b:s25+s1] =	stream.linear.scatter [tilespmem:s5], [sflag:$0x7], $0x4000, $0x38;
	[tilespmem:$0x1B400] =	vst v63  }
0xf3: {  	_ =	swait.ge [sflag:s20], $0x4000  }
0xf4: {  	s0 =	sld [smem:$0x7E6]  }
0xf5: {  	[sflag:s20] =	ssyncset.done $0x0  }
0xf6: {  	s26 =	rddreg [dreg:$0x1d];
	[sflag:s20] =	ssyncadd.s32 $0xFFFFC000  }
0xf7: {  	[tilespmem:s9], [sflag:$0x4] =	stream.indirect.gather [hbm4b:s26+s4], $0x20, s0, s4, $0xb8;
	[tilespmem:$0x1B400] =	vst v63  }
0xf8: {  	_ =	swait.ge [sflag:s10], $0x4000  }
0xf9: {  	s24 =	sld [smem:$0x7E7]  }
0xfa: {  	[sflag:s10] =	ssyncset.done $0x0  }
0xfb: {  	[sflag:s10] =	ssyncadd.s32 $0xFFFFC000  }
0xfc: {  	[hbm4b:s24+s1] =	stream.linear.scatter [tilespmem:s6], [sflag:$0x8], $0x4000, $0x38;
	[tilespmem:$0x1B400] =	vst v63  }
0xfd: {  	_ =	swait.ge [sflag:s21], $0x4000  }
0xfe: {  	s26 =	sld [smem:$0x7E8]  }
0xff: {  	[sflag:s21] =	ssyncset.done $0x0  }
0x100: {  	s25 =	rddreg [dreg:$0x1e];
	[sflag:s21] =	ssyncadd.s32 $0xFFFFC000  }
0x101: {  	[tilespmem:s11], [sflag:$0x5] =	stream.indirect.gather [hbm4b:s25+s4], $0x20, s26, s4, $0xb8;
	[tilespmem:$0x1B400] =	vst v63  }
0x102: {  	_ =	swait.ge [sflag:s12], $0x4000  }
0x103: {  	s0 =	sld [smem:$0x7E9]  }
0x104: {  	[sflag:s12] =	ssyncset.done $0x0  }
0x105: {  	[sflag:s12] =	ssyncadd.s32 $0xFFFFC000  }
0x106: {  	[hbm4b:s0+s1] =	stream.linear.scatter [tilespmem:s7], [sflag:$0x9], $0x4000, $0x38;
	[tilespmem:$0x1B400] =	vst v63  }
0x107: {  	_ =	swait.ge [sflag:s22], $0x4000  }
0x108: {  	s25 =	sld [smem:$0x7EA]  }
0x109: {  	[sflag:s22] =	ssyncset.done $0x0  }
0x10a: {  	s24 =	rddreg [dreg:$0x1f];
	[sflag:s22] =	ssyncadd.s32 $0xFFFFC000  }
0x10b: {  	[tilespmem:s14], [sflag:$0x6] =	stream.indirect.gather [hbm4b:s24+s4], $0x20, s25, s4, $0xb8;
	[tilespmem:$0x1B400] =	vst v63  }
0x10c: {  	_ =	swait.ge [sflag:s15], $0x4000  }
0x10d: {  	s26 =	sld [smem:$0x7EB]  }
0x10e: {  	[sflag:s15] =	ssyncset.done $0x0  }
0x10f: {  	[sflag:s15] =	ssyncadd.s32 $0xFFFFC000  }
0x110: {  	[hbm4b:s26+s1] =	stream.linear.scatter [tilespmem:s9], [sflag:$0xA], $0x4000, $0x38;
	[tilespmem:$0x1B400] =	vst v63  }
0x111: {  	_ =	swait.ge [sflag:s13], $0x4000  }
0x112: {  	s0 =	sld [smem:$0x7EC]  }
0x113: {  	[sflag:s13] =	ssyncset.done $0x0  }
0x114: {  	s23 =	simm.s32 $0x2400;
	[sflag:s13] =	ssyncadd.s32 $0xFFFFC000  }
0x115: {  	[tilespmem:s5], [sflag:$0x1] =	stream.indirect.gather [hbm4b:s0+s4], $0x20, s23, s4, $0xb8;
	[tilespmem:$0x1B400] =	vst v63  }
0x116: {  	_ =	swait.ge [sflag:s17], $0x4000  }
0x117: {  	s25 =	sld [smem:$0x7ED]  }
0x118: {  	[sflag:s17] =	ssyncset.done $0x0  }
0x119: {  	[sflag:s17] =	ssyncadd.s32 $0xFFFFC000  }
0x11a: {  	[hbm4b:s25+s1] =	stream.linear.scatter [tilespmem:s11], [sflag:$0xB], $0x4000, $0x38;
	[tilespmem:$0x1B400] =	vst v63  }
0x11b: {  	_ =	swait.ge [sflag:s16], $0x4000  }
0x11c: {  	s25 =	sld [smem:$0x7EE]  }
0x11d: {  	[sflag:s16] =	ssyncset.done $0x0  }
0x11e: {  	s26 =	simm.s32 $0x2600;
	[sflag:s16] =	ssyncadd.s32 $0xFFFFC000  }
0x11f: {  	[tilespmem:s6], [sflag:$0x2] =	stream.indirect.gather [hbm4b:s25+s4], $0x20, s26, s4, $0xb8;
	[tilespmem:$0x1B400] =	vst v63  }
0x120: {  	_ =	swait.ge [sflag:s18], $0x4000  }
0x121: {  	s0 =	sld [smem:$0x7EF]  }
0x122: {  	[sflag:s18] =	ssyncset.done $0x0  }
0x123: {  	[sflag:s18] =	ssyncadd.s32 $0xFFFFC000  }
0x124: {  	[hbm4b:s0+s1] =	stream.linear.scatter [tilespmem:s14], [sflag:$0xC], $0x4000, $0x38;
	[tilespmem:$0x1B400] =	vst v63  }
0x125: {  	_ =	swait.ge [sflag:s19], $0x4000  }
0x126: {  	s26 =	sld [smem:$0x7F0]  }
0x127: {  	[sflag:s19] =	ssyncset.done $0x0  }
0x128: {  	s25 =	simm.s32 $0x2800;
	[sflag:s19] =	ssyncadd.s32 $0xFFFFC000  }
0x129: {  	[tilespmem:s7], [sflag:$0x3] =	stream.indirect.gather [hbm4b:s26+s4], $0x20, s25, s4, $0xb8;
	[tilespmem:$0x1B400] =	vst v63  }
0x12a: {  	_ =	swait.ge [sflag:s8], $0x4000  }
0x12b: {  	s23 =	sld [smem:$0x7F1]  }
0x12c: {  	[sflag:s8] =	ssyncset.done $0x0  }
0x12d: {  	[sflag:s8] =	ssyncadd.s32 $0xFFFFC000  }
0x12e: {  	[hbm4b:s23+s1] =	stream.linear.scatter [tilespmem:s5], [sflag:$0x7], $0x4000, $0x38;
	[tilespmem:$0x1B400] =	vst v63  }
0x12f: {  	_ =	swait.ge [sflag:s20], $0x4000  }
0x130: {  	s28 =	sld [smem:$0x7F2]  }
0x131: {  	[sflag:s20] =	ssyncset.done $0x0  }
0x132: {  	s26 =	simm.s32 $0x2A00;
	[sflag:s20] =	ssyncadd.s32 $0xFFFFC000  }
0x133: {  	[tilespmem:s9], [sflag:$0x4] =	stream.indirect.gather [hbm4b:s28+s4], $0x20, s26, s4, $0xb8;
	[tilespmem:$0x1B400] =	vst v63  }
0x134: {  	_ =	swait.ge [sflag:s10], $0x4000  }
0x135: {  	s28 =	sld [smem:$0x7F3]  }
0x136: {  	[sflag:s10] =	ssyncset.done $0x0  }
0x137: {  	[sflag:s10] =	ssyncadd.s32 $0xFFFFC000  }
0x138: {  	[hbm4b:s28+s1] =	stream.linear.scatter [tilespmem:s6], [sflag:$0x8], $0x4000, $0x38;
	[tilespmem:$0x1B400] =	vst v63  }
0x139: {  	_ =	swait.ge [sflag:s21], $0x4000  }
0x13a: {  	s29 =	sld [smem:$0x7F4]  }
0x13b: {  	[sflag:s21] =	ssyncset.done $0x0  }
0x13c: {  	s28 =	simm.s32 $0x2C00;
	[sflag:s21] =	ssyncadd.s32 $0xFFFFC000  }
0x13d: {  	[tilespmem:s11], [sflag:$0x5] =	stream.indirect.gather [hbm4b:s29+s4], $0x20, s28, s4, $0xb8;
	[tilespmem:$0x1B400] =	vst v63  }
0x13e: {  	_ =	swait.ge [sflag:s12], $0x4000  }
0x13f: {  	s29 =	sld [smem:$0x7F5]  }
0x140: {  	[sflag:s12] =	ssyncset.done $0x0  }
0x141: {  	[sflag:s12] =	ssyncadd.s32 $0xFFFFC000  }
0x142: {  	[hbm4b:s29+s1] =	stream.linear.scatter [tilespmem:s7], [sflag:$0x9], $0x4000, $0x38;
	[tilespmem:$0x1B400] =	vst v63  }
0x143: {  	_ =	swait.ge [sflag:s22], $0x4000  }
0x144: {  	s30 =	sld [smem:$0x7F6]  }
0x145: {  	[sflag:s22] =	ssyncset.done $0x0  }
0x146: {  	s29 =	simm.s32 $0x2E00;
	[sflag:s22] =	ssyncadd.s32 $0xFFFFC000  }
0x147: {  	[tilespmem:s14], [sflag:$0x6] =	stream.indirect.gather [hbm4b:s30+s4], $0x20, s29, s4, $0xb8;
	[tilespmem:$0x1B400] =	vst v63  }
0x148: {  	_ =	swait.ge [sflag:s15], $0x4000  }
0x149: {  	s30 =	sld [smem:$0x7F7]  }
0x14a: {  	[sflag:s15] =	ssyncset.done $0x0  }
0x14b: {  	[sflag:s15] =	ssyncadd.s32 $0xFFFFC000  }
0x14c: {  	[hbm4b:s30+s1] =	stream.linear.scatter [tilespmem:s9], [sflag:$0xA], $0x4000, $0x38;
	[tilespmem:$0x1B400] =	vst v63  }
0x14d: {  	_ =	swait.ge [sflag:s13], $0x4000  }
0x14e: {  	s31 =	sld [smem:$0x7F8]  }
0x14f: {  	[sflag:s13] =	ssyncset.done $0x0  }
0x150: {  	s30 =	simm.s32 $0x3000;
	[sflag:s13] =	ssyncadd.s32 $0xFFFFC000  }
0x151: {  	[tilespmem:s5], [sflag:$0x1] =	stream.indirect.gather [hbm4b:s31+s4], $0x20, s30, s4, $0xb8;
	[tilespmem:$0x1B400] =	vst v63  }
0x152: {  	_ =	swait.ge [sflag:s17], $0x4000  }
0x153: {  	s31 =	sld [smem:$0x7F9]  }
0x154: {  	[sflag:s17] =	ssyncset.done $0x0  }
0x155: {  	[sflag:s17] =	ssyncadd.s32 $0xFFFFC000  }
0x156: {  	[hbm4b:s31+s1] =	stream.linear.scatter [tilespmem:s11], [sflag:$0xB], $0x4000, $0x38;
	[tilespmem:$0x1B400] =	vst v63  }
0x157: {  	_ =	swait.ge [sflag:s16], $0x4000  }
0x158: {  	s24 =	sld [smem:$0x7FA]  }
0x159: {  	[sflag:s16] =	ssyncset.done $0x0  }
0x15a: {  	s31 =	simm.s32 $0x3200;
	[sflag:s16] =	ssyncadd.s32 $0xFFFFC000  }
0x15b: {  	[tilespmem:s6], [sflag:$0x2] =	stream.indirect.gather [hbm4b:s24+s4], $0x20, s31, s4, $0xb8;
	[tilespmem:$0x1B400] =	vst v63  }
0x15c: {  	_ =	swait.ge [sflag:s18], $0x4000  }
0x15d: {  	s23 =	sld [smem:$0x7FB]  }
0x15e: {  	[sflag:s18] =	ssyncset.done $0x0  }
0x15f: {  	[sflag:s18] =	ssyncadd.s32 $0xFFFFC000  }
0x160: {  	[hbm4b:s23+s1] =	stream.linear.scatter [tilespmem:s14], [sflag:$0xC], $0x4000, $0x38;
	[tilespmem:$0x1B400] =	vst v63  }
0x161: {  	_ =	swait.ge [sflag:s8], $0x4000  }
0x162: {  	s24 =	sld [smem:$0x7FC]  }
0x163: {  	[sflag:s8] =	ssyncset.done $0x0  }
0x164: {  	[sflag:s8] =	ssyncadd.s32 $0xFFFFC000  }
0x165: {  	[hbm4b:s24+s1] =	stream.linear.scatter [tilespmem:s5], [sflag:$0x7], $0x4000, $0x38;
	[tilespmem:$0x1B400] =	vst v63  }
0x166: {  	s24 =	ssub.s32 $0x2, s2  }
0x167: {  	_ =	swait.ge [sflag:s10], $0x4000;
	s2 =	sshrl.u32 s24, $0x1  }
0x168: {  	s23 =	sld [smem:$0x7FD];
	s0 =	ssub.s32 s24, s2  }
0x169: {  	[sflag:s10] =	ssyncset.done $0x0;
	s0 =	smax.u32 s0, $0x1  }
0x16a: {  	[sflag:s10] =	ssyncadd.s32 $0xFFFFC000;
	p0 =	sne.s32 s0, $0x1  }
0x16b: {  	[hbm4b:s23+s1] =	stream.linear.scatter [tilespmem:s6], [sflag:$0x8], $0x4000, $0x38;
	[tilespmem:$0x1B400] =	vst v63  }
.Ltmp0:
0x16c: {  	_ =	swait.ge [sflag:s19], $0x4000;
	(pc) =	sbr.rel @!p0 .LBB3_2-.Ltmp0, $4  }
0x16d: {  	[sflag:s19] =	ssyncset.done $0x0  }
0x16e: {  	[sflag:s19] =	ssyncadd.s32 $0xFFFFC000  }
0x16f: {  	_ =	swait.ge [sflag:s20], $0x4000  }
0x170: {  	s2 =	sadd.s32 $0xFFFFFFFF, s0;
	[sflag:s20] =	ssyncset.done $0x0  }
.LBB3_1:
0x171: {  	[sflag:s20] =	ssyncadd.s32 $0xFFFFC000  }
0x172: {  	_ =	swait.ge [sflag:s21], $0x4000  }
0x173: {  	[sflag:s21] =	ssyncset.done $0x0  }
0x174: {  	[sflag:s21] =	ssyncadd.s32 $0xFFFFC000  }
0x175: {  	_ =	swait.ge [sflag:s22], $0x4000  }
0x176: {  	[sflag:s22] =	ssyncset.done $0x0  }
0x177: {  	[sflag:s22] =	ssyncadd.s32 $0xFFFFC000  }
0x178: {  	_ =	swait.ge [sflag:s13], $0x4000  }
0x179: {  	[sflag:s13] =	ssyncset.done $0x0  }
0x17a: {  	[sflag:s13] =	ssyncadd.s32 $0xFFFFC000  }
0x17b: {  	_ =	swait.ge [sflag:s16], $0x4000  }
0x17c: {  	s0 =	sld [smem:$0x7CB]  }
0x17d: {  	[sflag:s16] =	ssyncset.done $0x0  }
0x17e: {  	[sflag:s16] =	ssyncadd.s32 $0xFFFFC000  }
0x17f: {  	[tilespmem:s1], [sflag:$0xD] =	stream.linear.gather [hbm4b:s0+s1], $0x3400, $0x38;
	[tilespmem:$0x1B400] =	vst v63  }
0x180: {  	_ =	swait.ge [sflag:s3], $0x3400  }
0x181: {  	s0 =	rddreg [dreg:$0xe];
	[sflag:s3] =	ssyncset.done $0x0  }
0x182: {  	s23 =	sld [smem:$0x7CC];
	[sflag:s3] =	ssyncadd.s32 $0xFFFFCC00  }
0x183: {  	[tilespmem:s5], [sflag:$0x1] =	stream.indirect.gather [hbm4b:s0+s4], $0x20, s1, s4, $0xb8;
	[tilespmem:$0x1B400] =	vst v63  }
0x184: {  	s24 =	rddreg [dreg:$0xf]  }
0x185: {  	[tilespmem:s6], [sflag:$0x2] =	stream.indirect.gather [hbm4b:s24+s4], $0x20, s4, s4, $0xb8;
	[tilespmem:$0x1B400] =	vst v63  }
0x186: {  	s0 =	rddreg [dreg:$0x10]  }
0x187: {  	[tilespmem:s7], [sflag:$0x3] =	stream.indirect.gather [hbm4b:s0+s4], $0x20, s23, s4, $0xb8;
	[tilespmem:$0x1B400] =	vst v63  }
0x188: {  	_ =	swait.ge [sflag:s8], $0x4000  }
0x189: {  	s0 =	sld [smem:$0x7CD]  }
0x18a: {  	[sflag:s8] =	ssyncset.done $0x0  }
0x18b: {  	s23 =	sld [smem:$0x7CE];
	[sflag:s8] =	ssyncadd.s32 $0xFFFFC000  }
0x18c: {  	[hbm4b:s0+s1] =	stream.linear.scatter [tilespmem:s5], [sflag:$0x7], $0x4000, $0x38;
	[tilespmem:$0x1B400] =	vst v63  }
0x18d: {  	s24 =	rddreg [dreg:$0x11]  }
0x18e: {  	[tilespmem:s9], [sflag:$0x4] =	stream.indirect.gather [hbm4b:s24+s4], $0x20, s23, s4, $0xb8;
	[tilespmem:$0x1B400] =	vst v63  }
0x18f: {  	_ =	swait.ge [sflag:s10], $0x4000  }
0x190: {  	s0 =	sld [smem:$0x7CF]  }
0x191: {  	[sflag:s10] =	ssyncset.done $0x0  }
0x192: {  	s23 =	sld [smem:$0x7D0];
	[sflag:s10] =	ssyncadd.s32 $0xFFFFC000  }
0x193: {  	[hbm4b:s0+s1] =	stream.linear.scatter [tilespmem:s6], [sflag:$0x8], $0x4000, $0x38;
	[tilespmem:$0x1B400] =	vst v63  }
0x194: {  	s24 =	rddreg [dreg:$0x12]  }
0x195: {  	[tilespmem:s11], [sflag:$0x5] =	stream.indirect.gather [hbm4b:s24+s4], $0x20, s23, s4, $0xb8;
	[tilespmem:$0x1B400] =	vst v63  }
0x196: {  	_ =	swait.ge [sflag:s12], $0x4000  }
0x197: {  	s0 =	sld [smem:$0x7D1]  }
0x198: {  	[sflag:s12] =	ssyncset.done $0x0  }
0x199: {  	s23 =	sld [smem:$0x7D2];
	[sflag:s12] =	ssyncadd.s32 $0xFFFFC000  }
0x19a: {  	[hbm4b:s0+s1] =	stream.linear.scatter [tilespmem:s7], [sflag:$0x9], $0x4000, $0x38;
	[tilespmem:$0x1B400] =	vst v63  }
0x19b: {  	s24 =	rddreg [dreg:$0x13]  }
0x19c: {  	[tilespmem:s14], [sflag:$0x6] =	stream.indirect.gather [hbm4b:s24+s4], $0x20, s23, s4, $0xb8;
	[tilespmem:$0x1B400] =	vst v63  }
0x19d: {  	_ =	swait.ge [sflag:s15], $0x4000  }
0x19e: {  	s24 =	sld [smem:$0x7D3]  }
0x19f: {  	[sflag:s15] =	ssyncset.done $0x0  }
0x1a0: {  	[sflag:s15] =	ssyncadd.s32 $0xFFFFC000  }
0x1a1: {  	[hbm4b:s24+s1] =	stream.linear.scatter [tilespmem:s9], [sflag:$0xA], $0x4000, $0x38;
	[tilespmem:$0x1B400] =	vst v63  }
0x1a2: {  	_ =	swait.ge [sflag:s13], $0x4000  }
0x1a3: {  	s24 =	sld [smem:$0x7D4]  }
0x1a4: {  	[sflag:s13] =	ssyncset.done $0x0  }
0x1a5: {  	s23 =	rddreg [dreg:$0x14];
	[sflag:s13] =	ssyncadd.s32 $0xFFFFC000  }
0x1a6: {  	[tilespmem:s5], [sflag:$0x1] =	stream.indirect.gather [hbm4b:s23+s4], $0x20, s24, s4, $0xb8;
	[tilespmem:$0x1B400] =	vst v63  }
0x1a7: {  	_ =	swait.ge [sflag:s17], $0x4000  }
0x1a8: {  	s24 =	sld [smem:$0x7D5]  }
0x1a9: {  	[sflag:s17] =	ssyncset.done $0x0  }
0x1aa: {  	[sflag:s17] =	ssyncadd.s32 $0xFFFFC000  }
0x1ab: {  	[hbm4b:s24+s1] =	stream.linear.scatter [tilespmem:s11], [sflag:$0xB], $0x4000, $0x38;
	[tilespmem:$0x1B400] =	vst v63  }
0x1ac: {  	_ =	swait.ge [sflag:s16], $0x4000  }
0x1ad: {  	s24 =	sld [smem:$0x7D6]  }
0x1ae: {  	[sflag:s16] =	ssyncset.done $0x0  }
0x1af: {  	s23 =	rddreg [dreg:$0x15];
	[sflag:s16] =	ssyncadd.s32 $0xFFFFC000  }
0x1b0: {  	[tilespmem:s6], [sflag:$0x2] =	stream.indirect.gather [hbm4b:s23+s4], $0x20, s24, s4, $0xb8;
	[tilespmem:$0x1B400] =	vst v63  }
0x1b1: {  	_ =	swait.ge [sflag:s18], $0x4000  }
0x1b2: {  	s24 =	sld [smem:$0x7D7]  }
0x1b3: {  	[sflag:s18] =	ssyncset.done $0x0  }
0x1b4: {  	[sflag:s18] =	ssyncadd.s32 $0xFFFFC000  }
0x1b5: {  	[hbm4b:s24+s1] =	stream.linear.scatter [tilespmem:s14], [sflag:$0xC], $0x4000, $0x38;
	[tilespmem:$0x1B400] =	vst v63  }
0x1b6: {  	_ =	swait.ge [sflag:s19], $0x4000  }
0x1b7: {  	s24 =	sld [smem:$0x7D8]  }
0x1b8: {  	[sflag:s19] =	ssyncset.done $0x0  }
0x1b9: {  	s23 =	rddreg [dreg:$0x16];
	[sflag:s19] =	ssyncadd.s32 $0xFFFFC000  }
0x1ba: {  	[tilespmem:s7], [sflag:$0x3] =	stream.indirect.gather [hbm4b:s23+s4], $0x20, s24, s4, $0xb8;
	[tilespmem:$0x1B400] =	vst v63  }
0x1bb: {  	_ =	swait.ge [sflag:s8], $0x4000  }
0x1bc: {  	s24 =	sld [smem:$0x7D9]  }
0x1bd: {  	[sflag:s8] =	ssyncset.done $0x0  }
0x1be: {  	[sflag:s8] =	ssyncadd.s32 $0xFFFFC000  }
0x1bf: {  	[hbm4b:s24+s1] =	stream.linear.scatter [tilespmem:s5], [sflag:$0x7], $0x4000, $0x38;
	[tilespmem:$0x1B400] =	vst v63  }
0x1c0: {  	_ =	swait.ge [sflag:s20], $0x4000  }
0x1c1: {  	s24 =	sld [smem:$0x7DA]  }
0x1c2: {  	[sflag:s20] =	ssyncset.done $0x0  }
0x1c3: {  	s23 =	rddreg [dreg:$0x17];
	[sflag:s20] =	ssyncadd.s32 $0xFFFFC000  }
0x1c4: {  	[tilespmem:s9], [sflag:$0x4] =	stream.indirect.gather [hbm4b:s23+s4], $0x20, s24, s4, $0xb8;
	[tilespmem:$0x1B400] =	vst v63  }
0x1c5: {  	_ =	swait.ge [sflag:s10], $0x4000  }
0x1c6: {  	s24 =	sld [smem:$0x7DB]  }
0x1c7: {  	[sflag:s10] =	ssyncset.done $0x0  }
0x1c8: {  	[sflag:s10] =	ssyncadd.s32 $0xFFFFC000  }
0x1c9: {  	[hbm4b:s24+s1] =	stream.linear.scatter [tilespmem:s6], [sflag:$0x8], $0x4000, $0x38;
	[tilespmem:$0x1B400] =	vst v63  }
0x1ca: {  	_ =	swait.ge [sflag:s21], $0x4000  }
0x1cb: {  	s24 =	sld [smem:$0x7DC]  }
0x1cc: {  	[sflag:s21] =	ssyncset.done $0x0  }
0x1cd: {  	s23 =	rddreg [dreg:$0x18];
	[sflag:s21] =	ssyncadd.s32 $0xFFFFC000  }
0x1ce: {  	[tilespmem:s11], [sflag:$0x5] =	stream.indirect.gather [hbm4b:s23+s4], $0x20, s24, s4, $0xb8;
	[tilespmem:$0x1B400] =	vst v63  }
0x1cf: {  	_ =	swait.ge [sflag:s12], $0x4000  }
0x1d0: {  	s24 =	sld [smem:$0x7DD]  }
0x1d1: {  	[sflag:s12] =	ssyncset.done $0x0  }
0x1d2: {  	[sflag:s12] =	ssyncadd.s32 $0xFFFFC000  }
0x1d3: {  	[hbm4b:s24+s1] =	stream.linear.scatter [tilespmem:s7], [sflag:$0x9], $0x4000, $0x38;
	[tilespmem:$0x1B400] =	vst v63  }
0x1d4: {  	_ =	swait.ge [sflag:s22], $0x4000  }
0x1d5: {  	s24 =	sld [smem:$0x7DE]  }
0x1d6: {  	[sflag:s22] =	ssyncset.done $0x0  }
0x1d7: {  	s23 =	rddreg [dreg:$0x19];
	[sflag:s22] =	ssyncadd.s32 $0xFFFFC000  }
0x1d8: {  	[tilespmem:s14], [sflag:$0x6] =	stream.indirect.gather [hbm4b:s23+s4], $0x20, s24, s4, $0xb8;
	[tilespmem:$0x1B400] =	vst v63  }
0x1d9: {  	_ =	swait.ge [sflag:s15], $0x4000  }
0x1da: {  	s24 =	sld [smem:$0x7DF]  }
0x1db: {  	[sflag:s15] =	ssyncset.done $0x0  }
0x1dc: {  	[sflag:s15] =	ssyncadd.s32 $0xFFFFC000  }
0x1dd: {  	[hbm4b:s24+s1] =	stream.linear.scatter [tilespmem:s9], [sflag:$0xA], $0x4000, $0x38;
	[tilespmem:$0x1B400] =	vst v63  }
0x1de: {  	_ =	swait.ge [sflag:s13], $0x4000  }
0x1df: {  	s24 =	sld [smem:$0x7E0]  }
0x1e0: {  	[sflag:s13] =	ssyncset.done $0x0  }
0x1e1: {  	s23 =	rddreg [dreg:$0x1a];
	[sflag:s13] =	ssyncadd.s32 $0xFFFFC000  }
0x1e2: {  	[tilespmem:s5], [sflag:$0x1] =	stream.indirect.gather [hbm4b:s23+s4], $0x20, s24, s4, $0xb8;
	[tilespmem:$0x1B400] =	vst v63  }
0x1e3: {  	_ =	swait.ge [sflag:s17], $0x4000  }
0x1e4: {  	s24 =	sld [smem:$0x7E1]  }
0x1e5: {  	[sflag:s17] =	ssyncset.done $0x0  }
0x1e6: {  	[sflag:s17] =	ssyncadd.s32 $0xFFFFC000  }
0x1e7: {  	[hbm4b:s24+s1] =	stream.linear.scatter [tilespmem:s11], [sflag:$0xB], $0x4000, $0x38;
	[tilespmem:$0x1B400] =	vst v63  }
0x1e8: {  	_ =	swait.ge [sflag:s16], $0x4000  }
0x1e9: {  	s24 =	sld [smem:$0x7E2]  }
0x1ea: {  	[sflag:s16] =	ssyncset.done $0x0  }
0x1eb: {  	s23 =	rddreg [dreg:$0x1b];
	[sflag:s16] =	ssyncadd.s32 $0xFFFFC000  }
0x1ec: {  	[tilespmem:s6], [sflag:$0x2] =	stream.indirect.gather [hbm4b:s23+s4], $0x20, s24, s4, $0xb8;
	[tilespmem:$0x1B400] =	vst v63  }
0x1ed: {  	_ =	swait.ge [sflag:s18], $0x4000  }
0x1ee: {  	s24 =	sld [smem:$0x7E3]  }
0x1ef: {  	[sflag:s18] =	ssyncset.done $0x0  }
0x1f0: {  	[sflag:s18] =	ssyncadd.s32 $0xFFFFC000  }
0x1f1: {  	[hbm4b:s24+s1] =	stream.linear.scatter [tilespmem:s14], [sflag:$0xC], $0x4000, $0x38;
	[tilespmem:$0x1B400] =	vst v63  }
0x1f2: {  	_ =	swait.ge [sflag:s19], $0x4000  }
0x1f3: {  	s24 =	sld [smem:$0x7E4]  }
0x1f4: {  	[sflag:s19] =	ssyncset.done $0x0  }
0x1f5: {  	s23 =	rddreg [dreg:$0x1c];
	[sflag:s19] =	ssyncadd.s32 $0xFFFFC000  }
0x1f6: {  	[tilespmem:s7], [sflag:$0x3] =	stream.indirect.gather [hbm4b:s23+s4], $0x20, s24, s4, $0xb8;
	[tilespmem:$0x1B400] =	vst v63  }
0x1f7: {  	_ =	swait.ge [sflag:s8], $0x4000  }
0x1f8: {  	s24 =	sld [smem:$0x7E5]  }
0x1f9: {  	[sflag:s8] =	ssyncset.done $0x0  }
0x1fa: {  	[sflag:s8] =	ssyncadd.s32 $0xFFFFC000  }
0x1fb: {  	[hbm4b:s24+s1] =	stream.linear.scatter [tilespmem:s5], [sflag:$0x7], $0x4000, $0x38;
	[tilespmem:$0x1B400] =	vst v63  }
0x1fc: {  	_ =	swait.ge [sflag:s20], $0x4000  }
0x1fd: {  	s24 =	sld [smem:$0x7E6]  }
0x1fe: {  	[sflag:s20] =	ssyncset.done $0x0  }
0x1ff: {  	s23 =	rddreg [dreg:$0x1d];
	[sflag:s20] =	ssyncadd.s32 $0xFFFFC000  }
0x200: {  	[tilespmem:s9], [sflag:$0x4] =	stream.indirect.gather [hbm4b:s23+s4], $0x20, s24, s4, $0xb8;
	[tilespmem:$0x1B400] =	vst v63  }
0x201: {  	_ =	swait.ge [sflag:s10], $0x4000  }
0x202: {  	s24 =	sld [smem:$0x7E7]  }
0x203: {  	[sflag:s10] =	ssyncset.done $0x0  }
0x204: {  	[sflag:s10] =	ssyncadd.s32 $0xFFFFC000  }
0x205: {  	[hbm4b:s24+s1] =	stream.linear.scatter [tilespmem:s6], [sflag:$0x8], $0x4000, $0x38;
	[tilespmem:$0x1B400] =	vst v63  }
0x206: {  	_ =	swait.ge [sflag:s21], $0x4000  }
0x207: {  	s24 =	sld [smem:$0x7E8]  }
0x208: {  	[sflag:s21] =	ssyncset.done $0x0  }
0x209: {  	s23 =	rddreg [dreg:$0x1e];
	[sflag:s21] =	ssyncadd.s32 $0xFFFFC000  }
0x20a: {  	[tilespmem:s11], [sflag:$0x5] =	stream.indirect.gather [hbm4b:s23+s4], $0x20, s24, s4, $0xb8;
	[tilespmem:$0x1B400] =	vst v63  }
0x20b: {  	_ =	swait.ge [sflag:s12], $0x4000  }
0x20c: {  	s24 =	sld [smem:$0x7E9]  }
0x20d: {  	[sflag:s12] =	ssyncset.done $0x0  }
0x20e: {  	[sflag:s12] =	ssyncadd.s32 $0xFFFFC000  }
0x20f: {  	[hbm4b:s24+s1] =	stream.linear.scatter [tilespmem:s7], [sflag:$0x9], $0x4000, $0x38;
	[tilespmem:$0x1B400] =	vst v63  }
0x210: {  	_ =	swait.ge [sflag:s22], $0x4000  }
0x211: {  	s24 =	sld [smem:$0x7EA]  }
0x212: {  	[sflag:s22] =	ssyncset.done $0x0  }
0x213: {  	s23 =	rddreg [dreg:$0x1f];
	[sflag:s22] =	ssyncadd.s32 $0xFFFFC000  }
0x214: {  	[tilespmem:s14], [sflag:$0x6] =	stream.indirect.gather [hbm4b:s23+s4], $0x20, s24, s4, $0xb8;
	[tilespmem:$0x1B400] =	vst v63  }
0x215: {  	_ =	swait.ge [sflag:s15], $0x4000  }
0x216: {  	s24 =	sld [smem:$0x7EB]  }
0x217: {  	[sflag:s15] =	ssyncset.done $0x0  }
0x218: {  	[sflag:s15] =	ssyncadd.s32 $0xFFFFC000  }
0x219: {  	[hbm4b:s24+s1] =	stream.linear.scatter [tilespmem:s9], [sflag:$0xA], $0x4000, $0x38;
	[tilespmem:$0x1B400] =	vst v63  }
0x21a: {  	_ =	swait.ge [sflag:s13], $0x4000  }
0x21b: {  	s23 =	sld [smem:$0x7EC]  }
0x21c: {  	[sflag:s13] =	ssyncset.done $0x0  }
0x21d: {  	s24 =	simm.s32 $0x2400;
	[sflag:s13] =	ssyncadd.s32 $0xFFFFC000  }
0x21e: {  	[tilespmem:s5], [sflag:$0x1] =	stream.indirect.gather [hbm4b:s23+s4], $0x20, s24, s4, $0xb8;
	[tilespmem:$0x1B400] =	vst v63  }
0x21f: {  	_ =	swait.ge [sflag:s17], $0x4000  }
0x220: {  	s24 =	sld [smem:$0x7ED]  }
0x221: {  	[sflag:s17] =	ssyncset.done $0x0  }
0x222: {  	[sflag:s17] =	ssyncadd.s32 $0xFFFFC000  }
0x223: {  	[hbm4b:s24+s1] =	stream.linear.scatter [tilespmem:s11], [sflag:$0xB], $0x4000, $0x38;
	[tilespmem:$0x1B400] =	vst v63  }
0x224: {  	_ =	swait.ge [sflag:s16], $0x4000  }
0x225: {  	s23 =	sld [smem:$0x7EE]  }
0x226: {  	[sflag:s16] =	ssyncset.done $0x0  }
0x227: {  	s24 =	simm.s32 $0x2600;
	[sflag:s16] =	ssyncadd.s32 $0xFFFFC000  }
0x228: {  	[tilespmem:s6], [sflag:$0x2] =	stream.indirect.gather [hbm4b:s23+s4], $0x20, s24, s4, $0xb8;
	[tilespmem:$0x1B400] =	vst v63  }
0x229: {  	_ =	swait.ge [sflag:s18], $0x4000  }
0x22a: {  	s24 =	sld [smem:$0x7EF]  }
0x22b: {  	[sflag:s18] =	ssyncset.done $0x0  }
0x22c: {  	[sflag:s18] =	ssyncadd.s32 $0xFFFFC000  }
0x22d: {  	[hbm4b:s24+s1] =	stream.linear.scatter [tilespmem:s14], [sflag:$0xC], $0x4000, $0x38;
	[tilespmem:$0x1B400] =	vst v63  }
0x22e: {  	_ =	swait.ge [sflag:s19], $0x4000  }
0x22f: {  	s23 =	sld [smem:$0x7F0]  }
0x230: {  	[sflag:s19] =	ssyncset.done $0x0  }
0x231: {  	[sflag:s19] =	ssyncadd.s32 $0xFFFFC000  }
0x232: {  	[tilespmem:s7], [sflag:$0x3] =	stream.indirect.gather [hbm4b:s23+s4], $0x20, s25, s4, $0xb8;
	[tilespmem:$0x1B400] =	vst v63  }
0x233: {  	_ =	swait.ge [sflag:s8], $0x4000  }
0x234: {  	s24 =	sld [smem:$0x7F1]  }
0x235: {  	[sflag:s8] =	ssyncset.done $0x0  }
0x236: {  	[sflag:s8] =	ssyncadd.s32 $0xFFFFC000  }
0x237: {  	[hbm4b:s24+s1] =	stream.linear.scatter [tilespmem:s5], [sflag:$0x7], $0x4000, $0x38;
	[tilespmem:$0x1B400] =	vst v63  }
0x238: {  	_ =	swait.ge [sflag:s20], $0x4000  }
0x239: {  	s23 =	sld [smem:$0x7F2]  }
0x23a: {  	[sflag:s20] =	ssyncset.done $0x0  }
0x23b: {  	[sflag:s20] =	ssyncadd.s32 $0xFFFFC000  }
0x23c: {  	[tilespmem:s9], [sflag:$0x4] =	stream.indirect.gather [hbm4b:s23+s4], $0x20, s26, s4, $0xb8;
	[tilespmem:$0x1B400] =	vst v63  }
0x23d: {  	_ =	swait.ge [sflag:s10], $0x4000  }
0x23e: {  	s24 =	sld [smem:$0x7F3]  }
0x23f: {  	[sflag:s10] =	ssyncset.done $0x0  }
0x240: {  	[sflag:s10] =	ssyncadd.s32 $0xFFFFC000  }
0x241: {  	[hbm4b:s24+s1] =	stream.linear.scatter [tilespmem:s6], [sflag:$0x8], $0x4000, $0x38;
	[tilespmem:$0x1B400] =	vst v63  }
0x242: {  	_ =	swait.ge [sflag:s21], $0x4000  }
0x243: {  	s23 =	sld [smem:$0x7F4]  }
0x244: {  	[sflag:s21] =	ssyncset.done $0x0  }
0x245: {  	[sflag:s21] =	ssyncadd.s32 $0xFFFFC000  }
0x246: {  	[tilespmem:s11], [sflag:$0x5] =	stream.indirect.gather [hbm4b:s23+s4], $0x20, s28, s4, $0xb8;
	[tilespmem:$0x1B400] =	vst v63  }
0x247: {  	_ =	swait.ge [sflag:s12], $0x4000  }
0x248: {  	s24 =	sld [smem:$0x7F5]  }
0x249: {  	[sflag:s12] =	ssyncset.done $0x0  }
0x24a: {  	[sflag:s12] =	ssyncadd.s32 $0xFFFFC000  }
0x24b: {  	[hbm4b:s24+s1] =	stream.linear.scatter [tilespmem:s7], [sflag:$0x9], $0x4000, $0x38;
	[tilespmem:$0x1B400] =	vst v63  }
0x24c: {  	_ =	swait.ge [sflag:s22], $0x4000  }
0x24d: {  	s23 =	sld [smem:$0x7F6]  }
0x24e: {  	[sflag:s22] =	ssyncset.done $0x0  }
0x24f: {  	[sflag:s22] =	ssyncadd.s32 $0xFFFFC000  }
0x250: {  	[tilespmem:s14], [sflag:$0x6] =	stream.indirect.gather [hbm4b:s23+s4], $0x20, s29, s4, $0xb8;
	[tilespmem:$0x1B400] =	vst v63  }
0x251: {  	_ =	swait.ge [sflag:s15], $0x4000  }
0x252: {  	s24 =	sld [smem:$0x7F7]  }
0x253: {  	[sflag:s15] =	ssyncset.done $0x0  }
0x254: {  	[sflag:s15] =	ssyncadd.s32 $0xFFFFC000  }
0x255: {  	[hbm4b:s24+s1] =	stream.linear.scatter [tilespmem:s9], [sflag:$0xA], $0x4000, $0x38;
	[tilespmem:$0x1B400] =	vst v63  }
0x256: {  	_ =	swait.ge [sflag:s13], $0x4000  }
0x257: {  	s23 =	sld [smem:$0x7F8]  }
0x258: {  	[sflag:s13] =	ssyncset.done $0x0  }
0x259: {  	[sflag:s13] =	ssyncadd.s32 $0xFFFFC000  }
0x25a: {  	[tilespmem:s5], [sflag:$0x1] =	stream.indirect.gather [hbm4b:s23+s4], $0x20, s30, s4, $0xb8;
	[tilespmem:$0x1B400] =	vst v63  }
0x25b: {  	_ =	swait.ge [sflag:s17], $0x4000  }
0x25c: {  	s24 =	sld [smem:$0x7F9]  }
0x25d: {  	[sflag:s17] =	ssyncset.done $0x0  }
0x25e: {  	[sflag:s17] =	ssyncadd.s32 $0xFFFFC000  }
0x25f: {  	[hbm4b:s24+s1] =	stream.linear.scatter [tilespmem:s11], [sflag:$0xB], $0x4000, $0x38;
	[tilespmem:$0x1B400] =	vst v63  }
0x260: {  	_ =	swait.ge [sflag:s16], $0x4000  }
0x261: {  	s23 =	sld [smem:$0x7FA]  }
0x262: {  	[sflag:s16] =	ssyncset.done $0x0  }
0x263: {  	[sflag:s16] =	ssyncadd.s32 $0xFFFFC000  }
0x264: {  	[tilespmem:s6], [sflag:$0x2] =	stream.indirect.gather [hbm4b:s23+s4], $0x20, s31, s4, $0xb8;
	[tilespmem:$0x1B400] =	vst v63  }
0x265: {  	_ =	swait.ge [sflag:s18], $0x4000  }
0x266: {  	s24 =	sld [smem:$0x7FB]  }
0x267: {  	[sflag:s18] =	ssyncset.done $0x0  }
0x268: {  	[sflag:s18] =	ssyncadd.s32 $0xFFFFC000  }
0x269: {  	[hbm4b:s24+s1] =	stream.linear.scatter [tilespmem:s14], [sflag:$0xC], $0x4000, $0x38;
	[tilespmem:$0x1B400] =	vst v63  }
0x26a: {  	_ =	swait.ge [sflag:s8], $0x4000  }
0x26b: {  	s23 =	sld [smem:$0x7FC]  }
0x26c: {  	[sflag:s8] =	ssyncset.done $0x0  }
0x26d: {  	[sflag:s8] =	ssyncadd.s32 $0xFFFFC000  }
0x26e: {  	[hbm4b:s23+s1] =	stream.linear.scatter [tilespmem:s5], [sflag:$0x7], $0x4000, $0x38;
	[tilespmem:$0x1B400] =	vst v63  }
0x26f: {  	_ =	swait.ge [sflag:s10], $0x4000  }
0x270: {  	s24 =	sld [smem:$0x7FD]  }
0x271: {  	[sflag:s10] =	ssyncset.done $0x0  }
0x272: {  	p0 =	sne.s32 s2, $0x1;
	[sflag:s10] =	ssyncadd.s32 $0xFFFFC000  }
0x273: {  	[hbm4b:s24+s1] =	stream.linear.scatter [tilespmem:s6], [sflag:$0x8], $0x4000, $0x38;
	[tilespmem:$0x1B400] =	vst v63  }
.Ltmp1:
0x274: {  	_ =	swait.ge [sflag:s19], $0x4000;
	(pc) =	sbr.rel @p0 .LBB3_1-.Ltmp1, $4  }
0x275: {  	[sflag:s19] =	ssyncset.done $0x0  }
0x276: {  	[sflag:s19] =	ssyncadd.s32 $0xFFFFC000  }
0x277: {  	_ =	swait.ge [sflag:s20], $0x4000  }
0x278: {  	s2 =	sadd.s32 $0xFFFFFFFF, s2;
	[sflag:s20] =	ssyncset.done $0x0  }
.LBB3_2:
0x279: {  	[sflag:s20] =	ssyncadd.s32 $0xFFFFC000  }
0x27a: {  	_ =	swait.ge [sflag:s21], $0x4000  }
0x27b: {  	[sflag:s21] =	ssyncset.done $0x0  }
0x27c: {  	[sflag:s21] =	ssyncadd.s32 $0xFFFFC000  }
0x27d: {  	_ =	swait.ge [sflag:s22], $0x4000  }
0x27e: {  	[sflag:s22] =	ssyncset.done $0x0  }
0x27f: {  	[sflag:s22] =	ssyncadd.s32 $0xFFFFC000  }
0x280: {  	_ =	swait.ge [sflag:s13], $0x4000  }
0x281: {  	[sflag:s13] =	ssyncset.done $0x0  }
0x282: {  	[sflag:s13] =	ssyncadd.s32 $0xFFFFC000  }
0x283: {  	_ =	swait.ge [sflag:s16], $0x4000  }
0x284: {  	[sflag:s16] =	ssyncset.done $0x0  }
0x285: {  	[sflag:s16] =	ssyncadd.s32 $0xFFFFC000  }
0x286: {  	_ =	sfence.sel $0x180000  }
0x287: {  	[bflag:$0x0] =	sbarrier.arrive $0xFFFF  }
0x288: {  	_ =	strace $0x90000047  }
0x289: {  	s0 =	stileid.u32;
	[bflag:$0x2] =	sbarrier.arrive $0xFFFF  }
0x28a: {  	p0 =	sne.s32 s0, $0x0;
	s0 =	sld [smem:$0x7CA];
	_ =	sdelay $0x2  }
0x28b: {  	s0 =	sadd.s32 @!p0 $0x100000, s0  }
0x28c: {  	[sflag:s0] =	ssyncadd.tile.s32 @!p0 $0x1;
	_ =	shalt  }
.Lfunc_end3:
_tile_overlayer_lowered:
.L_overlay_start_3:
0x28d: {  	(tag) =	ssettag $0x3  }
0x28e: {  	s0 =	rddreg [dreg:$0x0];
	s2 =	stileid.u32  }
0x28f: {  	s1 =	rddreg [dreg:$0x1];
	p0 =	sne.s32 s2, $0x0  }
0x290: {  	s3 =	rddreg [dreg:$0x2];
	[bflag:$0x3] =	sbarrier.arrive $0xFFFF;
	s2 =	simm.s32 @!p0 $0x1C0D  }
0x291: {  	[timem:s3], [sflag:s2] =	dma.local @!p0 [hbm:s0], s1  }
0x292: {  	s0 =	simm.s32 @!p0 $0xD  }
0x293: {  	_ =	swait.ge @!p0 [sflag:s0], s1  }
0x294: {  	s1 =	ssub.s32 @!p0 $0x0, s1;
	[sflag:s0] =	ssyncset.done @!p0 $0x0  }
0x295: {  	[sflag:s0] =	ssyncadd.s32 @!p0 s1  }
0x296: {  	[bflag:$0x3] =	sbarrier.arrive $0xFFFF  }
0x297: {  	_ =	shalt  }

</sc_bundles>
